<compile_context>
chip_gen: v7x
topology: tpu7x:2x2x1
jax: 0.10.2.dev20260603
libtpu: 0.0.44.dev20260713+nightly
codegen_flags: <defaults>
</compile_context>

<pallas_src>
import functools
import jax
import jax.numpy as jnp
from jax import lax
from jax.experimental import pallas as pl
from jax.experimental.pallas import tpu as pltpu
from jax.experimental.pallas import tpu_sc as plsc

BATCH = 1024
IN_FEATURES = 128
OUT_FEATURES = 128
GRID_SIZE = 8
MIN_VALUE = -2.0
MAX_VALUE = 2.0

NW = 32
B_PER_W = BATCH // NW
NCHUNK = OUT_FEATURES // 16


def _sc_body(x_hbm, basis_hbm, bias_hbm, out_hbm,
             x_v, bias_v, idx_l, idx_r, w_l, w_r, rows_l, rows_r, out_v, sem):
    wid = lax.axis_index("s") * 2 + lax.axis_index("c")
    base = wid * B_PER_W
    pltpu.sync_copy(x_hbm.at[pl.ds(base, B_PER_W)], x_v)
    pltpu.sync_copy(bias_hbm, bias_v)

    def per_batch(b, _):
        def prep(ii, _):
            xv = x_v[b, pl.ds(ii * 16, 16)]
            scaled = (jnp.clip(xv, MIN_VALUE, MAX_VALUE) - MIN_VALUE) * (
                (GRID_SIZE - 1) / (MAX_VALUE - MIN_VALUE)
            )
            li = jnp.minimum(scaled.astype(jnp.int32), GRID_SIZE - 2)
            rw = scaled - li.astype(jnp.float32)
            i_glob = lax.iota(jnp.int32, 16) + ii * 16
            kl = i_glob * GRID_SIZE + li
            idx_l[pl.ds(ii * 16, 16)] = kl
            idx_r[pl.ds(ii * 16, 16)] = kl + 1
            w_r[pl.ds(ii * 16, 16)] = rw
            w_l[pl.ds(ii * 16, 16)] = 1.0 - rw
            return 0

        lax.fori_loop(0, NCHUNK, prep, 0)

        pltpu.async_copy(basis_hbm.at[idx_l], rows_l, sem).wait()
        pltpu.async_copy(basis_hbm.at[idx_r], rows_r, sem).wait()

        def accum(ii, acc):
            lwv = w_l[pl.ds(ii * 16, 16)]
            rwv = w_r[pl.ds(ii * 16, 16)]
            for j in range(16):
                i = ii * 16 + j
                lw = lwv[j]
                rw = rwv[j]
                acc = tuple(
                    acc[c] + lw * rows_l[i, pl.ds(c * 16, 16)]
                    + rw * rows_r[i, pl.ds(c * 16, 16)]
                    for c in range(NCHUNK)
                )
            return acc

        acc0 = tuple(bias_v[pl.ds(c * 16, 16)] for c in range(NCHUNK))
        acc = lax.fori_loop(0, IN_FEATURES // 16, accum, acc0)
        for c in range(NCHUNK):
            out_v[b, pl.ds(c * 16, 16)] = acc[c]
        return 0

    lax.fori_loop(0, B_PER_W, per_batch, 0)
    pltpu.sync_copy(out_v, out_hbm.at[pl.ds(base, B_PER_W)])


def kernel(inputs, basis, bias):
    basis_rows = basis.reshape(OUT_FEATURES, IN_FEATURES * GRID_SIZE).T
    mesh = plsc.VectorSubcoreMesh(core_axis_name="c", subcore_axis_name="s")
    call = functools.partial(
        pl.kernel,
        mesh=mesh,
        out_type=jax.ShapeDtypeStruct((BATCH, OUT_FEATURES), jnp.float32),
        scratch_types=[
            pltpu.VMEM((B_PER_W, IN_FEATURES), jnp.float32),
            pltpu.VMEM((OUT_FEATURES,), jnp.float32),
            pltpu.VMEM((IN_FEATURES,), jnp.int32),
            pltpu.VMEM((IN_FEATURES,), jnp.int32),
            pltpu.VMEM((IN_FEATURES,), jnp.float32),
            pltpu.VMEM((IN_FEATURES,), jnp.float32),
            pltpu.VMEM((IN_FEATURES, OUT_FEATURES), jnp.float32),
            pltpu.VMEM((IN_FEATURES, OUT_FEATURES), jnp.float32),
            pltpu.VMEM((B_PER_W, OUT_FEATURES), jnp.float32),
            pltpu.SemaphoreType.DMA,
        ],
    )(_sc_body)
    return call(inputs, basis_rows, bias)

# --- scband reference (transcript-rebuilt; emitter-appended) ---
"""Pipeline reference for scband-piecewise-linear-kanlayer-29918742184609 (READ-ONLY COPY).

The authoritative reference and input builder live on the scoring server;
editing this copy changes nothing except your own understanding.
"""

import jax, jax.numpy as jnp
import numpy as np

BATCH = 1024
IN_FEATURES = 128
OUT_FEATURES = 128
GRID_SIZE = 8
MIN_VALUE = -2.0
MAX_VALUE = 2.0


def setup_inputs(seed: int = 0) -> dict:
    key = jax.random.key(seed)
    k1, k2 = jax.random.split(key)
    inputs = jax.random.normal(k1, (BATCH, IN_FEATURES), dtype=jnp.float32)
    basis = jax.random.normal(k2, (OUT_FEATURES, IN_FEATURES, GRID_SIZE), dtype=jnp.float32) * 0.02
    bias = jnp.zeros((OUT_FEATURES,), dtype=jnp.float32)
    return {"inputs": inputs, "basis": basis, "bias": bias}


def reference(inputs, basis, bias):
    # clamp input to [min, max]
    clipped = jnp.clip(inputs, MIN_VALUE, MAX_VALUE)
    # rescale to grid coordinates [0, grid_size-1]
    scaled = (clipped - MIN_VALUE) / (MAX_VALUE - MIN_VALUE) * (GRID_SIZE - 1)
    # integer left knot index (non-differentiable), clamped so right index is valid
    left_index = jnp.minimum(jnp.floor(scaled).astype(jnp.int32), GRID_SIZE - 2)  # [B, I]
    right_index = left_index + 1
    right_weight = scaled - left_index.astype(jnp.float32)  # [B, I]
    left_weight = 1.0 - right_weight
    # gather basis values: basis[o, i, left_index[b, i]] for every (b, o, i)
    basisT = jnp.transpose(basis, (1, 2, 0))  # [I, G, O]
    i_idx = jnp.arange(IN_FEATURES)[None, :]  # [1, I] broadcasts against [B, I]
    left_values = basisT[i_idx, left_index]   # [B, I, O] gather
    right_values = basisT[i_idx, right_index]  # [B, I, O] gather
    mixed = left_weight[..., None] * left_values + right_weight[..., None] * right_values  # [B, I, O]
    out = mixed.sum(axis=1) + bias  # [B, O]
    return out

if __name__ == "__main__":
    import jax
    _d = setup_inputs()
    print(jax.jit(kernel)(*tuple(_d.values())))

</pallas_src>

<mosaic_0001>
#map = affine_map<(d0, d1) -> (0, 0)>
#map1 = affine_map<(d0, d1) -> (0)>
module attributes {stable_mosaic.version = 14 : i64} {
  func.func @_sc_body(%arg0: i32, %arg1: i32, %arg2: memref<1024x128xf32, #tpu.memory_space<hbm>>, %arg3: memref<1024x128xf32, #tpu.memory_space<hbm>>, %arg4: memref<128xf32, #tpu.memory_space<hbm>>, %arg5: memref<1024x128xf32, #tpu.memory_space<hbm>>, %arg6: memref<32x128xf32, #tpu.memory_space<vmem>>, %arg7: memref<128xf32, #tpu.memory_space<vmem>>, %arg8: memref<128xi32, #tpu.memory_space<vmem>>, %arg9: memref<128xi32, #tpu.memory_space<vmem>>, %arg10: memref<128xf32, #tpu.memory_space<vmem>>, %arg11: memref<128xf32, #tpu.memory_space<vmem>>, %arg12: memref<128x128xf32, #tpu.memory_space<vmem>>, %arg13: memref<128x128xf32, #tpu.memory_space<vmem>>, %arg14: memref<32x128xf32, #tpu.memory_space<vmem>>, %arg15: memref<!tpu.dma_semaphore, #tpu.memory_space<semaphore_mem>>) attributes {dimension_semantics = [#tpu.dimension_semantics<core_parallel>, #tpu.dimension_semantics<subcore_parallel>], iteration_bounds = array<i64: 2, 16>, scalar_prefetch = 0 : i64, scratch_operands = 10 : i64, tpu.core_type = #tpu.core_type<sc_vector_subcore>, window_params = [{transform_indices = #map}, {transform_indices = #map}, {transform_indices = #map1}, {transform_indices = #map}]} {
    %mul3A = arith.constant 2 : i32
    %mul3A_0 = arith.muli %arg1, %mul3A : i32
    %add3A = arith.addi %mul3A_0, %arg0 : i32
    %mul3A_1 = arith.constant 32 : i32
    %mul3A_2 = arith.muli %add3A, %mul3A_1 : i32
    "tpu.region"() ({
      %run_scoped3A = tpu.sem_alloc : memref<!tpu.dma_semaphore, #tpu.memory_space<semaphore_mem>>
      %dma_start3A = arith.constant 0 : i32
      %dma_start3A_9 = tpu.memref_slice %arg2[%mul3A_2, %dma_start3A] : memref<1024x128xf32, #tpu.memory_space<hbm>> -> memref<32x128xf32, #tpu.memory_space<hbm>>
      %dma_start3A_10 = arith.constant 0 : i32
      %dma_start3A_11 = tpu.memref_slice %arg2[%mul3A_2, %dma_start3A_10] : memref<1024x128xf32, #tpu.memory_space<hbm>> -> memref<32x128xf32, #tpu.memory_space<hbm>>
      tpu.enqueue_dma source(%dma_start3A_11 : memref<32x128xf32, #tpu.memory_space<hbm>>) target(%arg6 : memref<32x128xf32, #tpu.memory_space<vmem>>) target_semaphore(%run_scoped3A : memref<!tpu.dma_semaphore, #tpu.memory_space<semaphore_mem>>)
      %dma_wait3A = arith.constant 0 : i32
      %dma_wait3A_12 = tpu.memref_slice %arg2[%mul3A_2, %dma_wait3A] : memref<1024x128xf32, #tpu.memory_space<hbm>> -> memref<32x128xf32, #tpu.memory_space<hbm>>
      %dma_wait3A_13 = arith.constant 0 : i32
      %dma_wait3A_14 = tpu.memref_slice %arg2[%mul3A_2, %dma_wait3A_13] : memref<1024x128xf32, #tpu.memory_space<hbm>> -> memref<32x128xf32, #tpu.memory_space<hbm>>
      tpu.wait_dma2 semaphore(%run_scoped3A : memref<!tpu.dma_semaphore, #tpu.memory_space<semaphore_mem>>) src(%dma_wait3A_14 : memref<32x128xf32, #tpu.memory_space<hbm>>) dst(%arg6 : memref<32x128xf32, #tpu.memory_space<vmem>>)
      tpu.yield
    }) : () -> ()
    "tpu.region"() ({
      %run_scoped3A = tpu.sem_alloc : memref<!tpu.dma_semaphore, #tpu.memory_space<semaphore_mem>>
      tpu.enqueue_dma source(%arg4 : memref<128xf32, #tpu.memory_space<hbm>>) target(%arg7 : memref<128xf32, #tpu.memory_space<vmem>>) target_semaphore(%run_scoped3A : memref<!tpu.dma_semaphore, #tpu.memory_space<semaphore_mem>>)
      tpu.wait_dma2 semaphore(%run_scoped3A : memref<!tpu.dma_semaphore, #tpu.memory_space<semaphore_mem>>) src(%arg4 : memref<128xf32, #tpu.memory_space<hbm>>) dst(%arg7 : memref<128xf32, #tpu.memory_space<vmem>>)
      tpu.yield
    }) : () -> ()
    %scan3A = arith.constant 0 : i32
    %scan3A_3 = arith.constant 0 : i32
    %scan3A_4 = arith.constant 32 : i32
    %scan3A_5 = arith.addi %scan3A_3, %scan3A_4 : i32
    %scan3A_6 = arith.constant 1 : i32
    %scan3A_7 = scf.for %scan3A_9 = %scan3A_3 to %scan3A_5 step %scan3A_6 iter_args(%scan3A_10 = %scan3A) -> (i32)  : i32 {
      %scan3A_11 = arith.constant 0 : i32
      %scan3A_12 = arith.constant 0 : i32
      %scan3A_13 = arith.constant 8 : i32
      %scan3A_14 = arith.addi %scan3A_12, %scan3A_13 : i32
      %scan3A_15 = arith.constant 1 : i32
      %scan3A_16 = scf.for %scan3A_97 = %scan3A_12 to %scan3A_14 step %scan3A_15 iter_args(%scan3A_98 = %scan3A_11) -> (i32)  : i32 {
        %mul3A_99 = arith.constant 16 : i32
        %mul3A_100 = arith.muli %scan3A_97, %mul3A_99 : i32
        %get3A_101 = arith.index_cast %scan3A_9 : i32 to index
        %get3A_102 = arith.index_cast %mul3A_100 : i32 to index
        %get3A_103 = tpu.vector_load %arg6[%get3A_101, %get3A_102] {strides = array<i32>} : memref<32x128xf32, #tpu.memory_space<vmem>>, vector<1x16xf32>,
        %get3A_104 = vector.shape_cast %get3A_103 : vector<1x16xf32> to vector<16xf32>
        %jit3A = arith.constant -2.000000e+00 : f32
        %jit3A_105 = arith.constant 2.000000e+00 : f32
        %max3A = vector.broadcast %jit3A : f32 to vector<16xf32>
        %max3A_106 = arith.maximumf %max3A, %get3A_104 : vector<16xf32>
        %min3A = vector.broadcast %jit3A_105 : f32 to vector<16xf32>
        %min3A_107 = arith.minimumf %min3A, %max3A_106 : vector<16xf32>
        %sub3A = arith.constant -2.000000e+00 : f32
        %sub3A_108 = vector.broadcast %sub3A : f32 to vector<16xf32>
        %sub3A_109 = arith.subf %min3A_107, %sub3A_108 : vector<16xf32>
        %mul3A_110 = arith.constant 1.750000e+00 : f32
        %mul3A_111 = vector.broadcast %mul3A_110 : f32 to vector<16xf32>
        %mul3A_112 = arith.mulf %sub3A_109, %mul3A_111 : vector<16xf32>
        %convert_element_type3A = arith.fptosi %mul3A_112 : vector<16xf32> to vector<16xi32>
        %min3A_113 = arith.constant 6 : i32
        %min3A_114 = vector.broadcast %min3A_113 : i32 to vector<16xi32>
        %min3A_115 = arith.minsi %convert_element_type3A, %min3A_114 : vector<16xi32>
        %convert_element_type3A_116 = arith.sitofp %min3A_115 : vector<16xi32> to vector<16xf32>
        %sub3A_117 = arith.subf %mul3A_112, %convert_element_type3A_116 : vector<16xf32>
        %iota3A = tpu.iota {dimensions = array<i32: 0>} : vector<16xi32>
        %mul3A_118 = arith.constant 16 : i32
        %mul3A_119 = arith.muli %scan3A_97, %mul3A_118 : i32
        %add3A_120 = vector.broadcast %mul3A_119 : i32 to vector<16xi32>
        %add3A_121 = arith.addi %iota3A, %add3A_120 : vector<16xi32>
        %mul3A_122 = arith.constant 8 : i32
        %mul3A_123 = vector.broadcast %mul3A_122 : i32 to vector<16xi32>
        %mul3A_124 = arith.muli %add3A_121, %mul3A_123 : vector<16xi32>
        %add3A_125 = arith.addi %mul3A_124, %min3A_115 : vector<16xi32>
        %mul3A_126 = arith.constant 16 : i32
        %mul3A_127 = arith.muli %scan3A_97, %mul3A_126 : i32
        %swap3A_128 = arith.index_cast %mul3A_127 : i32 to index
        %swap3A_129 = tpu.vector_load %arg8[%swap3A_128] {strides = array<i32>} : memref<128xi32, #tpu.memory_space<vmem>>, vector<16xi32>,
        %swap3A_130 = vector.shape_cast %swap3A_129 : vector<16xi32> to vector<16xi32>
        %swap3A_131 = vector.shape_cast %add3A_125 : vector<16xi32> to vector<16xi32>
        tpu.vector_store %arg8[%swap3A_128], %swap3A_131 {strides = array<i32>} : memref<128xi32, #tpu.memory_space<vmem>>, vector<16xi32>,
        %add3A_132 = arith.constant 1 : i32
        %add3A_133 = vector.broadcast %add3A_132 : i32 to vector<16xi32>
        %add3A_134 = arith.addi %add3A_125, %add3A_133 : vector<16xi32>
        %mul3A_135 = arith.constant 16 : i32
        %mul3A_136 = arith.muli %scan3A_97, %mul3A_135 : i32
        %swap3A_137 = arith.index_cast %mul3A_136 : i32 to index
        %swap3A_138 = tpu.vector_load %arg9[%swap3A_137] {strides = array<i32>} : memref<128xi32, #tpu.memory_space<vmem>>, vector<16xi32>,
        %swap3A_139 = vector.shape_cast %swap3A_138 : vector<16xi32> to vector<16xi32>
        %swap3A_140 = vector.shape_cast %add3A_134 : vector<16xi32> to vector<16xi32>
        tpu.vector_store %arg9[%swap3A_137], %swap3A_140 {strides = array<i32>} : memref<128xi32, #tpu.memory_space<vmem>>, vector<16xi32>,
        %mul3A_141 = arith.constant 16 : i32
        %mul3A_142 = arith.muli %scan3A_97, %mul3A_141 : i32
        %swap3A_143 = arith.index_cast %mul3A_142 : i32 to index
        %swap3A_144 = tpu.vector_load %arg11[%swap3A_143] {strides = array<i32>} : memref<128xf32, #tpu.memory_space<vmem>>, vector<16xf32>,
        %swap3A_145 = vector.shape_cast %swap3A_144 : vector<16xf32> to vector<16xf32>
        %swap3A_146 = vector.shape_cast %sub3A_117 : vector<16xf32> to vector<16xf32>
        tpu.vector_store %arg11[%swap3A_143], %swap3A_146 {strides = array<i32>} : memref<128xf32, #tpu.memory_space<vmem>>, vector<16xf32>,
        %sub3A_147 = arith.constant 1.000000e+00 : f32
        %sub3A_148 = vector.broadcast %sub3A_147 : f32 to vector<16xf32>
        %sub3A_149 = arith.subf %sub3A_148, %sub3A_117 : vector<16xf32>
        %mul3A_150 = arith.constant 16 : i32
        %mul3A_151 = arith.muli %scan3A_97, %mul3A_150 : i32
        %swap3A_152 = arith.index_cast %mul3A_151 : i32 to index
        %swap3A_153 = tpu.vector_load %arg10[%swap3A_152] {strides = array<i32>} : memref<128xf32, #tpu.memory_space<vmem>>, vector<16xf32>,
        %swap3A_154 = vector.shape_cast %swap3A_153 : vector<16xf32> to vector<16xf32>
        %swap3A_155 = vector.shape_cast %sub3A_149 : vector<16xf32> to vector<16xf32>
        tpu.vector_store %arg10[%swap3A_152], %swap3A_155 {strides = array<i32>} : memref<128xf32, #tpu.memory_space<vmem>>, vector<16xf32>,
        %scan3A_156 = arith.constant 0 : i32
        scf.yield %scan3A_156 : i32
      }
      %scan3A_17 = arith.constant 8 : i32
      %dma_start3A = arith.constant 0 : i32
      %dma_start3A_18 = arith.constant 0 : i32
      %dma_start3A_19 = tpu.memref_slice %arg3[%dma_start3A, %dma_start3A_18] : memref<1024x128xf32, #tpu.memory_space<hbm>> -> memref<1024x128xf32, #tpu.memory_space<hbm>>
      tpu.enqueue_indirect_dma source(%dma_start3A_19 : memref<1024x128xf32, #tpu.memory_space<hbm>>) target(%arg12 : memref<128x128xf32, #tpu.memory_space<vmem>>) offsets(%arg8 : memref<128xi32, #tpu.memory_space<vmem>>) semaphore(%arg15 : memref<!tpu.dma_semaphore, #tpu.memory_space<semaphore_mem>>)
      %dma_wait3A = arith.constant 0 : i32
      %dma_wait3A_20 = arith.constant 0 : i32
      %dma_wait3A_21 = tpu.memref_slice %arg3[%dma_wait3A, %dma_wait3A_20] : memref<1024x128xf32, #tpu.memory_space<hbm>> -> memref<1024x128xf32, #tpu.memory_space<hbm>>
      tpu.wait_indirect_dma semaphore(%arg15 : memref<!tpu.dma_semaphore, #tpu.memory_space<semaphore_mem>>) src(%dma_wait3A_21 : memref<1024x128xf32, #tpu.memory_space<hbm>>) dst(%arg12 : memref<128x128xf32, #tpu.memory_space<vmem>>)
      %dma_start3A_22 = arith.constant 0 : i32
      %dma_start3A_23 = arith.constant 0 : i32
      %dma_start3A_24 = tpu.memref_slice %arg3[%dma_start3A_22, %dma_start3A_23] : memref<1024x128xf32, #tpu.memory_space<hbm>> -> memref<1024x128xf32, #tpu.memory_space<hbm>>
      tpu.enqueue_indirect_dma source(%dma_start3A_24 : memref<1024x128xf32, #tpu.memory_space<hbm>>) target(%arg13 : memref<128x128xf32, #tpu.memory_space<vmem>>) offsets(%arg9 : memref<128xi32, #tpu.memory_space<vmem>>) semaphore(%arg15 : memref<!tpu.dma_semaphore, #tpu.memory_space<semaphore_mem>>)
      %dma_wait3A_25 = arith.constant 0 : i32
      %dma_wait3A_26 = arith.constant 0 : i32
      %dma_wait3A_27 = tpu.memref_slice %arg3[%dma_wait3A_25, %dma_wait3A_26] : memref<1024x128xf32, #tpu.memory_space<hbm>> -> memref<1024x128xf32, #tpu.memory_space<hbm>>
      tpu.wait_indirect_dma semaphore(%arg15 : memref<!tpu.dma_semaphore, #tpu.memory_space<semaphore_mem>>) src(%dma_wait3A_27 : memref<1024x128xf32, #tpu.memory_space<hbm>>) dst(%arg13 : memref<128x128xf32, #tpu.memory_space<vmem>>)
      %get3A = arith.constant 0 : index
      %get3A_28 = tpu.vector_load %arg7[%get3A] {strides = array<i32>} : memref<128xf32, #tpu.memory_space<vmem>>, vector<16xf32>,
      %get3A_29 = vector.shape_cast %get3A_28 : vector<16xf32> to vector<16xf32>
      %get3A_30 = arith.constant 16 : index
      %get3A_31 = tpu.vector_load %arg7[%get3A_30] {strides = array<i32>} : memref<128xf32, #tpu.memory_space<vmem>>, vector<16xf32>,
      %get3A_32 = vector.shape_cast %get3A_31 : vector<16xf32> to vector<16xf32>
      %get3A_33 = arith.constant 32 : index
      %get3A_34 = tpu.vector_load %arg7[%get3A_33] {strides = array<i32>} : memref<128xf32, #tpu.memory_space<vmem>>, vector<16xf32>,
      %get3A_35 = vector.shape_cast %get3A_34 : vector<16xf32> to vector<16xf32>
      %get3A_36 = arith.constant 48 : index
      %get3A_37 = tpu.vector_load %arg7[%get3A_36] {strides = array<i32>} : memref<128xf32, #tpu.memory_space<vmem>>, vector<16xf32>,
      %get3A_38 = vector.shape_cast %get3A_37 : vector<16xf32> to vector<16xf32>
      %get3A_39 = arith.constant 64 : index
      %get3A_40 = tpu.vector_load %arg7[%get3A_39] {strides = array<i32>} : memref<128xf32, #tpu.memory_space<vmem>>, vector<16xf32>,
      %get3A_41 = vector.shape_cast %get3A_40 : vector<16xf32> to vector<16xf32>
      %get3A_42 = arith.constant 80 : index
      %get3A_43 = tpu.vector_load %arg7[%get3A_42] {strides = array<i32>} : memref<128xf32, #tpu.memory_space<vmem>>, vector<16xf32>,
      %get3A_44 = vector.shape_cast %get3A_43 : vector<16xf32> to vector<16xf32>
      %get3A_45 = arith.constant 96 : index
      %get3A_46 = tpu.vector_load %arg7[%get3A_45] {strides = array<i32>} : memref<128xf32, #tpu.memory_space<vmem>>, vector<16xf32>,
      %get3A_47 = vector.shape_cast %get3A_46 : vector<16xf32> to vector<16xf32>
      %get3A_48 = arith.constant 112 : index
      %get3A_49 = tpu.vector_load %arg7[%get3A_48] {strides = array<i32>} : memref<128xf32, #tpu.memory_space<vmem>>, vector<16xf32>,
      %get3A_50 = vector.shape_cast %get3A_49 : vector<16xf32> to vector<16xf32>
      %scan3A_51 = arith.constant 0 : i32
      %scan3A_52 = arith.constant 8 : i32
      %scan3A_53 = arith.addi %scan3A_51, %scan3A_52 : i32
      %scan3A_54 = arith.constant 1 : i32
      %scan3A_55:8 = scf.for %scan3A_97 = %scan3A_51 to %scan3A_53 step %scan3A_54 iter_args(%scan3A_98 = %get3A_29, %scan3A_99 = %get3A_32, %scan3A_100 = %get3A_35, %scan3A_101 = %get3A_38, %scan3A_102 = %get3A_41, %scan3A_103 = %get3A_44, %scan3A_104 = %get3A_47, %scan3A_105 = %get3A_50) -> (vector<16xf32>, vector<16xf32>, vector<16xf32>, vector<16xf32>, vector<16xf32>, vector<16xf32>, vector<16xf32>, vector<16xf32>)  : i32 {
        %mul3A_106 = arith.constant 16 : i32
        %mul3A_107 = arith.muli %scan3A_97, %mul3A_106 : i32
        %get3A_108 = arith.index_cast %mul3A_107 : i32 to index
        %get3A_109 = tpu.vector_load %arg10[%get3A_108] {strides = array<i32>} : memref<128xf32, #tpu.memory_space<vmem>>, vector<16xf32>,
        %get3A_110 = vector.shape_cast %get3A_109 : vector<16xf32> to vector<16xf32>
        %mul3A_111 = arith.constant 16 : i32
        %mul3A_112 = arith.muli %scan3A_97, %mul3A_111 : i32
        %get3A_113 = arith.index_cast %mul3A_112 : i32 to index
        %get3A_114 = tpu.vector_load %arg11[%get3A_113] {strides = array<i32>} : memref<128xf32, #tpu.memory_space<vmem>>, vector<16xf32>,
        %get3A_115 = vector.shape_cast %get3A_114 : vector<16xf32> to vector<16xf32>
        %mul3A_116 = arith.constant 16 : i32
        %mul3A_117 = arith.muli %scan3A_97, %mul3A_116 : i32
        %add3A_118 = arith.constant 0 : i32
        %add3A_119 = arith.addi %mul3A_117, %add3A_118 : i32
        %slice3A = vector.extract_strided_slice %get3A_110 {offsets = [0], sizes = [1], strides = [1]} : vector<16xf32> to vector<1xf32>
        %squeeze3A = vector.extract %slice3A[0] : f32 from vector<1xf32>
        %slice3A_120 = vector.extract_strided_slice %get3A_115 {offsets = [0], sizes = [1], strides = [1]} : vector<16xf32> to vector<1xf32>
        %squeeze3A_121 = vector.extract %slice3A_120[0] : f32 from vector<1xf32>
        %get3A_122 = arith.index_cast %add3A_119 : i32 to index
        %get3A_123 = arith.constant 0 : index
        %get3A_124 = tpu.vector_load %arg12[%get3A_122, %get3A_123] {strides = array<i32>} : memref<128x128xf32, #tpu.memory_space<vmem>>, vector<1x16xf32>,
        %get3A_125 = vector.shape_cast %get3A_124 : vector<1x16xf32> to vector<16xf32>
        %mul3A_126 = vector.broadcast %squeeze3A : f32 to vector<16xf32>
        %mul3A_127 = arith.mulf %mul3A_126, %get3A_125 : vector<16xf32>
        %add3A_128 = arith.addf %scan3A_98, %mul3A_127 : vector<16xf32>
        %get3A_129 = arith.index_cast %add3A_119 : i32 to index
        %get3A_130 = arith.constant 0 : index
        %get3A_131 = tpu.vector_load %arg13[%get3A_129, %get3A_130] {strides = array<i32>} : memref<128x128xf32, #tpu.memory_space<vmem>>, vector<1x16xf32>,
        %get3A_132 = vector.shape_cast %get3A_131 : vector<1x16xf32> to vector<16xf32>
        %mul3A_133 = vector.broadcast %squeeze3A_121 : f32 to vector<16xf32>
        %mul3A_134 = arith.mulf %mul3A_133, %get3A_132 : vector<16xf32>
        %add3A_135 = arith.addf %add3A_128, %mul3A_134 : vector<16xf32>
        %get3A_136 = arith.index_cast %add3A_119 : i32 to index
        %get3A_137 = arith.constant 16 : index
        %get3A_138 = tpu.vector_load %arg12[%get3A_136, %get3A_137] {strides = array<i32>} : memref<128x128xf32, #tpu.memory_space<vmem>>, vector<1x16xf32>,
        %get3A_139 = vector.shape_cast %get3A_138 : vector<1x16xf32> to vector<16xf32>
        %mul3A_140 = vector.broadcast %squeeze3A : f32 to vector<16xf32>
        %mul3A_141 = arith.mulf %mul3A_140, %get3A_139 : vector<16xf32>
        %add3A_142 = arith.addf %scan3A_99, %mul3A_141 : vector<16xf32>
        %get3A_143 = arith.index_cast %add3A_119 : i32 to index
        %get3A_144 = arith.constant 16 : index
        %get3A_145 = tpu.vector_load %arg13[%get3A_143, %get3A_144] {strides = array<i32>} : memref<128x128xf32, #tpu.memory_space<vmem>>, vector<1x16xf32>,
        %get3A_146 = vector.shape_cast %get3A_145 : vector<1x16xf32> to vector<16xf32>
        %mul3A_147 = vector.broadcast %squeeze3A_121 : f32 to vector<16xf32>
        %mul3A_148 = arith.mulf %mul3A_147, %get3A_146 : vector<16xf32>
        %add3A_149 = arith.addf %add3A_142, %mul3A_148 : vector<16xf32>
        %get3A_150 = arith.index_cast %add3A_119 : i32 to index
        %get3A_151 = arith.constant 32 : index
        %get3A_152 = tpu.vector_load %arg12[%get3A_150, %get3A_151] {strides = array<i32>} : memref<128x128xf32, #tpu.memory_space<vmem>>, vector<1x16xf32>,
        %get3A_153 = vector.shape_cast %get3A_152 : vector<1x16xf32> to vector<16xf32>
        %mul3A_154 = vector.broadcast %squeeze3A : f32 to vector<16xf32>
        %mul3A_155 = arith.mulf %mul3A_154, %get3A_153 : vector<16xf32>
        %add3A_156 = arith.addf %scan3A_100, %mul3A_155 : vector<16xf32>
        %get3A_157 = arith.index_cast %add3A_119 : i32 to index
        %get3A_158 = arith.constant 32 : index
        %get3A_159 = tpu.vector_load %arg13[%get3A_157, %get3A_158] {strides = array<i32>} : memref<128x128xf32, #tpu.memory_space<vmem>>, vector<1x16xf32>,
        %get3A_160 = vector.shape_cast %get3A_159 : vector<1x16xf32> to vector<16xf32>
        %mul3A_161 = vector.broadcast %squeeze3A_121 : f32 to vector<16xf32>
        %mul3A_162 = arith.mulf %mul3A_161, %get3A_160 : vector<16xf32>
        %add3A_163 = arith.addf %add3A_156, %mul3A_162 : vector<16xf32>
        %get3A_164 = arith.index_cast %add3A_119 : i32 to index
        %get3A_165 = arith.constant 48 : index
        %get3A_166 = tpu.vector_load %arg12[%get3A_164, %get3A_165] {strides = array<i32>} : memref<128x128xf32, #tpu.memory_space<vmem>>, vector<1x16xf32>,
        %get3A_167 = vector.shape_cast %get3A_166 : vector<1x16xf32> to vector<16xf32>
        %mul3A_168 = vector.broadcast %squeeze3A : f32 to vector<16xf32>
        %mul3A_169 = arith.mulf %mul3A_168, %get3A_167 : vector<16xf32>
        %add3A_170 = arith.addf %scan3A_101, %mul3A_169 : vector<16xf32>
        %get3A_171 = arith.index_cast %add3A_119 : i32 to index
        %get3A_172 = arith.constant 48 : index
        %get3A_173 = tpu.vector_load %arg13[%get3A_171, %get3A_172] {strides = array<i32>} : memref<128x128xf32, #tpu.memory_space<vmem>>, vector<1x16xf32>,
        %get3A_174 = vector.shape_cast %get3A_173 : vector<1x16xf32> to vector<16xf32>
        %mul3A_175 = vector.broadcast %squeeze3A_121 : f32 to vector<16xf32>
        %mul3A_176 = arith.mulf %mul3A_175, %get3A_174 : vector<16xf32>
        %add3A_177 = arith.addf %add3A_170, %mul3A_176 : vector<16xf32>
        %get3A_178 = arith.index_cast %add3A_119 : i32 to index
        %get3A_179 = arith.constant 64 : index
        %get3A_180 = tpu.vector_load %arg12[%get3A_178, %get3A_179] {strides = array<i32>} : memref<128x128xf32, #tpu.memory_space<vmem>>, vector<1x16xf32>,
        %get3A_181 = vector.shape_cast %get3A_180 : vector<1x16xf32> to vector<16xf32>
        %mul3A_182 = vector.broadcast %squeeze3A : f32 to vector<16xf32>
        %mul3A_183 = arith.mulf %mul3A_182, %get3A_181 : vector<16xf32>
        %add3A_184 = arith.addf %scan3A_102, %mul3A_183 : vector<16xf32>
        %get3A_185 = arith.index_cast %add3A_119 : i32 to index
        %get3A_186 = arith.constant 64 : index
        %get3A_187 = tpu.vector_load %arg13[%get3A_185, %get3A_186] {strides = array<i32>} : memref<128x128xf32, #tpu.memory_space<vmem>>, vector<1x16xf32>,
        %get3A_188 = vector.shape_cast %get3A_187 : vector<1x16xf32> to vector<16xf32>
        %mul3A_189 = vector.broadcast %squeeze3A_121 : f32 to vector<16xf32>
        %mul3A_190 = arith.mulf %mul3A_189, %get3A_188 : vector<16xf32>
        %add3A_191 = arith.addf %add3A_184, %mul3A_190 : vector<16xf32>
        %get3A_192 = arith.index_cast %add3A_119 : i32 to index
        %get3A_193 = arith.constant 80 : index
        %get3A_194 = tpu.vector_load %arg12[%get3A_192, %get3A_193] {strides = array<i32>} : memref<128x128xf32, #tpu.memory_space<vmem>>, vector<1x16xf32>,
        %get3A_195 = vector.shape_cast %get3A_194 : vector<1x16xf32> to vector<16xf32>
        %mul3A_196 = vector.broadcast %squeeze3A : f32 to vector<16xf32>
        %mul3A_197 = arith.mulf %mul3A_196, %get3A_195 : vector<16xf32>
        %add3A_198 = arith.addf %scan3A_103, %mul3A_197 : vector<16xf32>
        %get3A_199 = arith.index_cast %add3A_119 : i32 to index
        %get3A_200 = arith.constant 80 : index
        %get3A_201 = tpu.vector_load %arg13[%get3A_199, %get3A_200] {strides = array<i32>} : memref<128x128xf32, #tpu.memory_space<vmem>>, vector<1x16xf32>,
        %get3A_202 = vector.shape_cast %get3A_201 : vector<1x16xf32> to vector<16xf32>
        %mul3A_203 = vector.broadcast %squeeze3A_121 : f32 to vector<16xf32>
        %mul3A_204 = arith.mulf %mul3A_203, %get3A_202 : vector<16xf32>
        %add3A_205 = arith.addf %add3A_198, %mul3A_204 : vector<16xf32>
        %get3A_206 = arith.index_cast %add3A_119 : i32 to index
        %get3A_207 = arith.constant 96 : index
        %get3A_208 = tpu.vector_load %arg12[%get3A_206, %get3A_207] {strides = array<i32>} : memref<128x128xf32, #tpu.memory_space<vmem>>, vector<1x16xf32>,
        %get3A_209 = vector.shape_cast %get3A_208 : vector<1x16xf32> to vector<16xf32>
        %mul3A_210 = vector.broadcast %squeeze3A : f32 to vector<16xf32>
        %mul3A_211 = arith.mulf %mul3A_210, %get3A_209 : vector<16xf32>
        %add3A_212 = arith.addf %scan3A_104, %mul3A_211 : vector<16xf32>
        %get3A_213 = arith.index_cast %add3A_119 : i32 to index
        %get3A_214 = arith.constant 96 : index
        %get3A_215 = tpu.vector_load %arg13[%get3A_213, %get3A_214] {strides = array<i32>} : memref<128x128xf32, #tpu.memory_space<vmem>>, vector<1x16xf32>,
        %get3A_216 = vector.shape_cast %get3A_215 : vector<1x16xf32> to vector<16xf32>
        %mul3A_217 = vector.broadcast %squeeze3A_121 : f32 to vector<16xf32>
        %mul3A_218 = arith.mulf %mul3A_217, %get3A_216 : vector<16xf32>
        %add3A_219 = arith.addf %add3A_212, %mul3A_218 : vector<16xf32>
        %get3A_220 = arith.index_cast %add3A_119 : i32 to index
        %get3A_221 = arith.constant 112 : index
        %get3A_222 = tpu.vector_load %arg12[%get3A_220, %get3A_221] {strides = array<i32>} : memref<128x128xf32, #tpu.memory_space<vmem>>, vector<1x16xf32>,
        %get3A_223 = vector.shape_cast %get3A_222 : vector<1x16xf32> to vector<16xf32>
        %mul3A_224 = vector.broadcast %squeeze3A : f32 to vector<16xf32>
        %mul3A_225 = arith.mulf %mul3A_224, %get3A_223 : vector<16xf32>
        %add3A_226 = arith.addf %scan3A_105, %mul3A_225 : vector<16xf32>
        %get3A_227 = arith.index_cast %add3A_119 : i32 to index
        %get3A_228 = arith.constant 112 : index
        %get3A_229 = tpu.vector_load %arg13[%get3A_227, %get3A_228] {strides = array<i32>} : memref<128x128xf32, #tpu.memory_space<vmem>>, vector<1x16xf32>,
        %get3A_230 = vector.shape_cast %get3A_229 : vector<1x16xf32> to vector<16xf32>
        %mul3A_231 = vector.broadcast %squeeze3A_121 : f32 to vector<16xf32>
        %mul3A_232 = arith.mulf %mul3A_231, %get3A_230 : vector<16xf32>
        %add3A_233 = arith.addf %add3A_226, %mul3A_232 : vector<16xf32>
        %mul3A_234 = arith.constant 16 : i32
        %mul3A_235 = arith.muli %scan3A_97, %mul3A_234 : i32
        %add3A_236 = arith.constant 1 : i32
        %add3A_237 = arith.addi %mul3A_235, %add3A_236 : i32
        %slice3A_238 = vector.extract_strided_slice %get3A_110 {offsets = [1], sizes = [1], strides = [1]} : vector<16xf32> to vector<1xf32>
        %squeeze3A_239 = vector.extract %slice3A_238[0] : f32 from vector<1xf32>
        %slice3A_240 = vector.extract_strided_slice %get3A_115 {offsets = [1], sizes = [1], strides = [1]} : vector<16xf32> to vector<1xf32>
        %squeeze3A_241 = vector.extract %slice3A_240[0] : f32 from vector<1xf32>
        %get3A_242 = arith.index_cast %add3A_237 : i32 to index
        %get3A_243 = arith.constant 0 : index
        %get3A_244 = tpu.vector_load %arg12[%get3A_242, %get3A_243] {strides = array<i32>} : memref<128x128xf32, #tpu.memory_space<vmem>>, vector<1x16xf32>,
        %get3A_245 = vector.shape_cast %get3A_244 : vector<1x16xf32> to vector<16xf32>
        %mul3A_246 = vector.broadcast %squeeze3A_239 : f32 to vector<16xf32>
        %mul3A_247 = arith.mulf %mul3A_246, %get3A_245 : vector<16xf32>
        %add3A_248 = arith.addf %add3A_135, %mul3A_247 : vector<16xf32>
        %get3A_249 = arith.index_cast %add3A_237 : i32 to index
        %get3A_250 = arith.constant 0 : index
        %get3A_251 = tpu.vector_load %arg13[%get3A_249, %get3A_250] {strides = array<i32>} : memref<128x128xf32, #tpu.memory_space<vmem>>, vector<1x16xf32>,
        %get3A_252 = vector.shape_cast %get3A_251 : vector<1x16xf32> to vector<16xf32>
        %mul3A_253 = vector.broadcast %squeeze3A_241 : f32 to vector<16xf32>
        %mul3A_254 = arith.mulf %mul3A_253, %get3A_252 : vector<16xf32>
        %add3A_255 = arith.addf %add3A_248, %mul3A_254 : vector<16xf32>
        %get3A_256 = arith.index_cast %add3A_237 : i32 to index
        %get3A_257 = arith.constant 16 : index
        %get3A_258 = tpu.vector_load %arg12[%get3A_256, %get3A_257] {strides = array<i32>} : memref<128x128xf32, #tpu.memory_space<vmem>>, vector<1x16xf32>,
        %get3A_259 = vector.shape_cast %get3A_258 : vector<1x16xf32> to vector<16xf32>
        %mul3A_260 = vector.broadcast %squeeze3A_239 : f32 to vector<16xf32>
        %mul3A_261 = arith.mulf %mul3A_260, %get3A_259 : vector<16xf32>
        %add3A_262 = arith.addf %add3A_149, %mul3A_261 : vector<16xf32>
        %get3A_263 = arith.index_cast %add3A_237 : i32 to index
        %get3A_264 = arith.constant 16 : index
        %get3A_265 = tpu.vector_load %arg13[%get3A_263, %get3A_264] {strides = array<i32>} : memref<128x128xf32, #tpu.memory_space<vmem>>, vector<1x16xf32>,
        %get3A_266 = vector.shape_cast %get3A_265 : vector<1x16xf32> to vector<16xf32>
        %mul3A_267 = vector.broadcast %squeeze3A_241 : f32 to vector<16xf32>
        %mul3A_268 = arith.mulf %mul3A_267, %get3A_266 : vector<16xf32>
        %add3A_269 = arith.addf %add3A_262, %mul3A_268 : vector<16xf32>
        %get3A_270 = arith.index_cast %add3A_237 : i32 to index
        %get3A_271 = arith.constant 32 : index
        %get3A_272 = tpu.vector_load %arg12[%get3A_270, %get3A_271] {strides = array<i32>} : memref<128x128xf32, #tpu.memory_space<vmem>>, vector<1x16xf32>,
        %get3A_273 = vector.shape_cast %get3A_272 : vector<1x16xf32> to vector<16xf32>
        %mul3A_274 = vector.broadcast %squeeze3A_239 : f32 to vector<16xf32>
        %mul3A_275 = arith.mulf %mul3A_274, %get3A_273 : vector<16xf32>
        %add3A_276 = arith.addf %add3A_163, %mul3A_275 : vector<16xf32>
        %get3A_277 = arith.index_cast %add3A_237 : i32 to index
        %get3A_278 = arith.constant 32 : index
        %get3A_279 = tpu.vector_load %arg13[%get3A_277, %get3A_278] {strides = array<i32>} : memref<128x128xf32, #tpu.memory_space<vmem>>, vector<1x16xf32>,
        %get3A_280 = vector.shape_cast %get3A_279 : vector<1x16xf32> to vector<16xf32>
        %mul3A_281 = vector.broadcast %squeeze3A_241 : f32 to vector<16xf32>
        %mul3A_282 = arith.mulf %mul3A_281, %get3A_280 : vector<16xf32>
        %add3A_283 = arith.addf %add3A_276, %mul3A_282 : vector<16xf32>
        %get3A_284 = arith.index_cast %add3A_237 : i32 to index
        %get3A_285 = arith.constant 48 : index
        %get3A_286 = tpu.vector_load %arg12[%get3A_284, %get3A_285] {strides = array<i32>} : memref<128x128xf32, #tpu.memory_space<vmem>>, vector<1x16xf32>,
        %get3A_287 = vector.shape_cast %get3A_286 : vector<1x16xf32> to vector<16xf32>
        %mul3A_288 = vector.broadcast %squeeze3A_239 : f32 to vector<16xf32>
        %mul3A_289 = arith.mulf %mul3A_288, %get3A_287 : vector<16xf32>
        %add3A_290 = arith.addf %add3A_177, %mul3A_289 : vector<16xf32>
        %get3A_291 = arith.index_cast %add3A_237 : i32 to index
        %get3A_292 = arith.constant 48 : index
        %get3A_293 = tpu.vector_load %arg13[%get3A_291, %get3A_292] {strides = array<i32>} : memref<128x128xf32, #tpu.memory_space<vmem>>, vector<1x16xf32>,
        %get3A_294 = vector.shape_cast %get3A_293 : vector<1x16xf32> to vector<16xf32>
        %mul3A_295 = vector.broadcast %squeeze3A_241 : f32 to vector<16xf32>
        %mul3A_296 = arith.mulf %mul3A_295, %get3A_294 : vector<16xf32>
        %add3A_297 = arith.addf %add3A_290, %mul3A_296 : vector<16xf32>
        %get3A_298 = arith.index_cast %add3A_237 : i32 to index
        %get3A_299 = arith.constant 64 : index
        %get3A_300 = tpu.vector_load %arg12[%get3A_298, %get3A_299] {strides = array<i32>} : memref<128x128xf32, #tpu.memory_space<vmem>>, vector<1x16xf32>,
        %get3A_301 = vector.shape_cast %get3A_300 : vector<1x16xf32> to vector<16xf32>
        %mul3A_302 = vector.broadcast %squeeze3A_239 : f32 to vector<16xf32>
        %mul3A_303 = arith.mulf %mul3A_302, %get3A_301 : vector<16xf32>
        %add3A_304 = arith.addf %add3A_191, %mul3A_303 : vector<16xf32>
        %get3A_305 = arith.index_cast %add3A_237 : i32 to index
        %get3A_306 = arith.constant 64 : index
        %get3A_307 = tpu.vector_load %arg13[%get3A_305, %get3A_306] {strides = array<i32>} : memref<128x128xf32, #tpu.memory_space<vmem>>, vector<1x16xf32>,
        %get3A_308 = vector.shape_cast %get3A_307 : vector<1x16xf32> to vector<16xf32>
        %mul3A_309 = vector.broadcast %squeeze3A_241 : f32 to vector<16xf32>
        %mul3A_310 = arith.mulf %mul3A_309, %get3A_308 : vector<16xf32>
        %add3A_311 = arith.addf %add3A_304, %mul3A_310 : vector<16xf32>
        %get3A_312 = arith.index_cast %add3A_237 : i32 to index
        %get3A_313 = arith.constant 80 : index
        %get3A_314 = tpu.vector_load %arg12[%get3A_312, %get3A_313] {strides = array<i32>} : memref<128x128xf32, #tpu.memory_space<vmem>>, vector<1x16xf32>,
        %get3A_315 = vector.shape_cast %get3A_314 : vector<1x16xf32> to vector<16xf32>
        %mul3A_316 = vector.broadcast %squeeze3A_239 : f32 to vector<16xf32>
        %mul3A_317 = arith.mulf %mul3A_316, %get3A_315 : vector<16xf32>
        %add3A_318 = arith.addf %add3A_205, %mul3A_317 : vector<16xf32>
        %get3A_319 = arith.index_cast %add3A_237 : i32 to index
        %get3A_320 = arith.constant 80 : index
        %get3A_321 = tpu.vector_load %arg13[%get3A_319, %get3A_320] {strides = array<i32>} : memref<128x128xf32, #tpu.memory_space<vmem>>, vector<1x16xf32>,
        %get3A_322 = vector.shape_cast %get3A_321 : vector<1x16xf32> to vector<16xf32>
        %mul3A_323 = vector.broadcast %squeeze3A_241 : f32 to vector<16xf32>
        %mul3A_324 = arith.mulf %mul3A_323, %get3A_322 : vector<16xf32>
        %add3A_325 = arith.addf %add3A_318, %mul3A_324 : vector<16xf32>
        %get3A_326 = arith.index_cast %add3A_237 : i32 to index
        %get3A_327 = arith.constant 96 : index
        %get3A_328 = tpu.vector_load %arg12[%get3A_326, %get3A_327] {strides = array<i32>} : memref<128x128xf32, #tpu.memory_space<vmem>>, vector<1x16xf32>,
        %get3A_329 = vector.shape_cast %get3A_328 : vector<1x16xf32> to vector<16xf32>
        %mul3A_330 = vector.broadcast %squeeze3A_239 : f32 to vector<16xf32>
        %mul3A_331 = arith.mulf %mul3A_330, %get3A_329 : vector<16xf32>
        %add3A_332 = arith.addf %add3A_219, %mul3A_331 : vector<16xf32>
        %get3A_333 = arith.index_cast %add3A_237 : i32 to index
        %get3A_334 = arith.constant 96 : index
        %get3A_335 = tpu.vector_load %arg13[%get3A_333, %get3A_334] {strides = array<i32>} : memref<128x128xf32, #tpu.memory_space<vmem>>, vector<1x16xf32>,
        %get3A_336 = vector.shape_cast %get3A_335 : vector<1x16xf32> to vector<16xf32>
        %mul3A_337 = vector.broadcast %squeeze3A_241 : f32 to vector<16xf32>
        %mul3A_338 = arith.mulf %mul3A_337, %get3A_336 : vector<16xf32>
        %add3A_339 = arith.addf %add3A_332, %mul3A_338 : vector<16xf32>
        %get3A_340 = arith.index_cast %add3A_237 : i32 to index
        %get3A_341 = arith.constant 112 : index
        %get3A_342 = tpu.vector_load %arg12[%get3A_340, %get3A_341] {strides = array<i32>} : memref<128x128xf32, #tpu.memory_space<vmem>>, vector<1x16xf32>,
        %get3A_343 = vector.shape_cast %get3A_342 : vector<1x16xf32> to vector<16xf32>
        %mul3A_344 = vector.broadcast %squeeze3A_239 : f32 to vector<16xf32>
        %mul3A_345 = arith.mulf %mul3A_344, %get3A_343 : vector<16xf32>
        %add3A_346 = arith.addf %add3A_233, %mul3A_345 : vector<16xf32>
        %get3A_347 = arith.index_cast %add3A_237 : i32 to index
        %get3A_348 = arith.constant 112 : index
        %get3A_349 = tpu.vector_load %arg13[%get3A_347, %get3A_348] {strides = array<i32>} : memref<128x128xf32, #tpu.memory_space<vmem>>, vector<1x16xf32>,
        %get3A_350 = vector.shape_cast %get3A_349 : vector<1x16xf32> to vector<16xf32>
        %mul3A_351 = vector.broadcast %squeeze3A_241 : f32 to vector<16xf32>
        %mul3A_352 = arith.mulf %mul3A_351, %get3A_350 : vector<16xf32>
        %add3A_353 = arith.addf %add3A_346, %mul3A_352 : vector<16xf32>
        %mul3A_354 = arith.constant 16 : i32
        %mul3A_355 = arith.muli %scan3A_97, %mul3A_354 : i32
        %add3A_356 = arith.constant 2 : i32
        %add3A_357 = arith.addi %mul3A_355, %add3A_356 : i32
        %slice3A_358 = vector.extract_strided_slice %get3A_110 {offsets = [2], sizes = [1], strides = [1]} : vector<16xf32> to vector<1xf32>
        %squeeze3A_359 = vector.extract %slice3A_358[0] : f32 from vector<1xf32>
        %slice3A_360 = vector.extract_strided_slice %get3A_115 {offsets = [2], sizes = [1], strides = [1]} : vector<16xf32> to vector<1xf32>
        %squeeze3A_361 = vector.extract %slice3A_360[0] : f32 from vector<1xf32>
        %get3A_362 = arith.index_cast %add3A_357 : i32 to index
        %get3A_363 = arith.constant 0 : index
        %get3A_364 = tpu.vector_load %arg12[%get3A_362, %get3A_363] {strides = array<i32>} : memref<128x128xf32, #tpu.memory_space<vmem>>, vector<1x16xf32>,
        %get3A_365 = vector.shape_cast %get3A_364 : vector<1x16xf32> to vector<16xf32>
        %mul3A_366 = vector.broadcast %squeeze3A_359 : f32 to vector<16xf32>
        %mul3A_367 = arith.mulf %mul3A_366, %get3A_365 : vector<16xf32>
        %add3A_368 = arith.addf %add3A_255, %mul3A_367 : vector<16xf32>
        %get3A_369 = arith.index_cast %add3A_357 : i32 to index
        %get3A_370 = arith.constant 0 : index
        %get3A_371 = tpu.vector_load %arg13[%get3A_369, %get3A_370] {strides = array<i32>} : memref<128x128xf32, #tpu.memory_space<vmem>>, vector<1x16xf32>,
        %get3A_372 = vector.shape_cast %get3A_371 : vector<1x16xf32> to vector<16xf32>
        %mul3A_373 = vector.broadcast %squeeze3A_361 : f32 to vector<16xf32>
        %mul3A_374 = arith.mulf %mul3A_373, %get3A_372 : vector<16xf32>
        %add3A_375 = arith.addf %add3A_368, %mul3A_374 : vector<16xf32>
        %get3A_376 = arith.index_cast %add3A_357 : i32 to index
        %get3A_377 = arith.constant 16 : index
        %get3A_378 = tpu.vector_load %arg12[%get3A_376, %get3A_377] {strides = array<i32>} : memref<128x128xf32, #tpu.memory_space<vmem>>, vector<1x16xf32>,
        %get3A_379 = vector.shape_cast %get3A_378 : vector<1x16xf32> to vector<16xf32>
        %mul3A_380 = vector.broadcast %squeeze3A_359 : f32 to vector<16xf32>
        %mul3A_381 = arith.mulf %mul3A_380, %get3A_379 : vector<16xf32>
        %add3A_382 = arith.addf %add3A_269, %mul3A_381 : vector<16xf32>
        %get3A_383 = arith.index_cast %add3A_357 : i32 to index
        %get3A_384 = arith.constant 16 : index
        %get3A_385 = tpu.vector_load %arg13[%get3A_383, %get3A_384] {strides = array<i32>} : memref<128x128xf32, #tpu.memory_space<vmem>>, vector<1x16xf32>,
        %get3A_386 = vector.shape_cast %get3A_385 : vector<1x16xf32> to vector<16xf32>
        %mul3A_387 = vector.broadcast %squeeze3A_361 : f32 to vector<16xf32>
        %mul3A_388 = arith.mulf %mul3A_387, %get3A_386 : vector<16xf32>
        %add3A_389 = arith.addf %add3A_382, %mul3A_388 : vector<16xf32>
        %get3A_390 = arith.index_cast %add3A_357 : i32 to index
        %get3A_391 = arith.constant 32 : index
        %get3A_392 = tpu.vector_load %arg12[%get3A_390, %get3A_391] {strides = array<i32>} : memref<128x128xf32, #tpu.memory_space<vmem>>, vector<1x16xf32>,
        %get3A_393 = vector.shape_cast %get3A_392 : vector<1x16xf32> to vector<16xf32>
        %mul3A_394 = vector.broadcast %squeeze3A_359 : f32 to vector<16xf32>
        %mul3A_395 = arith.mulf %mul3A_394, %get3A_393 : vector<16xf32>
        %add3A_396 = arith.addf %add3A_283, %mul3A_395 : vector<16xf32>
        %get3A_397 = arith.index_cast %add3A_357 : i32 to index
        %get3A_398 = arith.constant 32 : index
        %get3A_399 = tpu.vector_load %arg13[%get3A_397, %get3A_398] {strides = array<i32>} : memref<128x128xf32, #tpu.memory_space<vmem>>, vector<1x16xf32>,
        %get3A_400 = vector.shape_cast %get3A_399 : vector<1x16xf32> to vector<16xf32>
        %mul3A_401 = vector.broadcast %squeeze3A_361 : f32 to vector<16xf32>
        %mul3A_402 = arith.mulf %mul3A_401, %get3A_400 : vector<16xf32>
        %add3A_403 = arith.addf %add3A_396, %mul3A_402 : vector<16xf32>
        %get3A_404 = arith.index_cast %add3A_357 : i32 to index
        %get3A_405 = arith.constant 48 : index
        %get3A_406 = tpu.vector_load %arg12[%get3A_404, %get3A_405] {strides = array<i32>} : memref<128x128xf32, #tpu.memory_space<vmem>>, vector<1x16xf32>,
        %get3A_407 = vector.shape_cast %get3A_406 : vector<1x16xf32> to vector<16xf32>
        %mul3A_408 = vector.broadcast %squeeze3A_359 : f32 to vector<16xf32>
        %mul3A_409 = arith.mulf %mul3A_408, %get3A_407 : vector<16xf32>
        %add3A_410 = arith.addf %add3A_297, %mul3A_409 : vector<16xf32>
        %get3A_411 = arith.index_cast %add3A_357 : i32 to index
        %get3A_412 = arith.constant 48 : index
        %get3A_413 = tpu.vector_load %arg13[%get3A_411, %get3A_412] {strides = array<i32>} : memref<128x128xf32, #tpu.memory_space<vmem>>, vector<1x16xf32>,
        %get3A_414 = vector.shape_cast %get3A_413 : vector<1x16xf32> to vector<16xf32>
        %mul3A_415 = vector.broadcast %squeeze3A_361 : f32 to vector<16xf32>
        %mul3A_416 = arith.mulf %mul3A_415, %get3A_414 : vector<16xf32>
        %add3A_417 = arith.addf %add3A_410, %mul3A_416 : vector<16xf32>
        %get3A_418 = arith.index_cast %add3A_357 : i32 to index
        %get3A_419 = arith.constant 64 : index
        %get3A_420 = tpu.vector_load %arg12[%get3A_418, %get3A_419] {strides = array<i32>} : memref<128x128xf32, #tpu.memory_space<vmem>>, vector<1x16xf32>,
        %get3A_421 = vector.shape_cast %get3A_420 : vector<1x16xf32> to vector<16xf32>
        %mul3A_422 = vector.broadcast %squeeze3A_359 : f32 to vector<16xf32>
        %mul3A_423 = arith.mulf %mul3A_422, %get3A_421 : vector<16xf32>
        %add3A_424 = arith.addf %add3A_311, %mul3A_423 : vector<16xf32>
        %get3A_425 = arith.index_cast %add3A_357 : i32 to index
        %get3A_426 = arith.constant 64 : index
        %get3A_427 = tpu.vector_load %arg13[%get3A_425, %get3A_426] {strides = array<i32>} : memref<128x128xf32, #tpu.memory_space<vmem>>, vector<1x16xf32>,
        %get3A_428 = vector.shape_cast %get3A_427 : vector<1x16xf32> to vector<16xf32>
        %mul3A_429 = vector.broadcast %squeeze3A_361 : f32 to vector<16xf32>
        %mul3A_430 = arith.mulf %mul3A_429, %get3A_428 : vector<16xf32>
        %add3A_431 = arith.addf %add3A_424, %mul3A_430 : vector<16xf32>
        %get3A_432 = arith.index_cast %add3A_357 : i32 to index
        %get3A_433 = arith.constant 80 : index
        %get3A_434 = tpu.vector_load %arg12[%get3A_432, %get3A_433] {strides = array<i32>} : memref<128x128xf32, #tpu.memory_space<vmem>>, vector<1x16xf32>,
        %get3A_435 = vector.shape_cast %get3A_434 : vector<1x16xf32> to vector<16xf32>
        %mul3A_436 = vector.broadcast %squeeze3A_359 : f32 to vector<16xf32>
        %mul3A_437 = arith.mulf %mul3A_436, %get3A_435 : vector<16xf32>
        %add3A_438 = arith.addf %add3A_325, %mul3A_437 : vector<16xf32>
        %get3A_439 = arith.index_cast %add3A_357 : i32 to index
        %get3A_440 = arith.constant 80 : index
        %get3A_441 = tpu.vector_load %arg13[%get3A_439, %get3A_440] {strides = array<i32>} : memref<128x128xf32, #tpu.memory_space<vmem>>, vector<1x16xf32>,
        %get3A_442 = vector.shape_cast %get3A_441 : vector<1x16xf32> to vector<16xf32>
        %mul3A_443 = vector.broadcast %squeeze3A_361 : f32 to vector<16xf32>
        %mul3A_444 = arith.mulf %mul3A_443, %get3A_442 : vector<16xf32>
        %add3A_445 = arith.addf %add3A_438, %mul3A_444 : vector<16xf32>
        %get3A_446 = arith.index_cast %add3A_357 : i32 to index
        %get3A_447 = arith.constant 96 : index
        %get3A_448 = tpu.vector_load %arg12[%get3A_446, %get3A_447] {strides = array<i32>} : memref<128x128xf32, #tpu.memory_space<vmem>>, vector<1x16xf32>,
        %get3A_449 = vector.shape_cast %get3A_448 : vector<1x16xf32> to vector<16xf32>
        %mul3A_450 = vector.broadcast %squeeze3A_359 : f32 to vector<16xf32>
        %mul3A_451 = arith.mulf %mul3A_450, %get3A_449 : vector<16xf32>
        %add3A_452 = arith.addf %add3A_339, %mul3A_451 : vector<16xf32>
        %get3A_453 = arith.index_cast %add3A_357 : i32 to index
        %get3A_454 = arith.constant 96 : index
        %get3A_455 = tpu.vector_load %arg13[%get3A_453, %get3A_454] {strides = array<i32>} : memref<128x128xf32, #tpu.memory_space<vmem>>, vector<1x16xf32>,
        %get3A_456 = vector.shape_cast %get3A_455 : vector<1x16xf32> to vector<16xf32>
        %mul3A_457 = vector.broadcast %squeeze3A_361 : f32 to vector<16xf32>
        %mul3A_458 = arith.mulf %mul3A_457, %get3A_456 : vector<16xf32>
        %add3A_459 = arith.addf %add3A_452, %mul3A_458 : vector<16xf32>
        %get3A_460 = arith.index_cast %add3A_357 : i32 to index
        %get3A_461 = arith.constant 112 : index
        %get3A_462 = tpu.vector_load %arg12[%get3A_460, %get3A_461] {strides = array<i32>} : memref<128x128xf32, #tpu.memory_space<vmem>>, vector<1x16xf32>,
        %get3A_463 = vector.shape_cast %get3A_462 : vector<1x16xf32> to vector<16xf32>
        %mul3A_464 = vector.broadcast %squeeze3A_359 : f32 to vector<16xf32>
        %mul3A_465 = arith.mulf %mul3A_464, %get3A_463 : vector<16xf32>
        %add3A_466 = arith.addf %add3A_353, %mul3A_465 : vector<16xf32>
        %get3A_467 = arith.index_cast %add3A_357 : i32 to index
        %get3A_468 = arith.constant 112 : index
        %get3A_469 = tpu.vector_load %arg13[%get3A_467, %get3A_468] {strides = array<i32>} : memref<128x128xf32, #tpu.memory_space<vmem>>, vector<1x16xf32>,
        %get3A_470 = vector.shape_cast %get3A_469 : vector<1x16xf32> to vector<16xf32>
        %mul3A_471 = vector.broadcast %squeeze3A_361 : f32 to vector<16xf32>
        %mul3A_472 = arith.mulf %mul3A_471, %get3A_470 : vector<16xf32>
        %add3A_473 = arith.addf %add3A_466, %mul3A_472 : vector<16xf32>
        %mul3A_474 = arith.constant 16 : i32
        %mul3A_475 = arith.muli %scan3A_97, %mul3A_474 : i32
        %add3A_476 = arith.constant 3 : i32
        %add3A_477 = arith.addi %mul3A_475, %add3A_476 : i32
        %slice3A_478 = vector.extract_strided_slice %get3A_110 {offsets = [3], sizes = [1], strides = [1]} : vector<16xf32> to vector<1xf32>
        %squeeze3A_479 = vector.extract %slice3A_478[0] : f32 from vector<1xf32>
        %slice3A_480 = vector.extract_strided_slice %get3A_115 {offsets = [3], sizes = [1], strides = [1]} : vector<16xf32> to vector<1xf32>
        %squeeze3A_481 = vector.extract %slice3A_480[0] : f32 from vector<1xf32>
        %get3A_482 = arith.index_cast %add3A_477 : i32 to index
        %get3A_483 = arith.constant 0 : index
        %get3A_484 = tpu.vector_load %arg12[%get3A_482, %get3A_483] {strides = array<i32>} : memref<128x128xf32, #tpu.memory_space<vmem>>, vector<1x16xf32>,
        %get3A_485 = vector.shape_cast %get3A_484 : vector<1x16xf32> to vector<16xf32>
        %mul3A_486 = vector.broadcast %squeeze3A_479 : f32 to vector<16xf32>
        %mul3A_487 = arith.mulf %mul3A_486, %get3A_485 : vector<16xf32>
        %add3A_488 = arith.addf %add3A_375, %mul3A_487 : vector<16xf32>
        %get3A_489 = arith.index_cast %add3A_477 : i32 to index
        %get3A_490 = arith.constant 0 : index
        %get3A_491 = tpu.vector_load %arg13[%get3A_489, %get3A_490] {strides = array<i32>} : memref<128x128xf32, #tpu.memory_space<vmem>>, vector<1x16xf32>,
        %get3A_492 = vector.shape_cast %get3A_491 : vector<1x16xf32> to vector<16xf32>
        %mul3A_493 = vector.broadcast %squeeze3A_481 : f32 to vector<16xf32>
        %mul3A_494 = arith.mulf %mul3A_493, %get3A_492 : vector<16xf32>
        %add3A_495 = arith.addf %add3A_488, %mul3A_494 : vector<16xf32>
        %get3A_496 = arith.index_cast %add3A_477 : i32 to index
        %get3A_497 = arith.constant 16 : index
        %get3A_498 = tpu.vector_load %arg12[%get3A_496, %get3A_497] {strides = array<i32>} : memref<128x128xf32, #tpu.memory_space<vmem>>, vector<1x16xf32>,
        %get3A_499 = vector.shape_cast %get3A_498 : vector<1x16xf32> to vector<16xf32>
        %mul3A_500 = vector.broadcast %squeeze3A_479 : f32 to vector<16xf32>
        %mul3A_501 = arith.mulf %mul3A_500, %get3A_499 : vector<16xf32>
        %add3A_502 = arith.addf %add3A_389, %mul3A_501 : vector<16xf32>
        %get3A_503 = arith.index_cast %add3A_477 : i32 to index
        %get3A_504 = arith.constant 16 : index
        %get3A_505 = tpu.vector_load %arg13[%get3A_503, %get3A_504] {strides = array<i32>} : memref<128x128xf32, #tpu.memory_space<vmem>>, vector<1x16xf32>,
        %get3A_506 = vector.shape_cast %get3A_505 : vector<1x16xf32> to vector<16xf32>
        %mul3A_507 = vector.broadcast %squeeze3A_481 : f32 to vector<16xf32>
        %mul3A_508 = arith.mulf %mul3A_507, %get3A_506 : vector<16xf32>
        %add3A_509 = arith.addf %add3A_502, %mul3A_508 : vector<16xf32>
        %get3A_510 = arith.index_cast %add3A_477 : i32 to index
        %get3A_511 = arith.constant 32 : index
        %get3A_512 = tpu.vector_load %arg12[%get3A_510, %get3A_511] {strides = array<i32>} : memref<128x128xf32, #tpu.memory_space<vmem>>, vector<1x16xf32>,
        %get3A_513 = vector.shape_cast %get3A_512 : vector<1x16xf32> to vector<16xf32>
        %mul3A_514 = vector.broadcast %squeeze3A_479 : f32 to vector<16xf32>
        %mul3A_515 = arith.mulf %mul3A_514, %get3A_513 : vector<16xf32>
        %add3A_516 = arith.addf %add3A_403, %mul3A_515 : vector<16xf32>
        %get3A_517 = arith.index_cast %add3A_477 : i32 to index
        %get3A_518 = arith.constant 32 : index
        %get3A_519 = tpu.vector_load %arg13[%get3A_517, %get3A_518] {strides = array<i32>} : memref<128x128xf32, #tpu.memory_space<vmem>>, vector<1x16xf32>,
        %get3A_520 = vector.shape_cast %get3A_519 : vector<1x16xf32> to vector<16xf32>
        %mul3A_521 = vector.broadcast %squeeze3A_481 : f32 to vector<16xf32>
        %mul3A_522 = arith.mulf %mul3A_521, %get3A_520 : vector<16xf32>
        %add3A_523 = arith.addf %add3A_516, %mul3A_522 : vector<16xf32>
        %get3A_524 = arith.index_cast %add3A_477 : i32 to index
        %get3A_525 = arith.constant 48 : index
        %get3A_526 = tpu.vector_load %arg12[%get3A_524, %get3A_525] {strides = array<i32>} : memref<128x128xf32, #tpu.memory_space<vmem>>, vector<1x16xf32>,
        %get3A_527 = vector.shape_cast %get3A_526 : vector<1x16xf32> to vector<16xf32>
        %mul3A_528 = vector.broadcast %squeeze3A_479 : f32 to vector<16xf32>
        %mul3A_529 = arith.mulf %mul3A_528, %get3A_527 : vector<16xf32>
        %add3A_530 = arith.addf %add3A_417, %mul3A_529 : vector<16xf32>
        %get3A_531 = arith.index_cast %add3A_477 : i32 to index
        %get3A_532 = arith.constant 48 : index
        %get3A_533 = tpu.vector_load %arg13[%get3A_531, %get3A_532] {strides = array<i32>} : memref<128x128xf32, #tpu.memory_space<vmem>>, vector<1x16xf32>,
        %get3A_534 = vector.shape_cast %get3A_533 : vector<1x16xf32> to vector<16xf32>
        %mul3A_535 = vector.broadcast %squeeze3A_481 : f32 to vector<16xf32>
        %mul3A_536 = arith.mulf %mul3A_535, %get3A_534 : vector<16xf32>
        %add3A_537 = arith.addf %add3A_530, %mul3A_536 : vector<16xf32>
        %get3A_538 = arith.index_cast %add3A_477 : i32 to index
        %get3A_539 = arith.constant 64 : index
        %get3A_540 = tpu.vector_load %arg12[%get3A_538, %get3A_539] {strides = array<i32>} : memref<128x128xf32, #tpu.memory_space<vmem>>, vector<1x16xf32>,
        %get3A_541 = vector.shape_cast %get3A_540 : vector<1x16xf32> to vector<16xf32>
        %mul3A_542 = vector.broadcast %squeeze3A_479 : f32 to vector<16xf32>
        %mul3A_543 = arith.mulf %mul3A_542, %get3A_541 : vector<16xf32>
        %add3A_544 = arith.addf %add3A_431, %mul3A_543 : vector<16xf32>
        %get3A_545 = arith.index_cast %add3A_477 : i32 to index
        %get3A_546 = arith.constant 64 : index
        %get3A_547 = tpu.vector_load %arg13[%get3A_545, %get3A_546] {strides = array<i32>} : memref<128x128xf32, #tpu.memory_space<vmem>>, vector<1x16xf32>,
        %get3A_548 = vector.shape_cast %get3A_547 : vector<1x16xf32> to vector<16xf32>
        %mul3A_549 = vector.broadcast %squeeze3A_481 : f32 to vector<16xf32>
        %mul3A_550 = arith.mulf %mul3A_549, %get3A_548 : vector<16xf32>
        %add3A_551 = arith.addf %add3A_544, %mul3A_550 : vector<16xf32>
        %get3A_552 = arith.index_cast %add3A_477 : i32 to index
        %get3A_553 = arith.constant 80 : index
        %get3A_554 = tpu.vector_load %arg12[%get3A_552, %get3A_553] {strides = array<i32>} : memref<128x128xf32, #tpu.memory_space<vmem>>, vector<1x16xf32>,
        %get3A_555 = vector.shape_cast %get3A_554 : vector<1x16xf32> to vector<16xf32>
        %mul3A_556 = vector.broadcast %squeeze3A_479 : f32 to vector<16xf32>
        %mul3A_557 = arith.mulf %mul3A_556, %get3A_555 : vector<16xf32>
        %add3A_558 = arith.addf %add3A_445, %mul3A_557 : vector<16xf32>
        %get3A_559 = arith.index_cast %add3A_477 : i32 to index
        %get3A_560 = arith.constant 80 : index
        %get3A_561 = tpu.vector_load %arg13[%get3A_559, %get3A_560] {strides = array<i32>} : memref<128x128xf32, #tpu.memory_space<vmem>>, vector<1x16xf32>,
        %get3A_562 = vector.shape_cast %get3A_561 : vector<1x16xf32> to vector<16xf32>
        %mul3A_563 = vector.broadcast %squeeze3A_481 : f32 to vector<16xf32>
        %mul3A_564 = arith.mulf %mul3A_563, %get3A_562 : vector<16xf32>
        %add3A_565 = arith.addf %add3A_558, %mul3A_564 : vector<16xf32>
        %get3A_566 = arith.index_cast %add3A_477 : i32 to index
        %get3A_567 = arith.constant 96 : index
        %get3A_568 = tpu.vector_load %arg12[%get3A_566, %get3A_567] {strides = array<i32>} : memref<128x128xf32, #tpu.memory_space<vmem>>, vector<1x16xf32>,
        %get3A_569 = vector.shape_cast %get3A_568 : vector<1x16xf32> to vector<16xf32>
        %mul3A_570 = vector.broadcast %squeeze3A_479 : f32 to vector<16xf32>
        %mul3A_571 = arith.mulf %mul3A_570, %get3A_569 : vector<16xf32>
        %add3A_572 = arith.addf %add3A_459, %mul3A_571 : vector<16xf32>
        %get3A_573 = arith.index_cast %add3A_477 : i32 to index
        %get3A_574 = arith.constant 96 : index
        %get3A_575 = tpu.vector_load %arg13[%get3A_573, %get3A_574] {strides = array<i32>} : memref<128x128xf32, #tpu.memory_space<vmem>>, vector<1x16xf32>,
        %get3A_576 = vector.shape_cast %get3A_575 : vector<1x16xf32> to vector<16xf32>
        %mul3A_577 = vector.broadcast %squeeze3A_481 : f32 to vector<16xf32>
        %mul3A_578 = arith.mulf %mul3A_577, %get3A_576 : vector<16xf32>
        %add3A_579 = arith.addf %add3A_572, %mul3A_578 : vector<16xf32>
        %get3A_580 = arith.index_cast %add3A_477 : i32 to index
        %get3A_581 = arith.constant 112 : index
        %get3A_582 = tpu.vector_load %arg12[%get3A_580, %get3A_581] {strides = array<i32>} : memref<128x128xf32, #tpu.memory_space<vmem>>, vector<1x16xf32>,
        %get3A_583 = vector.shape_cast %get3A_582 : vector<1x16xf32> to vector<16xf32>
        %mul3A_584 = vector.broadcast %squeeze3A_479 : f32 to vector<16xf32>
        %mul3A_585 = arith.mulf %mul3A_584, %get3A_583 : vector<16xf32>
        %add3A_586 = arith.addf %add3A_473, %mul3A_585 : vector<16xf32>
        %get3A_587 = arith.index_cast %add3A_477 : i32 to index
        %get3A_588 = arith.constant 112 : index
        %get3A_589 = tpu.vector_load %arg13[%get3A_587, %get3A_588] {strides = array<i32>} : memref<128x128xf32, #tpu.memory_space<vmem>>, vector<1x16xf32>,
        %get3A_590 = vector.shape_cast %get3A_589 : vector<1x16xf32> to vector<16xf32>
        %mul3A_591 = vector.broadcast %squeeze3A_481 : f32 to vector<16xf32>
        %mul3A_592 = arith.mulf %mul3A_591, %get3A_590 : vector<16xf32>
        %add3A_593 = arith.addf %add3A_586, %mul3A_592 : vector<16xf32>
        %mul3A_594 = arith.constant 16 : i32
        %mul3A_595 = arith.muli %scan3A_97, %mul3A_594 : i32
        %add3A_596 = arith.constant 4 : i32
        %add3A_597 = arith.addi %mul3A_595, %add3A_596 : i32
        %slice3A_598 = vector.extract_strided_slice %get3A_110 {offsets = [4], sizes = [1], strides = [1]} : vector<16xf32> to vector<1xf32>
        %squeeze3A_599 = vector.extract %slice3A_598[0] : f32 from vector<1xf32>
        %slice3A_600 = vector.extract_strided_slice %get3A_115 {offsets = [4], sizes = [1], strides = [1]} : vector<16xf32> to vector<1xf32>
        %squeeze3A_601 = vector.extract %slice3A_600[0] : f32 from vector<1xf32>
        %get3A_602 = arith.index_cast %add3A_597 : i32 to index
        %get3A_603 = arith.constant 0 : index
        %get3A_604 = tpu.vector_load %arg12[%get3A_602, %get3A_603] {strides = array<i32>} : memref<128x128xf32, #tpu.memory_space<vmem>>, vector<1x16xf32>,
        %get3A_605 = vector.shape_cast %get3A_604 : vector<1x16xf32> to vector<16xf32>
        %mul3A_606 = vector.broadcast %squeeze3A_599 : f32 to vector<16xf32>
        %mul3A_607 = arith.mulf %mul3A_606, %get3A_605 : vector<16xf32>
        %add3A_608 = arith.addf %add3A_495, %mul3A_607 : vector<16xf32>
        %get3A_609 = arith.index_cast %add3A_597 : i32 to index
        %get3A_610 = arith.constant 0 : index
        %get3A_611 = tpu.vector_load %arg13[%get3A_609, %get3A_610] {strides = array<i32>} : memref<128x128xf32, #tpu.memory_space<vmem>>, vector<1x16xf32>,
        %get3A_612 = vector.shape_cast %get3A_611 : vector<1x16xf32> to vector<16xf32>
        %mul3A_613 = vector.broadcast %squeeze3A_601 : f32 to vector<16xf32>
        %mul3A_614 = arith.mulf %mul3A_613, %get3A_612 : vector<16xf32>
        %add3A_615 = arith.addf %add3A_608, %mul3A_614 : vector<16xf32>
        %get3A_616 = arith.index_cast %add3A_597 : i32 to index
        %get3A_617 = arith.constant 16 : index
        %get3A_618 = tpu.vector_load %arg12[%get3A_616, %get3A_617] {strides = array<i32>} : memref<128x128xf32, #tpu.memory_space<vmem>>, vector<1x16xf32>,
        %get3A_619 = vector.shape_cast %get3A_618 : vector<1x16xf32> to vector<16xf32>
        %mul3A_620 = vector.broadcast %squeeze3A_599 : f32 to vector<16xf32>
        %mul3A_621 = arith.mulf %mul3A_620, %get3A_619 : vector<16xf32>
        %add3A_622 = arith.addf %add3A_509, %mul3A_621 : vector<16xf32>
        %get3A_623 = arith.index_cast %add3A_597 : i32 to index
        %get3A_624 = arith.constant 16 : index
        %get3A_625 = tpu.vector_load %arg13[%get3A_623, %get3A_624] {strides = array<i32>} : memref<128x128xf32, #tpu.memory_space<vmem>>, vector<1x16xf32>,
        %get3A_626 = vector.shape_cast %get3A_625 : vector<1x16xf32> to vector<16xf32>
        %mul3A_627 = vector.broadcast %squeeze3A_601 : f32 to vector<16xf32>
        %mul3A_628 = arith.mulf %mul3A_627, %get3A_626 : vector<16xf32>
        %add3A_629 = arith.addf %add3A_622, %mul3A_628 : vector<16xf32>
        %get3A_630 = arith.index_cast %add3A_597 : i32 to index
        %get3A_631 = arith.constant 32 : index
        %get3A_632 = tpu.vector_load %arg12[%get3A_630, %get3A_631] {strides = array<i32>} : memref<128x128xf32, #tpu.memory_space<vmem>>, vector<1x16xf32>,
        %get3A_633 = vector.shape_cast %get3A_632 : vector<1x16xf32> to vector<16xf32>
        %mul3A_634 = vector.broadcast %squeeze3A_599 : f32 to vector<16xf32>
        %mul3A_635 = arith.mulf %mul3A_634, %get3A_633 : vector<16xf32>
        %add3A_636 = arith.addf %add3A_523, %mul3A_635 : vector<16xf32>
        %get3A_637 = arith.index_cast %add3A_597 : i32 to index
        %get3A_638 = arith.constant 32 : index
        %get3A_639 = tpu.vector_load %arg13[%get3A_637, %get3A_638] {strides = array<i32>} : memref<128x128xf32, #tpu.memory_space<vmem>>, vector<1x16xf32>,
        %get3A_640 = vector.shape_cast %get3A_639 : vector<1x16xf32> to vector<16xf32>
        %mul3A_641 = vector.broadcast %squeeze3A_601 : f32 to vector<16xf32>
        %mul3A_642 = arith.mulf %mul3A_641, %get3A_640 : vector<16xf32>
        %add3A_643 = arith.addf %add3A_636, %mul3A_642 : vector<16xf32>
        %get3A_644 = arith.index_cast %add3A_597 : i32 to index
        %get3A_645 = arith.constant 48 : index
        %get3A_646 = tpu.vector_load %arg12[%get3A_644, %get3A_645] {strides = array<i32>} : memref<128x128xf32, #tpu.memory_space<vmem>>, vector<1x16xf32>,
        %get3A_647 = vector.shape_cast %get3A_646 : vector<1x16xf32> to vector<16xf32>
        %mul3A_648 = vector.broadcast %squeeze3A_599 : f32 to vector<16xf32>
        %mul3A_649 = arith.mulf %mul3A_648, %get3A_647 : vector<16xf32>
        %add3A_650 = arith.addf %add3A_537, %mul3A_649 : vector<16xf32>
        %get3A_651 = arith.index_cast %add3A_597 : i32 to index
        %get3A_652 = arith.constant 48 : index
        %get3A_653 = tpu.vector_load %arg13[%get3A_651, %get3A_652] {strides = array<i32>} : memref<128x128xf32, #tpu.memory_space<vmem>>, vector<1x16xf32>,
        %get3A_654 = vector.shape_cast %get3A_653 : vector<1x16xf32> to vector<16xf32>
        %mul3A_655 = vector.broadcast %squeeze3A_601 : f32 to vector<16xf32>
        %mul3A_656 = arith.mulf %mul3A_655, %get3A_654 : vector<16xf32>
        %add3A_657 = arith.addf %add3A_650, %mul3A_656 : vector<16xf32>
        %get3A_658 = arith.index_cast %add3A_597 : i32 to index
        %get3A_659 = arith.constant 64 : index
        %get3A_660 = tpu.vector_load %arg12[%get3A_658, %get3A_659] {strides = array<i32>} : memref<128x128xf32, #tpu.memory_space<vmem>>, vector<1x16xf32>,
        %get3A_661 = vector.shape_cast %get3A_660 : vector<1x16xf32> to vector<16xf32>
        %mul3A_662 = vector.broadcast %squeeze3A_599 : f32 to vector<16xf32>
        %mul3A_663 = arith.mulf %mul3A_662, %get3A_661 : vector<16xf32>
        %add3A_664 = arith.addf %add3A_551, %mul3A_663 : vector<16xf32>
        %get3A_665 = arith.index_cast %add3A_597 : i32 to index
        %get3A_666 = arith.constant 64 : index
        %get3A_667 = tpu.vector_load %arg13[%get3A_665, %get3A_666] {strides = array<i32>} : memref<128x128xf32, #tpu.memory_space<vmem>>, vector<1x16xf32>,
        %get3A_668 = vector.shape_cast %get3A_667 : vector<1x16xf32> to vector<16xf32>
        %mul3A_669 = vector.broadcast %squeeze3A_601 : f32 to vector<16xf32>
        %mul3A_670 = arith.mulf %mul3A_669, %get3A_668 : vector<16xf32>
        %add3A_671 = arith.addf %add3A_664, %mul3A_670 : vector<16xf32>
        %get3A_672 = arith.index_cast %add3A_597 : i32 to index
        %get3A_673 = arith.constant 80 : index
        %get3A_674 = tpu.vector_load %arg12[%get3A_672, %get3A_673] {strides = array<i32>} : memref<128x128xf32, #tpu.memory_space<vmem>>, vector<1x16xf32>,
        %get3A_675 = vector.shape_cast %get3A_674 : vector<1x16xf32> to vector<16xf32>
        %mul3A_676 = vector.broadcast %squeeze3A_599 : f32 to vector<16xf32>
        %mul3A_677 = arith.mulf %mul3A_676, %get3A_675 : vector<16xf32>
        %add3A_678 = arith.addf %add3A_565, %mul3A_677 : vector<16xf32>
        %get3A_679 = arith.index_cast %add3A_597 : i32 to index
        %get3A_680 = arith.constant 80 : index
        %get3A_681 = tpu.vector_load %arg13[%get3A_679, %get3A_680] {strides = array<i32>} : memref<128x128xf32, #tpu.memory_space<vmem>>, vector<1x16xf32>,
        %get3A_682 = vector.shape_cast %get3A_681 : vector<1x16xf32> to vector<16xf32>
        %mul3A_683 = vector.broadcast %squeeze3A_601 : f32 to vector<16xf32>
        %mul3A_684 = arith.mulf %mul3A_683, %get3A_682 : vector<16xf32>
        %add3A_685 = arith.addf %add3A_678, %mul3A_684 : vector<16xf32>
        %get3A_686 = arith.index_cast %add3A_597 : i32 to index
        %get3A_687 = arith.constant 96 : index
        %get3A_688 = tpu.vector_load %arg12[%get3A_686, %get3A_687] {strides = array<i32>} : memref<128x128xf32, #tpu.memory_space<vmem>>, vector<1x16xf32>,
        %get3A_689 = vector.shape_cast %get3A_688 : vector<1x16xf32> to vector<16xf32>
        %mul3A_690 = vector.broadcast %squeeze3A_599 : f32 to vector<16xf32>
        %mul3A_691 = arith.mulf %mul3A_690, %get3A_689 : vector<16xf32>
        %add3A_692 = arith.addf %add3A_579, %mul3A_691 : vector<16xf32>
        %get3A_693 = arith.index_cast %add3A_597 : i32 to index
        %get3A_694 = arith.constant 96 : index
        %get3A_695 = tpu.vector_load %arg13[%get3A_693, %get3A_694] {strides = array<i32>} : memref<128x128xf32, #tpu.memory_space<vmem>>, vector<1x16xf32>,
        %get3A_696 = vector.shape_cast %get3A_695 : vector<1x16xf32> to vector<16xf32>
        %mul3A_697 = vector.broadcast %squeeze3A_601 : f32 to vector<16xf32>
        %mul3A_698 = arith.mulf %mul3A_697, %get3A_696 : vector<16xf32>
        %add3A_699 = arith.addf %add3A_692, %mul3A_698 : vector<16xf32>
        %get3A_700 = arith.index_cast %add3A_597 : i32 to index
        %get3A_701 = arith.constant 112 : index
        %get3A_702 = tpu.vector_load %arg12[%get3A_700, %get3A_701] {strides = array<i32>} : memref<128x128xf32, #tpu.memory_space<vmem>>, vector<1x16xf32>,
        %get3A_703 = vector.shape_cast %get3A_702 : vector<1x16xf32> to vector<16xf32>
        %mul3A_704 = vector.broadcast %squeeze3A_599 : f32 to vector<16xf32>
        %mul3A_705 = arith.mulf %mul3A_704, %get3A_703 : vector<16xf32>
        %add3A_706 = arith.addf %add3A_593, %mul3A_705 : vector<16xf32>
        %get3A_707 = arith.index_cast %add3A_597 : i32 to index
        %get3A_708 = arith.constant 112 : index
        %get3A_709 = tpu.vector_load %arg13[%get3A_707, %get3A_708] {strides = array<i32>} : memref<128x128xf32, #tpu.memory_space<vmem>>, vector<1x16xf32>,
        %get3A_710 = vector.shape_cast %get3A_709 : vector<1x16xf32> to vector<16xf32>
        %mul3A_711 = vector.broadcast %squeeze3A_601 : f32 to vector<16xf32>
        %mul3A_712 = arith.mulf %mul3A_711, %get3A_710 : vector<16xf32>
        %add3A_713 = arith.addf %add3A_706, %mul3A_712 : vector<16xf32>
        %mul3A_714 = arith.constant 16 : i32
        %mul3A_715 = arith.muli %scan3A_97, %mul3A_714 : i32
        %add3A_716 = arith.constant 5 : i32
        %add3A_717 = arith.addi %mul3A_715, %add3A_716 : i32
        %slice3A_718 = vector.extract_strided_slice %get3A_110 {offsets = [5], sizes = [1], strides = [1]} : vector<16xf32> to vector<1xf32>
        %squeeze3A_719 = vector.extract %slice3A_718[0] : f32 from vector<1xf32>
        %slice3A_720 = vector.extract_strided_slice %get3A_115 {offsets = [5], sizes = [1], strides = [1]} : vector<16xf32> to vector<1xf32>
        %squeeze3A_721 = vector.extract %slice3A_720[0] : f32 from vector<1xf32>
        %get3A_722 = arith.index_cast %add3A_717 : i32 to index
        %get3A_723 = arith.constant 0 : index
        %get3A_724 = tpu.vector_load %arg12[%get3A_722, %get3A_723] {strides = array<i32>} : memref<128x128xf32, #tpu.memory_space<vmem>>, vector<1x16xf32>,
        %get3A_725 = vector.shape_cast %get3A_724 : vector<1x16xf32> to vector<16xf32>
        %mul3A_726 = vector.broadcast %squeeze3A_719 : f32 to vector<16xf32>
        %mul3A_727 = arith.mulf %mul3A_726, %get3A_725 : vector<16xf32>
        %add3A_728 = arith.addf %add3A_615, %mul3A_727 : vector<16xf32>
        %get3A_729 = arith.index_cast %add3A_717 : i32 to index
        %get3A_730 = arith.constant 0 : index
        %get3A_731 = tpu.vector_load %arg13[%get3A_729, %get3A_730] {strides = array<i32>} : memref<128x128xf32, #tpu.memory_space<vmem>>, vector<1x16xf32>,
        %get3A_732 = vector.shape_cast %get3A_731 : vector<1x16xf32> to vector<16xf32>
        %mul3A_733 = vector.broadcast %squeeze3A_721 : f32 to vector<16xf32>
        %mul3A_734 = arith.mulf %mul3A_733, %get3A_732 : vector<16xf32>
        %add3A_735 = arith.addf %add3A_728, %mul3A_734 : vector<16xf32>
        %get3A_736 = arith.index_cast %add3A_717 : i32 to index
        %get3A_737 = arith.constant 16 : index
        %get3A_738 = tpu.vector_load %arg12[%get3A_736, %get3A_737] {strides = array<i32>} : memref<128x128xf32, #tpu.memory_space<vmem>>, vector<1x16xf32>,
        %get3A_739 = vector.shape_cast %get3A_738 : vector<1x16xf32> to vector<16xf32>
        %mul3A_740 = vector.broadcast %squeeze3A_719 : f32 to vector<16xf32>
        %mul3A_741 = arith.mulf %mul3A_740, %get3A_739 : vector<16xf32>
        %add3A_742 = arith.addf %add3A_629, %mul3A_741 : vector<16xf32>
        %get3A_743 = arith.index_cast %add3A_717 : i32 to index
        %get3A_744 = arith.constant 16 : index
        %get3A_745 = tpu.vector_load %arg13[%get3A_743, %get3A_744] {strides = array<i32>} : memref<128x128xf32, #tpu.memory_space<vmem>>, vector<1x16xf32>,
        %get3A_746 = vector.shape_cast %get3A_745 : vector<1x16xf32> to vector<16xf32>
        %mul3A_747 = vector.broadcast %squeeze3A_721 : f32 to vector<16xf32>
        %mul3A_748 = arith.mulf %mul3A_747, %get3A_746 : vector<16xf32>
        %add3A_749 = arith.addf %add3A_742, %mul3A_748 : vector<16xf32>
        %get3A_750 = arith.index_cast %add3A_717 : i32 to index
        %get3A_751 = arith.constant 32 : index
        %get3A_752 = tpu.vector_load %arg12[%get3A_750, %get3A_751] {strides = array<i32>} : memref<128x128xf32, #tpu.memory_space<vmem>>, vector<1x16xf32>,
        %get3A_753 = vector.shape_cast %get3A_752 : vector<1x16xf32> to vector<16xf32>
        %mul3A_754 = vector.broadcast %squeeze3A_719 : f32 to vector<16xf32>
        %mul3A_755 = arith.mulf %mul3A_754, %get3A_753 : vector<16xf32>
        %add3A_756 = arith.addf %add3A_643, %mul3A_755 : vector<16xf32>
        %get3A_757 = arith.index_cast %add3A_717 : i32 to index
        %get3A_758 = arith.constant 32 : index
        %get3A_759 = tpu.vector_load %arg13[%get3A_757, %get3A_758] {strides = array<i32>} : memref<128x128xf32, #tpu.memory_space<vmem>>, vector<1x16xf32>,
        %get3A_760 = vector.shape_cast %get3A_759 : vector<1x16xf32> to vector<16xf32>
        %mul3A_761 = vector.broadcast %squeeze3A_721 : f32 to vector<16xf32>
        %mul3A_762 = arith.mulf %mul3A_761, %get3A_760 : vector<16xf32>
        %add3A_763 = arith.addf %add3A_756, %mul3A_762 : vector<16xf32>
        %get3A_764 = arith.index_cast %add3A_717 : i32 to index
        %get3A_765 = arith.constant 48 : index
        %get3A_766 = tpu.vector_load %arg12[%get3A_764, %get3A_765] {strides = array<i32>} : memref<128x128xf32, #tpu.memory_space<vmem>>, vector<1x16xf32>,
        %get3A_767 = vector.shape_cast %get3A_766 : vector<1x16xf32> to vector<16xf32>
        %mul3A_768 = vector.broadcast %squeeze3A_719 : f32 to vector<16xf32>
        %mul3A_769 = arith.mulf %mul3A_768, %get3A_767 : vector<16xf32>
        %add3A_770 = arith.addf %add3A_657, %mul3A_769 : vector<16xf32>
        %get3A_771 = arith.index_cast %add3A_717 : i32 to index
        %get3A_772 = arith.constant 48 : index
        %get3A_773 = tpu.vector_load %arg13[%get3A_771, %get3A_772] {strides = array<i32>} : memref<128x128xf32, #tpu.memory_space<vmem>>, vector<1x16xf32>,
        %get3A_774 = vector.shape_cast %get3A_773 : vector<1x16xf32> to vector<16xf32>
        %mul3A_775 = vector.broadcast %squeeze3A_721 : f32 to vector<16xf32>
        %mul3A_776 = arith.mulf %mul3A_775, %get3A_774 : vector<16xf32>
        %add3A_777 = arith.addf %add3A_770, %mul3A_776 : vector<16xf32>
        %get3A_778 = arith.index_cast %add3A_717 : i32 to index
        %get3A_779 = arith.constant 64 : index
        %get3A_780 = tpu.vector_load %arg12[%get3A_778, %get3A_779] {strides = array<i32>} : memref<128x128xf32, #tpu.memory_space<vmem>>, vector<1x16xf32>,
        %get3A_781 = vector.shape_cast %get3A_780 : vector<1x16xf32> to vector<16xf32>
        %mul3A_782 = vector.broadcast %squeeze3A_719 : f32 to vector<16xf32>
        %mul3A_783 = arith.mulf %mul3A_782, %get3A_781 : vector<16xf32>
        %add3A_784 = arith.addf %add3A_671, %mul3A_783 : vector<16xf32>
        %get3A_785 = arith.index_cast %add3A_717 : i32 to index
        %get3A_786 = arith.constant 64 : index
        %get3A_787 = tpu.vector_load %arg13[%get3A_785, %get3A_786] {strides = array<i32>} : memref<128x128xf32, #tpu.memory_space<vmem>>, vector<1x16xf32>,
        %get3A_788 = vector.shape_cast %get3A_787 : vector<1x16xf32> to vector<16xf32>
        %mul3A_789 = vector.broadcast %squeeze3A_721 : f32 to vector<16xf32>
        %mul3A_790 = arith.mulf %mul3A_789, %get3A_788 : vector<16xf32>
        %add3A_791 = arith.addf %add3A_784, %mul3A_790 : vector<16xf32>
        %get3A_792 = arith.index_cast %add3A_717 : i32 to index
        %get3A_793 = arith.constant 80 : index
        %get3A_794 = tpu.vector_load %arg12[%get3A_792, %get3A_793] {strides = array<i32>} : memref<128x128xf32, #tpu.memory_space<vmem>>, vector<1x16xf32>,
        %get3A_795 = vector.shape_cast %get3A_794 : vector<1x16xf32> to vector<16xf32>
        %mul3A_796 = vector.broadcast %squeeze3A_719 : f32 to vector<16xf32>
        %mul3A_797 = arith.mulf %mul3A_796, %get3A_795 : vector<16xf32>
        %add3A_798 = arith.addf %add3A_685, %mul3A_797 : vector<16xf32>
        %get3A_799 = arith.index_cast %add3A_717 : i32 to index
        %get3A_800 = arith.constant 80 : index
        %get3A_801 = tpu.vector_load %arg13[%get3A_799, %get3A_800] {strides = array<i32>} : memref<128x128xf32, #tpu.memory_space<vmem>>, vector<1x16xf32>,
        %get3A_802 = vector.shape_cast %get3A_801 : vector<1x16xf32> to vector<16xf32>
        %mul3A_803 = vector.broadcast %squeeze3A_721 : f32 to vector<16xf32>
        %mul3A_804 = arith.mulf %mul3A_803, %get3A_802 : vector<16xf32>
        %add3A_805 = arith.addf %add3A_798, %mul3A_804 : vector<16xf32>
        %get3A_806 = arith.index_cast %add3A_717 : i32 to index
        %get3A_807 = arith.constant 96 : index
        %get3A_808 = tpu.vector_load %arg12[%get3A_806, %get3A_807] {strides = array<i32>} : memref<128x128xf32, #tpu.memory_space<vmem>>, vector<1x16xf32>,
        %get3A_809 = vector.shape_cast %get3A_808 : vector<1x16xf32> to vector<16xf32>
        %mul3A_810 = vector.broadcast %squeeze3A_719 : f32 to vector<16xf32>
        %mul3A_811 = arith.mulf %mul3A_810, %get3A_809 : vector<16xf32>
        %add3A_812 = arith.addf %add3A_699, %mul3A_811 : vector<16xf32>
        %get3A_813 = arith.index_cast %add3A_717 : i32 to index
        %get3A_814 = arith.constant 96 : index
        %get3A_815 = tpu.vector_load %arg13[%get3A_813, %get3A_814] {strides = array<i32>} : memref<128x128xf32, #tpu.memory_space<vmem>>, vector<1x16xf32>,
        %get3A_816 = vector.shape_cast %get3A_815 : vector<1x16xf32> to vector<16xf32>
        %mul3A_817 = vector.broadcast %squeeze3A_721 : f32 to vector<16xf32>
        %mul3A_818 = arith.mulf %mul3A_817, %get3A_816 : vector<16xf32>
        %add3A_819 = arith.addf %add3A_812, %mul3A_818 : vector<16xf32>
        %get3A_820 = arith.index_cast %add3A_717 : i32 to index
        %get3A_821 = arith.constant 112 : index
        %get3A_822 = tpu.vector_load %arg12[%get3A_820, %get3A_821] {strides = array<i32>} : memref<128x128xf32, #tpu.memory_space<vmem>>, vector<1x16xf32>,
        %get3A_823 = vector.shape_cast %get3A_822 : vector<1x16xf32> to vector<16xf32>
        %mul3A_824 = vector.broadcast %squeeze3A_719 : f32 to vector<16xf32>
        %mul3A_825 = arith.mulf %mul3A_824, %get3A_823 : vector<16xf32>
        %add3A_826 = arith.addf %add3A_713, %mul3A_825 : vector<16xf32>
        %get3A_827 = arith.index_cast %add3A_717 : i32 to index
        %get3A_828 = arith.constant 112 : index
        %get3A_829 = tpu.vector_load %arg13[%get3A_827, %get3A_828] {strides = array<i32>} : memref<128x128xf32, #tpu.memory_space<vmem>>, vector<1x16xf32>,
        %get3A_830 = vector.shape_cast %get3A_829 : vector<1x16xf32> to vector<16xf32>
        %mul3A_831 = vector.broadcast %squeeze3A_721 : f32 to vector<16xf32>
        %mul3A_832 = arith.mulf %mul3A_831, %get3A_830 : vector<16xf32>
        %add3A_833 = arith.addf %add3A_826, %mul3A_832 : vector<16xf32>
        %mul3A_834 = arith.constant 16 : i32
        %mul3A_835 = arith.muli %scan3A_97, %mul3A_834 : i32
        %add3A_836 = arith.constant 6 : i32
        %add3A_837 = arith.addi %mul3A_835, %add3A_836 : i32
        %slice3A_838 = vector.extract_strided_slice %get3A_110 {offsets = [6], sizes = [1], strides = [1]} : vector<16xf32> to vector<1xf32>
        %squeeze3A_839 = vector.extract %slice3A_838[0] : f32 from vector<1xf32>
        %slice3A_840 = vector.extract_strided_slice %get3A_115 {offsets = [6], sizes = [1], strides = [1]} : vector<16xf32> to vector<1xf32>
        %squeeze3A_841 = vector.extract %slice3A_840[0] : f32 from vector<1xf32>
        %get3A_842 = arith.index_cast %add3A_837 : i32 to index
        %get3A_843 = arith.constant 0 : index
        %get3A_844 = tpu.vector_load %arg12[%get3A_842, %get3A_843] {strides = array<i32>} : memref<128x128xf32, #tpu.memory_space<vmem>>, vector<1x16xf32>,
        %get3A_845 = vector.shape_cast %get3A_844 : vector<1x16xf32> to vector<16xf32>
        %mul3A_846 = vector.broadcast %squeeze3A_839 : f32 to vector<16xf32>
        %mul3A_847 = arith.mulf %mul3A_846, %get3A_845 : vector<16xf32>
        %add3A_848 = arith.addf %add3A_735, %mul3A_847 : vector<16xf32>
        %get3A_849 = arith.index_cast %add3A_837 : i32 to index
        %get3A_850 = arith.constant 0 : index
        %get3A_851 = tpu.vector_load %arg13[%get3A_849, %get3A_850] {strides = array<i32>} : memref<128x128xf32, #tpu.memory_space<vmem>>, vector<1x16xf32>,
        %get3A_852 = vector.shape_cast %get3A_851 : vector<1x16xf32> to vector<16xf32>
        %mul3A_853 = vector.broadcast %squeeze3A_841 : f32 to vector<16xf32>
        %mul3A_854 = arith.mulf %mul3A_853, %get3A_852 : vector<16xf32>
        %add3A_855 = arith.addf %add3A_848, %mul3A_854 : vector<16xf32>
        %get3A_856 = arith.index_cast %add3A_837 : i32 to index
        %get3A_857 = arith.constant 16 : index
        %get3A_858 = tpu.vector_load %arg12[%get3A_856, %get3A_857] {strides = array<i32>} : memref<128x128xf32, #tpu.memory_space<vmem>>, vector<1x16xf32>,
        %get3A_859 = vector.shape_cast %get3A_858 : vector<1x16xf32> to vector<16xf32>
        %mul3A_860 = vector.broadcast %squeeze3A_839 : f32 to vector<16xf32>
        %mul3A_861 = arith.mulf %mul3A_860, %get3A_859 : vector<16xf32>
        %add3A_862 = arith.addf %add3A_749, %mul3A_861 : vector<16xf32>
        %get3A_863 = arith.index_cast %add3A_837 : i32 to index
        %get3A_864 = arith.constant 16 : index
        %get3A_865 = tpu.vector_load %arg13[%get3A_863, %get3A_864] {strides = array<i32>} : memref<128x128xf32, #tpu.memory_space<vmem>>, vector<1x16xf32>,
        %get3A_866 = vector.shape_cast %get3A_865 : vector<1x16xf32> to vector<16xf32>
        %mul3A_867 = vector.broadcast %squeeze3A_841 : f32 to vector<16xf32>
        %mul3A_868 = arith.mulf %mul3A_867, %get3A_866 : vector<16xf32>
        %add3A_869 = arith.addf %add3A_862, %mul3A_868 : vector<16xf32>
        %get3A_870 = arith.index_cast %add3A_837 : i32 to index
        %get3A_871 = arith.constant 32 : index
        %get3A_872 = tpu.vector_load %arg12[%get3A_870, %get3A_871] {strides = array<i32>} : memref<128x128xf32, #tpu.memory_space<vmem>>, vector<1x16xf32>,
        %get3A_873 = vector.shape_cast %get3A_872 : vector<1x16xf32> to vector<16xf32>
        %mul3A_874 = vector.broadcast %squeeze3A_839 : f32 to vector<16xf32>
        %mul3A_875 = arith.mulf %mul3A_874, %get3A_873 : vector<16xf32>
        %add3A_876 = arith.addf %add3A_763, %mul3A_875 : vector<16xf32>
        %get3A_877 = arith.index_cast %add3A_837 : i32 to index
        %get3A_878 = arith.constant 32 : index
        %get3A_879 = tpu.vector_load %arg13[%get3A_877, %get3A_878] {strides = array<i32>} : memref<128x128xf32, #tpu.memory_space<vmem>>, vector<1x16xf32>,
        %get3A_880 = vector.shape_cast %get3A_879 : vector<1x16xf32> to vector<16xf32>
        %mul3A_881 = vector.broadcast %squeeze3A_841 : f32 to vector<16xf32>
        %mul3A_882 = arith.mulf %mul3A_881, %get3A_880 : vector<16xf32>
        %add3A_883 = arith.addf %add3A_876, %mul3A_882 : vector<16xf32>
        %get3A_884 = arith.index_cast %add3A_837 : i32 to index
        %get3A_885 = arith.constant 48 : index
        %get3A_886 = tpu.vector_load %arg12[%get3A_884, %get3A_885] {strides = array<i32>} : memref<128x128xf32, #tpu.memory_space<vmem>>, vector<1x16xf32>,
        %get3A_887 = vector.shape_cast %get3A_886 : vector<1x16xf32> to vector<16xf32>
        %mul3A_888 = vector.broadcast %squeeze3A_839 : f32 to vector<16xf32>
        %mul3A_889 = arith.mulf %mul3A_888, %get3A_887 : vector<16xf32>
        %add3A_890 = arith.addf %add3A_777, %mul3A_889 : vector<16xf32>
        %get3A_891 = arith.index_cast %add3A_837 : i32 to index
        %get3A_892 = arith.constant 48 : index
        %get3A_893 = tpu.vector_load %arg13[%get3A_891, %get3A_892] {strides = array<i32>} : memref<128x128xf32, #tpu.memory_space<vmem>>, vector<1x16xf32>,
        %get3A_894 = vector.shape_cast %get3A_893 : vector<1x16xf32> to vector<16xf32>
        %mul3A_895 = vector.broadcast %squeeze3A_841 : f32 to vector<16xf32>
        %mul3A_896 = arith.mulf %mul3A_895, %get3A_894 : vector<16xf32>
        %add3A_897 = arith.addf %add3A_890, %mul3A_896 : vector<16xf32>
        %get3A_898 = arith.index_cast %add3A_837 : i32 to index
        %get3A_899 = arith.constant 64 : index
        %get3A_900 = tpu.vector_load %arg12[%get3A_898, %get3A_899] {strides = array<i32>} : memref<128x128xf32, #tpu.memory_space<vmem>>, vector<1x16xf32>,
        %get3A_901 = vector.shape_cast %get3A_900 : vector<1x16xf32> to vector<16xf32>
        %mul3A_902 = vector.broadcast %squeeze3A_839 : f32 to vector<16xf32>
        %mul3A_903 = arith.mulf %mul3A_902, %get3A_901 : vector<16xf32>
        %add3A_904 = arith.addf %add3A_791, %mul3A_903 : vector<16xf32>
        %get3A_905 = arith.index_cast %add3A_837 : i32 to index
        %get3A_906 = arith.constant 64 : index
        %get3A_907 = tpu.vector_load %arg13[%get3A_905, %get3A_906] {strides = array<i32>} : memref<128x128xf32, #tpu.memory_space<vmem>>, vector<1x16xf32>,
        %get3A_908 = vector.shape_cast %get3A_907 : vector<1x16xf32> to vector<16xf32>
        %mul3A_909 = vector.broadcast %squeeze3A_841 : f32 to vector<16xf32>
        %mul3A_910 = arith.mulf %mul3A_909, %get3A_908 : vector<16xf32>
        %add3A_911 = arith.addf %add3A_904, %mul3A_910 : vector<16xf32>
        %get3A_912 = arith.index_cast %add3A_837 : i32 to index
        %get3A_913 = arith.constant 80 : index
        %get3A_914 = tpu.vector_load %arg12[%get3A_912, %get3A_913] {strides = array<i32>} : memref<128x128xf32, #tpu.memory_space<vmem>>, vector<1x16xf32>,
        %get3A_915 = vector.shape_cast %get3A_914 : vector<1x16xf32> to vector<16xf32>
        %mul3A_916 = vector.broadcast %squeeze3A_839 : f32 to vector<16xf32>
        %mul3A_917 = arith.mulf %mul3A_916, %get3A_915 : vector<16xf32>
        %add3A_918 = arith.addf %add3A_805, %mul3A_917 : vector<16xf32>
        %get3A_919 = arith.index_cast %add3A_837 : i32 to index
        %get3A_920 = arith.constant 80 : index
        %get3A_921 = tpu.vector_load %arg13[%get3A_919, %get3A_920] {strides = array<i32>} : memref<128x128xf32, #tpu.memory_space<vmem>>, vector<1x16xf32>,
        %get3A_922 = vector.shape_cast %get3A_921 : vector<1x16xf32> to vector<16xf32>
        %mul3A_923 = vector.broadcast %squeeze3A_841 : f32 to vector<16xf32>
        %mul3A_924 = arith.mulf %mul3A_923, %get3A_922 : vector<16xf32>
        %add3A_925 = arith.addf %add3A_918, %mul3A_924 : vector<16xf32>
        %get3A_926 = arith.index_cast %add3A_837 : i32 to index
        %get3A_927 = arith.constant 96 : index
        %get3A_928 = tpu.vector_load %arg12[%get3A_926, %get3A_927] {strides = array<i32>} : memref<128x128xf32, #tpu.memory_space<vmem>>, vector<1x16xf32>,
        %get3A_929 = vector.shape_cast %get3A_928 : vector<1x16xf32> to vector<16xf32>
        %mul3A_930 = vector.broadcast %squeeze3A_839 : f32 to vector<16xf32>
        %mul3A_931 = arith.mulf %mul3A_930, %get3A_929 : vector<16xf32>
        %add3A_932 = arith.addf %add3A_819, %mul3A_931 : vector<16xf32>
        %get3A_933 = arith.index_cast %add3A_837 : i32 to index
        %get3A_934 = arith.constant 96 : index
        %get3A_935 = tpu.vector_load %arg13[%get3A_933, %get3A_934] {strides = array<i32>} : memref<128x128xf32, #tpu.memory_space<vmem>>, vector<1x16xf32>,
        %get3A_936 = vector.shape_cast %get3A_935 : vector<1x16xf32> to vector<16xf32>
        %mul3A_937 = vector.broadcast %squeeze3A_841 : f32 to vector<16xf32>
        %mul3A_938 = arith.mulf %mul3A_937, %get3A_936 : vector<16xf32>
        %add3A_939 = arith.addf %add3A_932, %mul3A_938 : vector<16xf32>
        %get3A_940 = arith.index_cast %add3A_837 : i32 to index
        %get3A_941 = arith.constant 112 : index
        %get3A_942 = tpu.vector_load %arg12[%get3A_940, %get3A_941] {strides = array<i32>} : memref<128x128xf32, #tpu.memory_space<vmem>>, vector<1x16xf32>,
        %get3A_943 = vector.shape_cast %get3A_942 : vector<1x16xf32> to vector<16xf32>
        %mul3A_944 = vector.broadcast %squeeze3A_839 : f32 to vector<16xf32>
        %mul3A_945 = arith.mulf %mul3A_944, %get3A_943 : vector<16xf32>
        %add3A_946 = arith.addf %add3A_833, %mul3A_945 : vector<16xf32>
        %get3A_947 = arith.index_cast %add3A_837 : i32 to index
        %get3A_948 = arith.constant 112 : index
        %get3A_949 = tpu.vector_load %arg13[%get3A_947, %get3A_948] {strides = array<i32>} : memref<128x128xf32, #tpu.memory_space<vmem>>, vector<1x16xf32>,
        %get3A_950 = vector.shape_cast %get3A_949 : vector<1x16xf32> to vector<16xf32>
        %mul3A_951 = vector.broadcast %squeeze3A_841 : f32 to vector<16xf32>
        %mul3A_952 = arith.mulf %mul3A_951, %get3A_950 : vector<16xf32>
        %add3A_953 = arith.addf %add3A_946, %mul3A_952 : vector<16xf32>
        %mul3A_954 = arith.constant 16 : i32
        %mul3A_955 = arith.muli %scan3A_97, %mul3A_954 : i32
        %add3A_956 = arith.constant 7 : i32
        %add3A_957 = arith.addi %mul3A_955, %add3A_956 : i32
        %slice3A_958 = vector.extract_strided_slice %get3A_110 {offsets = [7], sizes = [1], strides = [1]} : vector<16xf32> to vector<1xf32>
        %squeeze3A_959 = vector.extract %slice3A_958[0] : f32 from vector<1xf32>
        %slice3A_960 = vector.extract_strided_slice %get3A_115 {offsets = [7], sizes = [1], strides = [1]} : vector<16xf32> to vector<1xf32>
        %squeeze3A_961 = vector.extract %slice3A_960[0] : f32 from vector<1xf32>
        %get3A_962 = arith.index_cast %add3A_957 : i32 to index
        %get3A_963 = arith.constant 0 : index
        %get3A_964 = tpu.vector_load %arg12[%get3A_962, %get3A_963] {strides = array<i32>} : memref<128x128xf32, #tpu.memory_space<vmem>>, vector<1x16xf32>,
        %get3A_965 = vector.shape_cast %get3A_964 : vector<1x16xf32> to vector<16xf32>
        %mul3A_966 = vector.broadcast %squeeze3A_959 : f32 to vector<16xf32>
        %mul3A_967 = arith.mulf %mul3A_966, %get3A_965 : vector<16xf32>
        %add3A_968 = arith.addf %add3A_855, %mul3A_967 : vector<16xf32>
        %get3A_969 = arith.index_cast %add3A_957 : i32 to index
        %get3A_970 = arith.constant 0 : index
        %get3A_971 = tpu.vector_load %arg13[%get3A_969, %get3A_970] {strides = array<i32>} : memref<128x128xf32, #tpu.memory_space<vmem>>, vector<1x16xf32>,
        %get3A_972 = vector.shape_cast %get3A_971 : vector<1x16xf32> to vector<16xf32>
        %mul3A_973 = vector.broadcast %squeeze3A_961 : f32 to vector<16xf32>
        %mul3A_974 = arith.mulf %mul3A_973, %get3A_972 : vector<16xf32>
        %add3A_975 = arith.addf %add3A_968, %mul3A_974 : vector<16xf32>
        %get3A_976 = arith.index_cast %add3A_957 : i32 to index
        %get3A_977 = arith.constant 16 : index
        %get3A_978 = tpu.vector_load %arg12[%get3A_976, %get3A_977] {strides = array<i32>} : memref<128x128xf32, #tpu.memory_space<vmem>>, vector<1x16xf32>,
        %get3A_979 = vector.shape_cast %get3A_978 : vector<1x16xf32> to vector<16xf32>
        %mul3A_980 = vector.broadcast %squeeze3A_959 : f32 to vector<16xf32>
        %mul3A_981 = arith.mulf %mul3A_980, %get3A_979 : vector<16xf32>
        %add3A_982 = arith.addf %add3A_869, %mul3A_981 : vector<16xf32>
        %get3A_983 = arith.index_cast %add3A_957 : i32 to index
        %get3A_984 = arith.constant 16 : index
        %get3A_985 = tpu.vector_load %arg13[%get3A_983, %get3A_984] {strides = array<i32>} : memref<128x128xf32, #tpu.memory_space<vmem>>, vector<1x16xf32>,
        %get3A_986 = vector.shape_cast %get3A_985 : vector<1x16xf32> to vector<16xf32>
        %mul3A_987 = vector.broadcast %squeeze3A_961 : f32 to vector<16xf32>
        %mul3A_988 = arith.mulf %mul3A_987, %get3A_986 : vector<16xf32>
        %add3A_989 = arith.addf %add3A_982, %mul3A_988 : vector<16xf32>
        %get3A_990 = arith.index_cast %add3A_957 : i32 to index
        %get3A_991 = arith.constant 32 : index
        %get3A_992 = tpu.vector_load %arg12[%get3A_990, %get3A_991] {strides = array<i32>} : memref<128x128xf32, #tpu.memory_space<vmem>>, vector<1x16xf32>,
        %get3A_993 = vector.shape_cast %get3A_992 : vector<1x16xf32> to vector<16xf32>
        %mul3A_994 = vector.broadcast %squeeze3A_959 : f32 to vector<16xf32>
        %mul3A_995 = arith.mulf %mul3A_994, %get3A_993 : vector<16xf32>
        %add3A_996 = arith.addf %add3A_883, %mul3A_995 : vector<16xf32>
        %get3A_997 = arith.index_cast %add3A_957 : i32 to index
        %get3A_998 = arith.constant 32 : index
        %get3A_999 = tpu.vector_load %arg13[%get3A_997, %get3A_998] {strides = array<i32>} : memref<128x128xf32, #tpu.memory_space<vmem>>, vector<1x16xf32>,
        %get3A_1000 = vector.shape_cast %get3A_999 : vector<1x16xf32> to vector<16xf32>
        %mul3A_1001 = vector.broadcast %squeeze3A_961 : f32 to vector<16xf32>
        %mul3A_1002 = arith.mulf %mul3A_1001, %get3A_1000 : vector<16xf32>
        %add3A_1003 = arith.addf %add3A_996, %mul3A_1002 : vector<16xf32>
        %get3A_1004 = arith.index_cast %add3A_957 : i32 to index
        %get3A_1005 = arith.constant 48 : index
        %get3A_1006 = tpu.vector_load %arg12[%get3A_1004, %get3A_1005] {strides = array<i32>} : memref<128x128xf32, #tpu.memory_space<vmem>>, vector<1x16xf32>,
        %get3A_1007 = vector.shape_cast %get3A_1006 : vector<1x16xf32> to vector<16xf32>
        %mul3A_1008 = vector.broadcast %squeeze3A_959 : f32 to vector<16xf32>
        %mul3A_1009 = arith.mulf %mul3A_1008, %get3A_1007 : vector<16xf32>
        %add3A_1010 = arith.addf %add3A_897, %mul3A_1009 : vector<16xf32>
        %get3A_1011 = arith.index_cast %add3A_957 : i32 to index
        %get3A_1012 = arith.constant 48 : index
        %get3A_1013 = tpu.vector_load %arg13[%get3A_1011, %get3A_1012] {strides = array<i32>} : memref<128x128xf32, #tpu.memory_space<vmem>>, vector<1x16xf32>,
        %get3A_1014 = vector.shape_cast %get3A_1013 : vector<1x16xf32> to vector<16xf32>
        %mul3A_1015 = vector.broadcast %squeeze3A_961 : f32 to vector<16xf32>
        %mul3A_1016 = arith.mulf %mul3A_1015, %get3A_1014 : vector<16xf32>
        %add3A_1017 = arith.addf %add3A_1010, %mul3A_1016 : vector<16xf32>
        %get3A_1018 = arith.index_cast %add3A_957 : i32 to index
        %get3A_1019 = arith.constant 64 : index
        %get3A_1020 = tpu.vector_load %arg12[%get3A_1018, %get3A_1019] {strides = array<i32>} : memref<128x128xf32, #tpu.memory_space<vmem>>, vector<1x16xf32>,
        %get3A_1021 = vector.shape_cast %get3A_1020 : vector<1x16xf32> to vector<16xf32>
        %mul3A_1022 = vector.broadcast %squeeze3A_959 : f32 to vector<16xf32>
        %mul3A_1023 = arith.mulf %mul3A_1022, %get3A_1021 : vector<16xf32>
        %add3A_1024 = arith.addf %add3A_911, %mul3A_1023 : vector<16xf32>
        %get3A_1025 = arith.index_cast %add3A_957 : i32 to index
        %get3A_1026 = arith.constant 64 : index
        %get3A_1027 = tpu.vector_load %arg13[%get3A_1025, %get3A_1026] {strides = array<i32>} : memref<128x128xf32, #tpu.memory_space<vmem>>, vector<1x16xf32>,
        %get3A_1028 = vector.shape_cast %get3A_1027 : vector<1x16xf32> to vector<16xf32>
        %mul3A_1029 = vector.broadcast %squeeze3A_961 : f32 to vector<16xf32>
        %mul3A_1030 = arith.mulf %mul3A_1029, %get3A_1028 : vector<16xf32>
        %add3A_1031 = arith.addf %add3A_1024, %mul3A_1030 : vector<16xf32>
        %get3A_1032 = arith.index_cast %add3A_957 : i32 to index
        %get3A_1033 = arith.constant 80 : index
        %get3A_1034 = tpu.vector_load %arg12[%get3A_1032, %get3A_1033] {strides = array<i32>} : memref<128x128xf32, #tpu.memory_space<vmem>>, vector<1x16xf32>,
        %get3A_1035 = vector.shape_cast %get3A_1034 : vector<1x16xf32> to vector<16xf32>
        %mul3A_1036 = vector.broadcast %squeeze3A_959 : f32 to vector<16xf32>
        %mul3A_1037 = arith.mulf %mul3A_1036, %get3A_1035 : vector<16xf32>
        %add3A_1038 = arith.addf %add3A_925, %mul3A_1037 : vector<16xf32>
        %get3A_1039 = arith.index_cast %add3A_957 : i32 to index
        %get3A_1040 = arith.constant 80 : index
        %get3A_1041 = tpu.vector_load %arg13[%get3A_1039, %get3A_1040] {strides = array<i32>} : memref<128x128xf32, #tpu.memory_space<vmem>>, vector<1x16xf32>,
        %get3A_1042 = vector.shape_cast %get3A_1041 : vector<1x16xf32> to vector<16xf32>
        %mul3A_1043 = vector.broadcast %squeeze3A_961 : f32 to vector<16xf32>
        %mul3A_1044 = arith.mulf %mul3A_1043, %get3A_1042 : vector<16xf32>
        %add3A_1045 = arith.addf %add3A_1038, %mul3A_1044 : vector<16xf32>
        %get3A_1046 = arith.index_cast %add3A_957 : i32 to index
        %get3A_1047 = arith.constant 96 : index
        %get3A_1048 = tpu.vector_load %arg12[%get3A_1046, %get3A_1047] {strides = array<i32>} : memref<128x128xf32, #tpu.memory_space<vmem>>, vector<1x16xf32>,
        %get3A_1049 = vector.shape_cast %get3A_1048 : vector<1x16xf32> to vector<16xf32>
        %mul3A_1050 = vector.broadcast %squeeze3A_959 : f32 to vector<16xf32>
        %mul3A_1051 = arith.mulf %mul3A_1050, %get3A_1049 : vector<16xf32>
        %add3A_1052 = arith.addf %add3A_939, %mul3A_1051 : vector<16xf32>
        %get3A_1053 = arith.index_cast %add3A_957 : i32 to index
        %get3A_1054 = arith.constant 96 : index
        %get3A_1055 = tpu.vector_load %arg13[%get3A_1053, %get3A_1054] {strides = array<i32>} : memref<128x128xf32, #tpu.memory_space<vmem>>, vector<1x16xf32>,
        %get3A_1056 = vector.shape_cast %get3A_1055 : vector<1x16xf32> to vector<16xf32>
        %mul3A_1057 = vector.broadcast %squeeze3A_961 : f32 to vector<16xf32>
        %mul3A_1058 = arith.mulf %mul3A_1057, %get3A_1056 : vector<16xf32>
        %add3A_1059 = arith.addf %add3A_1052, %mul3A_1058 : vector<16xf32>
        %get3A_1060 = arith.index_cast %add3A_957 : i32 to index
        %get3A_1061 = arith.constant 112 : index
        %get3A_1062 = tpu.vector_load %arg12[%get3A_1060, %get3A_1061] {strides = array<i32>} : memref<128x128xf32, #tpu.memory_space<vmem>>, vector<1x16xf32>,
        %get3A_1063 = vector.shape_cast %get3A_1062 : vector<1x16xf32> to vector<16xf32>
        %mul3A_1064 = vector.broadcast %squeeze3A_959 : f32 to vector<16xf32>
        %mul3A_1065 = arith.mulf %mul3A_1064, %get3A_1063 : vector<16xf32>
        %add3A_1066 = arith.addf %add3A_953, %mul3A_1065 : vector<16xf32>
        %get3A_1067 = arith.index_cast %add3A_957 : i32 to index
        %get3A_1068 = arith.constant 112 : index
        %get3A_1069 = tpu.vector_load %arg13[%get3A_1067, %get3A_1068] {strides = array<i32>} : memref<128x128xf32, #tpu.memory_space<vmem>>, vector<1x16xf32>,
        %get3A_1070 = vector.shape_cast %get3A_1069 : vector<1x16xf32> to vector<16xf32>
        %mul3A_1071 = vector.broadcast %squeeze3A_961 : f32 to vector<16xf32>
        %mul3A_1072 = arith.mulf %mul3A_1071, %get3A_1070 : vector<16xf32>
        %add3A_1073 = arith.addf %add3A_1066, %mul3A_1072 : vector<16xf32>
        %mul3A_1074 = arith.constant 16 : i32
        %mul3A_1075 = arith.muli %scan3A_97, %mul3A_1074 : i32
        %add3A_1076 = arith.constant 8 : i32
        %add3A_1077 = arith.addi %mul3A_1075, %add3A_1076 : i32
        %slice3A_1078 = vector.extract_strided_slice %get3A_110 {offsets = [8], sizes = [1], strides = [1]} : vector<16xf32> to vector<1xf32>
        %squeeze3A_1079 = vector.extract %slice3A_1078[0] : f32 from vector<1xf32>
        %slice3A_1080 = vector.extract_strided_slice %get3A_115 {offsets = [8], sizes = [1], strides = [1]} : vector<16xf32> to vector<1xf32>
        %squeeze3A_1081 = vector.extract %slice3A_1080[0] : f32 from vector<1xf32>
        %get3A_1082 = arith.index_cast %add3A_1077 : i32 to index
        %get3A_1083 = arith.constant 0 : index
        %get3A_1084 = tpu.vector_load %arg12[%get3A_1082, %get3A_1083] {strides = array<i32>} : memref<128x128xf32, #tpu.memory_space<vmem>>, vector<1x16xf32>,
        %get3A_1085 = vector.shape_cast %get3A_1084 : vector<1x16xf32> to vector<16xf32>
        %mul3A_1086 = vector.broadcast %squeeze3A_1079 : f32 to vector<16xf32>
        %mul3A_1087 = arith.mulf %mul3A_1086, %get3A_1085 : vector<16xf32>
        %add3A_1088 = arith.addf %add3A_975, %mul3A_1087 : vector<16xf32>
        %get3A_1089 = arith.index_cast %add3A_1077 : i32 to index
        %get3A_1090 = arith.constant 0 : index
        %get3A_1091 = tpu.vector_load %arg13[%get3A_1089, %get3A_1090] {strides = array<i32>} : memref<128x128xf32, #tpu.memory_space<vmem>>, vector<1x16xf32>,
        %get3A_1092 = vector.shape_cast %get3A_1091 : vector<1x16xf32> to vector<16xf32>
        %mul3A_1093 = vector.broadcast %squeeze3A_1081 : f32 to vector<16xf32>
        %mul3A_1094 = arith.mulf %mul3A_1093, %get3A_1092 : vector<16xf32>
        %add3A_1095 = arith.addf %add3A_1088, %mul3A_1094 : vector<16xf32>
        %get3A_1096 = arith.index_cast %add3A_1077 : i32 to index
        %get3A_1097 = arith.constant 16 : index
        %get3A_1098 = tpu.vector_load %arg12[%get3A_1096, %get3A_1097] {strides = array<i32>} : memref<128x128xf32, #tpu.memory_space<vmem>>, vector<1x16xf32>,
        %get3A_1099 = vector.shape_cast %get3A_1098 : vector<1x16xf32> to vector<16xf32>
        %mul3A_1100 = vector.broadcast %squeeze3A_1079 : f32 to vector<16xf32>
        %mul3A_1101 = arith.mulf %mul3A_1100, %get3A_1099 : vector<16xf32>
        %add3A_1102 = arith.addf %add3A_989, %mul3A_1101 : vector<16xf32>
        %get3A_1103 = arith.index_cast %add3A_1077 : i32 to index
        %get3A_1104 = arith.constant 16 : index
        %get3A_1105 = tpu.vector_load %arg13[%get3A_1103, %get3A_1104] {strides = array<i32>} : memref<128x128xf32, #tpu.memory_space<vmem>>, vector<1x16xf32>,
        %get3A_1106 = vector.shape_cast %get3A_1105 : vector<1x16xf32> to vector<16xf32>
        %mul3A_1107 = vector.broadcast %squeeze3A_1081 : f32 to vector<16xf32>
        %mul3A_1108 = arith.mulf %mul3A_1107, %get3A_1106 : vector<16xf32>
        %add3A_1109 = arith.addf %add3A_1102, %mul3A_1108 : vector<16xf32>
        %get3A_1110 = arith.index_cast %add3A_1077 : i32 to index
        %get3A_1111 = arith.constant 32 : index
        %get3A_1112 = tpu.vector_load %arg12[%get3A_1110, %get3A_1111] {strides = array<i32>} : memref<128x128xf32, #tpu.memory_space<vmem>>, vector<1x16xf32>,
        %get3A_1113 = vector.shape_cast %get3A_1112 : vector<1x16xf32> to vector<16xf32>
        %mul3A_1114 = vector.broadcast %squeeze3A_1079 : f32 to vector<16xf32>
        %mul3A_1115 = arith.mulf %mul3A_1114, %get3A_1113 : vector<16xf32>
        %add3A_1116 = arith.addf %add3A_1003, %mul3A_1115 : vector<16xf32>
        %get3A_1117 = arith.index_cast %add3A_1077 : i32 to index
        %get3A_1118 = arith.constant 32 : index
        %get3A_1119 = tpu.vector_load %arg13[%get3A_1117, %get3A_1118] {strides = array<i32>} : memref<128x128xf32, #tpu.memory_space<vmem>>, vector<1x16xf32>,
        %get3A_1120 = vector.shape_cast %get3A_1119 : vector<1x16xf32> to vector<16xf32>
        %mul3A_1121 = vector.broadcast %squeeze3A_1081 : f32 to vector<16xf32>
        %mul3A_1122 = arith.mulf %mul3A_1121, %get3A_1120 : vector<16xf32>
        %add3A_1123 = arith.addf %add3A_1116, %mul3A_1122 : vector<16xf32>
        %get3A_1124 = arith.index_cast %add3A_1077 : i32 to index
        %get3A_1125 = arith.constant 48 : index
        %get3A_1126 = tpu.vector_load %arg12[%get3A_1124, %get3A_1125] {strides = array<i32>} : memref<128x128xf32, #tpu.memory_space<vmem>>, vector<1x16xf32>,
        %get3A_1127 = vector.shape_cast %get3A_1126 : vector<1x16xf32> to vector<16xf32>
        %mul3A_1128 = vector.broadcast %squeeze3A_1079 : f32 to vector<16xf32>
        %mul3A_1129 = arith.mulf %mul3A_1128, %get3A_1127 : vector<16xf32>
        %add3A_1130 = arith.addf %add3A_1017, %mul3A_1129 : vector<16xf32>
        %get3A_1131 = arith.index_cast %add3A_1077 : i32 to index
        %get3A_1132 = arith.constant 48 : index
        %get3A_1133 = tpu.vector_load %arg13[%get3A_1131, %get3A_1132] {strides = array<i32>} : memref<128x128xf32, #tpu.memory_space<vmem>>, vector<1x16xf32>,
        %get3A_1134 = vector.shape_cast %get3A_1133 : vector<1x16xf32> to vector<16xf32>
        %mul3A_1135 = vector.broadcast %squeeze3A_1081 : f32 to vector<16xf32>
        %mul3A_1136 = arith.mulf %mul3A_1135, %get3A_1134 : vector<16xf32>
        %add3A_1137 = arith.addf %add3A_1130, %mul3A_1136 : vector<16xf32>
        %get3A_1138 = arith.index_cast %add3A_1077 : i32 to index
        %get3A_1139 = arith.constant 64 : index
        %get3A_1140 = tpu.vector_load %arg12[%get3A_1138, %get3A_1139] {strides = array<i32>} : memref<128x128xf32, #tpu.memory_space<vmem>>, vector<1x16xf32>,
        %get3A_1141 = vector.shape_cast %get3A_1140 : vector<1x16xf32> to vector<16xf32>
        %mul3A_1142 = vector.broadcast %squeeze3A_1079 : f32 to vector<16xf32>
        %mul3A_1143 = arith.mulf %mul3A_1142, %get3A_1141 : vector<16xf32>
        %add3A_1144 = arith.addf %add3A_1031, %mul3A_1143 : vector<16xf32>
        %get3A_1145 = arith.index_cast %add3A_1077 : i32 to index
        %get3A_1146 = arith.constant 64 : index
        %get3A_1147 = tpu.vector_load %arg13[%get3A_1145, %get3A_1146] {strides = array<i32>} : memref<128x128xf32, #tpu.memory_space<vmem>>, vector<1x16xf32>,
        %get3A_1148 = vector.shape_cast %get3A_1147 : vector<1x16xf32> to vector<16xf32>
        %mul3A_1149 = vector.broadcast %squeeze3A_1081 : f32 to vector<16xf32>
        %mul3A_1150 = arith.mulf %mul3A_1149, %get3A_1148 : vector<16xf32>
        %add3A_1151 = arith.addf %add3A_1144, %mul3A_1150 : vector<16xf32>
        %get3A_1152 = arith.index_cast %add3A_1077 : i32 to index
        %get3A_1153 = arith.constant 80 : index
        %get3A_1154 = tpu.vector_load %arg12[%get3A_1152, %get3A_1153] {strides = array<i32>} : memref<128x128xf32, #tpu.memory_space<vmem>>, vector<1x16xf32>,
        %get3A_1155 = vector.shape_cast %get3A_1154 : vector<1x16xf32> to vector<16xf32>
        %mul3A_1156 = vector.broadcast %squeeze3A_1079 : f32 to vector<16xf32>
        %mul3A_1157 = arith.mulf %mul3A_1156, %get3A_1155 : vector<16xf32>
        %add3A_1158 = arith.addf %add3A_1045, %mul3A_1157 : vector<16xf32>
        %get3A_1159 = arith.index_cast %add3A_1077 : i32 to index
        %get3A_1160 = arith.constant 80 : index
        %get3A_1161 = tpu.vector_load %arg13[%get3A_1159, %get3A_1160] {strides = array<i32>} : memref<128x128xf32, #tpu.memory_space<vmem>>, vector<1x16xf32>,
        %get3A_1162 = vector.shape_cast %get3A_1161 : vector<1x16xf32> to vector<16xf32>
        %mul3A_1163 = vector.broadcast %squeeze3A_1081 : f32 to vector<16xf32>
        %mul3A_1164 = arith.mulf %mul3A_1163, %get3A_1162 : vector<16xf32>
        %add3A_1165 = arith.addf %add3A_1158, %mul3A_1164 : vector<16xf32>
        %get3A_1166 = arith.index_cast %add3A_1077 : i32 to index
        %get3A_1167 = arith.constant 96 : index
        %get3A_1168 = tpu.vector_load %arg12[%get3A_1166, %get3A_1167] {strides = array<i32>} : memref<128x128xf32, #tpu.memory_space<vmem>>, vector<1x16xf32>,
        %get3A_1169 = vector.shape_cast %get3A_1168 : vector<1x16xf32> to vector<16xf32>
        %mul3A_1170 = vector.broadcast %squeeze3A_1079 : f32 to vector<16xf32>
        %mul3A_1171 = arith.mulf %mul3A_1170, %get3A_1169 : vector<16xf32>
        %add3A_1172 = arith.addf %add3A_1059, %mul3A_1171 : vector<16xf32>
        %get3A_1173 = arith.index_cast %add3A_1077 : i32 to index
        %get3A_1174 = arith.constant 96 : index
        %get3A_1175 = tpu.vector_load %arg13[%get3A_1173, %get3A_1174] {strides = array<i32>} : memref<128x128xf32, #tpu.memory_space<vmem>>, vector<1x16xf32>,
        %get3A_1176 = vector.shape_cast %get3A_1175 : vector<1x16xf32> to vector<16xf32>
        %mul3A_1177 = vector.broadcast %squeeze3A_1081 : f32 to vector<16xf32>
        %mul3A_1178 = arith.mulf %mul3A_1177, %get3A_1176 : vector<16xf32>
        %add3A_1179 = arith.addf %add3A_1172, %mul3A_1178 : vector<16xf32>
        %get3A_1180 = arith.index_cast %add3A_1077 : i32 to index
        %get3A_1181 = arith.constant 112 : index
        %get3A_1182 = tpu.vector_load %arg12[%get3A_1180, %get3A_1181] {strides = array<i32>} : memref<128x128xf32, #tpu.memory_space<vmem>>, vector<1x16xf32>,
        %get3A_1183 = vector.shape_cast %get3A_1182 : vector<1x16xf32> to vector<16xf32>
        %mul3A_1184 = vector.broadcast %squeeze3A_1079 : f32 to vector<16xf32>
        %mul3A_1185 = arith.mulf %mul3A_1184, %get3A_1183 : vector<16xf32>
        %add3A_1186 = arith.addf %add3A_1073, %mul3A_1185 : vector<16xf32>
        %get3A_1187 = arith.index_cast %add3A_1077 : i32 to index
        %get3A_1188 = arith.constant 112 : index
        %get3A_1189 = tpu.vector_load %arg13[%get3A_1187, %get3A_1188] {strides = array<i32>} : memref<128x128xf32, #tpu.memory_space<vmem>>, vector<1x16xf32>,
        %get3A_1190 = vector.shape_cast %get3A_1189 : vector<1x16xf32> to vector<16xf32>
        %mul3A_1191 = vector.broadcast %squeeze3A_1081 : f32 to vector<16xf32>
        %mul3A_1192 = arith.mulf %mul3A_1191, %get3A_1190 : vector<16xf32>
        %add3A_1193 = arith.addf %add3A_1186, %mul3A_1192 : vector<16xf32>
        %mul3A_1194 = arith.constant 16 : i32
        %mul3A_1195 = arith.muli %scan3A_97, %mul3A_1194 : i32
        %add3A_1196 = arith.constant 9 : i32
        %add3A_1197 = arith.addi %mul3A_1195, %add3A_1196 : i32
        %slice3A_1198 = vector.extract_strided_slice %get3A_110 {offsets = [9], sizes = [1], strides = [1]} : vector<16xf32> to vector<1xf32>
        %squeeze3A_1199 = vector.extract %slice3A_1198[0] : f32 from vector<1xf32>
        %slice3A_1200 = vector.extract_strided_slice %get3A_115 {offsets = [9], sizes = [1], strides = [1]} : vector<16xf32> to vector<1xf32>
        %squeeze3A_1201 = vector.extract %slice3A_1200[0] : f32 from vector<1xf32>
        %get3A_1202 = arith.index_cast %add3A_1197 : i32 to index
        %get3A_1203 = arith.constant 0 : index
        %get3A_1204 = tpu.vector_load %arg12[%get3A_1202, %get3A_1203] {strides = array<i32>} : memref<128x128xf32, #tpu.memory_space<vmem>>, vector<1x16xf32>,
        %get3A_1205 = vector.shape_cast %get3A_1204 : vector<1x16xf32> to vector<16xf32>
        %mul3A_1206 = vector.broadcast %squeeze3A_1199 : f32 to vector<16xf32>
        %mul3A_1207 = arith.mulf %mul3A_1206, %get3A_1205 : vector<16xf32>
        %add3A_1208 = arith.addf %add3A_1095, %mul3A_1207 : vector<16xf32>
        %get3A_1209 = arith.index_cast %add3A_1197 : i32 to index
        %get3A_1210 = arith.constant 0 : index
        %get3A_1211 = tpu.vector_load %arg13[%get3A_1209, %get3A_1210] {strides = array<i32>} : memref<128x128xf32, #tpu.memory_space<vmem>>, vector<1x16xf32>,
        %get3A_1212 = vector.shape_cast %get3A_1211 : vector<1x16xf32> to vector<16xf32>
        %mul3A_1213 = vector.broadcast %squeeze3A_1201 : f32 to vector<16xf32>
        %mul3A_1214 = arith.mulf %mul3A_1213, %get3A_1212 : vector<16xf32>
        %add3A_1215 = arith.addf %add3A_1208, %mul3A_1214 : vector<16xf32>
        %get3A_1216 = arith.index_cast %add3A_1197 : i32 to index
        %get3A_1217 = arith.constant 16 : index
        %get3A_1218 = tpu.vector_load %arg12[%get3A_1216, %get3A_1217] {strides = array<i32>} : memref<128x128xf32, #tpu.memory_space<vmem>>, vector<1x16xf32>,
        %get3A_1219 = vector.shape_cast %get3A_1218 : vector<1x16xf32> to vector<16xf32>
        %mul3A_1220 = vector.broadcast %squeeze3A_1199 : f32 to vector<16xf32>
        %mul3A_1221 = arith.mulf %mul3A_1220, %get3A_1219 : vector<16xf32>
        %add3A_1222 = arith.addf %add3A_1109, %mul3A_1221 : vector<16xf32>
        %get3A_1223 = arith.index_cast %add3A_1197 : i32 to index
        %get3A_1224 = arith.constant 16 : index
        %get3A_1225 = tpu.vector_load %arg13[%get3A_1223, %get3A_1224] {strides = array<i32>} : memref<128x128xf32, #tpu.memory_space<vmem>>, vector<1x16xf32>,
        %get3A_1226 = vector.shape_cast %get3A_1225 : vector<1x16xf32> to vector<16xf32>
        %mul3A_1227 = vector.broadcast %squeeze3A_1201 : f32 to vector<16xf32>
        %mul3A_1228 = arith.mulf %mul3A_1227, %get3A_1226 : vector<16xf32>
        %add3A_1229 = arith.addf %add3A_1222, %mul3A_1228 : vector<16xf32>
        %get3A_1230 = arith.index_cast %add3A_1197 : i32 to index
        %get3A_1231 = arith.constant 32 : index
        %get3A_1232 = tpu.vector_load %arg12[%get3A_1230, %get3A_1231] {strides = array<i32>} : memref<128x128xf32, #tpu.memory_space<vmem>>, vector<1x16xf32>,
        %get3A_1233 = vector.shape_cast %get3A_1232 : vector<1x16xf32> to vector<16xf32>
        %mul3A_1234 = vector.broadcast %squeeze3A_1199 : f32 to vector<16xf32>
        %mul3A_1235 = arith.mulf %mul3A_1234, %get3A_1233 : vector<16xf32>
        %add3A_1236 = arith.addf %add3A_1123, %mul3A_1235 : vector<16xf32>
        %get3A_1237 = arith.index_cast %add3A_1197 : i32 to index
        %get3A_1238 = arith.constant 32 : index
        %get3A_1239 = tpu.vector_load %arg13[%get3A_1237, %get3A_1238] {strides = array<i32>} : memref<128x128xf32, #tpu.memory_space<vmem>>, vector<1x16xf32>,
        %get3A_1240 = vector.shape_cast %get3A_1239 : vector<1x16xf32> to vector<16xf32>
        %mul3A_1241 = vector.broadcast %squeeze3A_1201 : f32 to vector<16xf32>
        %mul3A_1242 = arith.mulf %mul3A_1241, %get3A_1240 : vector<16xf32>
        %add3A_1243 = arith.addf %add3A_1236, %mul3A_1242 : vector<16xf32>
        %get3A_1244 = arith.index_cast %add3A_1197 : i32 to index
        %get3A_1245 = arith.constant 48 : index
        %get3A_1246 = tpu.vector_load %arg12[%get3A_1244, %get3A_1245] {strides = array<i32>} : memref<128x128xf32, #tpu.memory_space<vmem>>, vector<1x16xf32>,
        %get3A_1247 = vector.shape_cast %get3A_1246 : vector<1x16xf32> to vector<16xf32>
        %mul3A_1248 = vector.broadcast %squeeze3A_1199 : f32 to vector<16xf32>
        %mul3A_1249 = arith.mulf %mul3A_1248, %get3A_1247 : vector<16xf32>
        %add3A_1250 = arith.addf %add3A_1137, %mul3A_1249 : vector<16xf32>
        %get3A_1251 = arith.index_cast %add3A_1197 : i32 to index
        %get3A_1252 = arith.constant 48 : index
        %get3A_1253 = tpu.vector_load %arg13[%get3A_1251, %get3A_1252] {strides = array<i32>} : memref<128x128xf32, #tpu.memory_space<vmem>>, vector<1x16xf32>,
        %get3A_1254 = vector.shape_cast %get3A_1253 : vector<1x16xf32> to vector<16xf32>
        %mul3A_1255 = vector.broadcast %squeeze3A_1201 : f32 to vector<16xf32>
        %mul3A_1256 = arith.mulf %mul3A_1255, %get3A_1254 : vector<16xf32>
        %add3A_1257 = arith.addf %add3A_1250, %mul3A_1256 : vector<16xf32>
        %get3A_1258 = arith.index_cast %add3A_1197 : i32 to index
        %get3A_1259 = arith.constant 64 : index
        %get3A_1260 = tpu.vector_load %arg12[%get3A_1258, %get3A_1259] {strides = array<i32>} : memref<128x128xf32, #tpu.memory_space<vmem>>, vector<1x16xf32>,
        %get3A_1261 = vector.shape_cast %get3A_1260 : vector<1x16xf32> to vector<16xf32>
        %mul3A_1262 = vector.broadcast %squeeze3A_1199 : f32 to vector<16xf32>
        %mul3A_1263 = arith.mulf %mul3A_1262, %get3A_1261 : vector<16xf32>
        %add3A_1264 = arith.addf %add3A_1151, %mul3A_1263 : vector<16xf32>
        %get3A_1265 = arith.index_cast %add3A_1197 : i32 to index
        %get3A_1266 = arith.constant 64 : index
        %get3A_1267 = tpu.vector_load %arg13[%get3A_1265, %get3A_1266] {strides = array<i32>} : memref<128x128xf32, #tpu.memory_space<vmem>>, vector<1x16xf32>,
        %get3A_1268 = vector.shape_cast %get3A_1267 : vector<1x16xf32> to vector<16xf32>
        %mul3A_1269 = vector.broadcast %squeeze3A_1201 : f32 to vector<16xf32>
        %mul3A_1270 = arith.mulf %mul3A_1269, %get3A_1268 : vector<16xf32>
        %add3A_1271 = arith.addf %add3A_1264, %mul3A_1270 : vector<16xf32>
        %get3A_1272 = arith.index_cast %add3A_1197 : i32 to index
        %get3A_1273 = arith.constant 80 : index
        %get3A_1274 = tpu.vector_load %arg12[%get3A_1272, %get3A_1273] {strides = array<i32>} : memref<128x128xf32, #tpu.memory_space<vmem>>, vector<1x16xf32>,
        %get3A_1275 = vector.shape_cast %get3A_1274 : vector<1x16xf32> to vector<16xf32>
        %mul3A_1276 = vector.broadcast %squeeze3A_1199 : f32 to vector<16xf32>
        %mul3A_1277 = arith.mulf %mul3A_1276, %get3A_1275 : vector<16xf32>
        %add3A_1278 = arith.addf %add3A_1165, %mul3A_1277 : vector<16xf32>
        %get3A_1279 = arith.index_cast %add3A_1197 : i32 to index
        %get3A_1280 = arith.constant 80 : index
        %get3A_1281 = tpu.vector_load %arg13[%get3A_1279, %get3A_1280] {strides = array<i32>} : memref<128x128xf32, #tpu.memory_space<vmem>>, vector<1x16xf32>,
        %get3A_1282 = vector.shape_cast %get3A_1281 : vector<1x16xf32> to vector<16xf32>
        %mul3A_1283 = vector.broadcast %squeeze3A_1201 : f32 to vector<16xf32>
        %mul3A_1284 = arith.mulf %mul3A_1283, %get3A_1282 : vector<16xf32>
        %add3A_1285 = arith.addf %add3A_1278, %mul3A_1284 : vector<16xf32>
        %get3A_1286 = arith.index_cast %add3A_1197 : i32 to index
        %get3A_1287 = arith.constant 96 : index
        %get3A_1288 = tpu.vector_load %arg12[%get3A_1286, %get3A_1287] {strides = array<i32>} : memref<128x128xf32, #tpu.memory_space<vmem>>, vector<1x16xf32>,
        %get3A_1289 = vector.shape_cast %get3A_1288 : vector<1x16xf32> to vector<16xf32>
        %mul3A_1290 = vector.broadcast %squeeze3A_1199 : f32 to vector<16xf32>
        %mul3A_1291 = arith.mulf %mul3A_1290, %get3A_1289 : vector<16xf32>
        %add3A_1292 = arith.addf %add3A_1179, %mul3A_1291 : vector<16xf32>
        %get3A_1293 = arith.index_cast %add3A_1197 : i32 to index
        %get3A_1294 = arith.constant 96 : index
        %get3A_1295 = tpu.vector_load %arg13[%get3A_1293, %get3A_1294] {strides = array<i32>} : memref<128x128xf32, #tpu.memory_space<vmem>>, vector<1x16xf32>,
        %get3A_1296 = vector.shape_cast %get3A_1295 : vector<1x16xf32> to vector<16xf32>
        %mul3A_1297 = vector.broadcast %squeeze3A_1201 : f32 to vector<16xf32>
        %mul3A_1298 = arith.mulf %mul3A_1297, %get3A_1296 : vector<16xf32>
        %add3A_1299 = arith.addf %add3A_1292, %mul3A_1298 : vector<16xf32>
        %get3A_1300 = arith.index_cast %add3A_1197 : i32 to index
        %get3A_1301 = arith.constant 112 : index
        %get3A_1302 = tpu.vector_load %arg12[%get3A_1300, %get3A_1301] {strides = array<i32>} : memref<128x128xf32, #tpu.memory_space<vmem>>, vector<1x16xf32>,
        %get3A_1303 = vector.shape_cast %get3A_1302 : vector<1x16xf32> to vector<16xf32>
        %mul3A_1304 = vector.broadcast %squeeze3A_1199 : f32 to vector<16xf32>
        %mul3A_1305 = arith.mulf %mul3A_1304, %get3A_1303 : vector<16xf32>
        %add3A_1306 = arith.addf %add3A_1193, %mul3A_1305 : vector<16xf32>
        %get3A_1307 = arith.index_cast %add3A_1197 : i32 to index
        %get3A_1308 = arith.constant 112 : index
        %get3A_1309 = tpu.vector_load %arg13[%get3A_1307, %get3A_1308] {strides = array<i32>} : memref<128x128xf32, #tpu.memory_space<vmem>>, vector<1x16xf32>,
        %get3A_1310 = vector.shape_cast %get3A_1309 : vector<1x16xf32> to vector<16xf32>
        %mul3A_1311 = vector.broadcast %squeeze3A_1201 : f32 to vector<16xf32>
        %mul3A_1312 = arith.mulf %mul3A_1311, %get3A_1310 : vector<16xf32>
        %add3A_1313 = arith.addf %add3A_1306, %mul3A_1312 : vector<16xf32>
        %mul3A_1314 = arith.constant 16 : i32
        %mul3A_1315 = arith.muli %scan3A_97, %mul3A_1314 : i32
        %add3A_1316 = arith.constant 10 : i32
        %add3A_1317 = arith.addi %mul3A_1315, %add3A_1316 : i32
        %slice3A_1318 = vector.extract_strided_slice %get3A_110 {offsets = [10], sizes = [1], strides = [1]} : vector<16xf32> to vector<1xf32>
        %squeeze3A_1319 = vector.extract %slice3A_1318[0] : f32 from vector<1xf32>
        %slice3A_1320 = vector.extract_strided_slice %get3A_115 {offsets = [10], sizes = [1], strides = [1]} : vector<16xf32> to vector<1xf32>
        %squeeze3A_1321 = vector.extract %slice3A_1320[0] : f32 from vector<1xf32>
        %get3A_1322 = arith.index_cast %add3A_1317 : i32 to index
        %get3A_1323 = arith.constant 0 : index
        %get3A_1324 = tpu.vector_load %arg12[%get3A_1322, %get3A_1323] {strides = array<i32>} : memref<128x128xf32, #tpu.memory_space<vmem>>, vector<1x16xf32>,
        %get3A_1325 = vector.shape_cast %get3A_1324 : vector<1x16xf32> to vector<16xf32>
        %mul3A_1326 = vector.broadcast %squeeze3A_1319 : f32 to vector<16xf32>
        %mul3A_1327 = arith.mulf %mul3A_1326, %get3A_1325 : vector<16xf32>
        %add3A_1328 = arith.addf %add3A_1215, %mul3A_1327 : vector<16xf32>
        %get3A_1329 = arith.index_cast %add3A_1317 : i32 to index
        %get3A_1330 = arith.constant 0 : index
        %get3A_1331 = tpu.vector_load %arg13[%get3A_1329, %get3A_1330] {strides = array<i32>} : memref<128x128xf32, #tpu.memory_space<vmem>>, vector<1x16xf32>,
        %get3A_1332 = vector.shape_cast %get3A_1331 : vector<1x16xf32> to vector<16xf32>
        %mul3A_1333 = vector.broadcast %squeeze3A_1321 : f32 to vector<16xf32>
        %mul3A_1334 = arith.mulf %mul3A_1333, %get3A_1332 : vector<16xf32>
        %add3A_1335 = arith.addf %add3A_1328, %mul3A_1334 : vector<16xf32>
        %get3A_1336 = arith.index_cast %add3A_1317 : i32 to index
        %get3A_1337 = arith.constant 16 : index
        %get3A_1338 = tpu.vector_load %arg12[%get3A_1336, %get3A_1337] {strides = array<i32>} : memref<128x128xf32, #tpu.memory_space<vmem>>, vector<1x16xf32>,
        %get3A_1339 = vector.shape_cast %get3A_1338 : vector<1x16xf32> to vector<16xf32>
        %mul3A_1340 = vector.broadcast %squeeze3A_1319 : f32 to vector<16xf32>
        %mul3A_1341 = arith.mulf %mul3A_1340, %get3A_1339 : vector<16xf32>
        %add3A_1342 = arith.addf %add3A_1229, %mul3A_1341 : vector<16xf32>
        %get3A_1343 = arith.index_cast %add3A_1317 : i32 to index
        %get3A_1344 = arith.constant 16 : index
        %get3A_1345 = tpu.vector_load %arg13[%get3A_1343, %get3A_1344] {strides = array<i32>} : memref<128x128xf32, #tpu.memory_space<vmem>>, vector<1x16xf32>,
        %get3A_1346 = vector.shape_cast %get3A_1345 : vector<1x16xf32> to vector<16xf32>
        %mul3A_1347 = vector.broadcast %squeeze3A_1321 : f32 to vector<16xf32>
        %mul3A_1348 = arith.mulf %mul3A_1347, %get3A_1346 : vector<16xf32>
        %add3A_1349 = arith.addf %add3A_1342, %mul3A_1348 : vector<16xf32>
        %get3A_1350 = arith.index_cast %add3A_1317 : i32 to index
        %get3A_1351 = arith.constant 32 : index
        %get3A_1352 = tpu.vector_load %arg12[%get3A_1350, %get3A_1351] {strides = array<i32>} : memref<128x128xf32, #tpu.memory_space<vmem>>, vector<1x16xf32>,
        %get3A_1353 = vector.shape_cast %get3A_1352 : vector<1x16xf32> to vector<16xf32>
        %mul3A_1354 = vector.broadcast %squeeze3A_1319 : f32 to vector<16xf32>
        %mul3A_1355 = arith.mulf %mul3A_1354, %get3A_1353 : vector<16xf32>
        %add3A_1356 = arith.addf %add3A_1243, %mul3A_1355 : vector<16xf32>
        %get3A_1357 = arith.index_cast %add3A_1317 : i32 to index
        %get3A_1358 = arith.constant 32 : index
        %get3A_1359 = tpu.vector_load %arg13[%get3A_1357, %get3A_1358] {strides = array<i32>} : memref<128x128xf32, #tpu.memory_space<vmem>>, vector<1x16xf32>,
        %get3A_1360 = vector.shape_cast %get3A_1359 : vector<1x16xf32> to vector<16xf32>
        %mul3A_1361 = vector.broadcast %squeeze3A_1321 : f32 to vector<16xf32>
        %mul3A_1362 = arith.mulf %mul3A_1361, %get3A_1360 : vector<16xf32>
        %add3A_1363 = arith.addf %add3A_1356, %mul3A_1362 : vector<16xf32>
        %get3A_1364 = arith.index_cast %add3A_1317 : i32 to index
        %get3A_1365 = arith.constant 48 : index
        %get3A_1366 = tpu.vector_load %arg12[%get3A_1364, %get3A_1365] {strides = array<i32>} : memref<128x128xf32, #tpu.memory_space<vmem>>, vector<1x16xf32>,
        %get3A_1367 = vector.shape_cast %get3A_1366 : vector<1x16xf32> to vector<16xf32>
        %mul3A_1368 = vector.broadcast %squeeze3A_1319 : f32 to vector<16xf32>
        %mul3A_1369 = arith.mulf %mul3A_1368, %get3A_1367 : vector<16xf32>
        %add3A_1370 = arith.addf %add3A_1257, %mul3A_1369 : vector<16xf32>
        %get3A_1371 = arith.index_cast %add3A_1317 : i32 to index
        %get3A_1372 = arith.constant 48 : index
        %get3A_1373 = tpu.vector_load %arg13[%get3A_1371, %get3A_1372] {strides = array<i32>} : memref<128x128xf32, #tpu.memory_space<vmem>>, vector<1x16xf32>,
        %get3A_1374 = vector.shape_cast %get3A_1373 : vector<1x16xf32> to vector<16xf32>
        %mul3A_1375 = vector.broadcast %squeeze3A_1321 : f32 to vector<16xf32>
        %mul3A_1376 = arith.mulf %mul3A_1375, %get3A_1374 : vector<16xf32>
        %add3A_1377 = arith.addf %add3A_1370, %mul3A_1376 : vector<16xf32>
        %get3A_1378 = arith.index_cast %add3A_1317 : i32 to index
        %get3A_1379 = arith.constant 64 : index
        %get3A_1380 = tpu.vector_load %arg12[%get3A_1378, %get3A_1379] {strides = array<i32>} : memref<128x128xf32, #tpu.memory_space<vmem>>, vector<1x16xf32>,
        %get3A_1381 = vector.shape_cast %get3A_1380 : vector<1x16xf32> to vector<16xf32>
        %mul3A_1382 = vector.broadcast %squeeze3A_1319 : f32 to vector<16xf32>
        %mul3A_1383 = arith.mulf %mul3A_1382, %get3A_1381 : vector<16xf32>
        %add3A_1384 = arith.addf %add3A_1271, %mul3A_1383 : vector<16xf32>
        %get3A_1385 = arith.index_cast %add3A_1317 : i32 to index
        %get3A_1386 = arith.constant 64 : index
        %get3A_1387 = tpu.vector_load %arg13[%get3A_1385, %get3A_1386] {strides = array<i32>} : memref<128x128xf32, #tpu.memory_space<vmem>>, vector<1x16xf32>,
        %get3A_1388 = vector.shape_cast %get3A_1387 : vector<1x16xf32> to vector<16xf32>
        %mul3A_1389 = vector.broadcast %squeeze3A_1321 : f32 to vector<16xf32>
        %mul3A_1390 = arith.mulf %mul3A_1389, %get3A_1388 : vector<16xf32>
        %add3A_1391 = arith.addf %add3A_1384, %mul3A_1390 : vector<16xf32>
        %get3A_1392 = arith.index_cast %add3A_1317 : i32 to index
        %get3A_1393 = arith.constant 80 : index
        %get3A_1394 = tpu.vector_load %arg12[%get3A_1392, %get3A_1393] {strides = array<i32>} : memref<128x128xf32, #tpu.memory_space<vmem>>, vector<1x16xf32>,
        %get3A_1395 = vector.shape_cast %get3A_1394 : vector<1x16xf32> to vector<16xf32>
        %mul3A_1396 = vector.broadcast %squeeze3A_1319 : f32 to vector<16xf32>
        %mul3A_1397 = arith.mulf %mul3A_1396, %get3A_1395 : vector<16xf32>
        %add3A_1398 = arith.addf %add3A_1285, %mul3A_1397 : vector<16xf32>
        %get3A_1399 = arith.index_cast %add3A_1317 : i32 to index
        %get3A_1400 = arith.constant 80 : index
        %get3A_1401 = tpu.vector_load %arg13[%get3A_1399, %get3A_1400] {strides = array<i32>} : memref<128x128xf32, #tpu.memory_space<vmem>>, vector<1x16xf32>,
        %get3A_1402 = vector.shape_cast %get3A_1401 : vector<1x16xf32> to vector<16xf32>
        %mul3A_1403 = vector.broadcast %squeeze3A_1321 : f32 to vector<16xf32>
        %mul3A_1404 = arith.mulf %mul3A_1403, %get3A_1402 : vector<16xf32>
        %add3A_1405 = arith.addf %add3A_1398, %mul3A_1404 : vector<16xf32>
        %get3A_1406 = arith.index_cast %add3A_1317 : i32 to index
        %get3A_1407 = arith.constant 96 : index
        %get3A_1408 = tpu.vector_load %arg12[%get3A_1406, %get3A_1407] {strides = array<i32>} : memref<128x128xf32, #tpu.memory_space<vmem>>, vector<1x16xf32>,
        %get3A_1409 = vector.shape_cast %get3A_1408 : vector<1x16xf32> to vector<16xf32>
        %mul3A_1410 = vector.broadcast %squeeze3A_1319 : f32 to vector<16xf32>
        %mul3A_1411 = arith.mulf %mul3A_1410, %get3A_1409 : vector<16xf32>
        %add3A_1412 = arith.addf %add3A_1299, %mul3A_1411 : vector<16xf32>
        %get3A_1413 = arith.index_cast %add3A_1317 : i32 to index
        %get3A_1414 = arith.constant 96 : index
        %get3A_1415 = tpu.vector_load %arg13[%get3A_1413, %get3A_1414] {strides = array<i32>} : memref<128x128xf32, #tpu.memory_space<vmem>>, vector<1x16xf32>,
        %get3A_1416 = vector.shape_cast %get3A_1415 : vector<1x16xf32> to vector<16xf32>
        %mul3A_1417 = vector.broadcast %squeeze3A_1321 : f32 to vector<16xf32>
        %mul3A_1418 = arith.mulf %mul3A_1417, %get3A_1416 : vector<16xf32>
        %add3A_1419 = arith.addf %add3A_1412, %mul3A_1418 : vector<16xf32>
        %get3A_1420 = arith.index_cast %add3A_1317 : i32 to index
        %get3A_1421 = arith.constant 112 : index
        %get3A_1422 = tpu.vector_load %arg12[%get3A_1420, %get3A_1421] {strides = array<i32>} : memref<128x128xf32, #tpu.memory_space<vmem>>, vector<1x16xf32>,
        %get3A_1423 = vector.shape_cast %get3A_1422 : vector<1x16xf32> to vector<16xf32>
        %mul3A_1424 = vector.broadcast %squeeze3A_1319 : f32 to vector<16xf32>
        %mul3A_1425 = arith.mulf %mul3A_1424, %get3A_1423 : vector<16xf32>
        %add3A_1426 = arith.addf %add3A_1313, %mul3A_1425 : vector<16xf32>
        %get3A_1427 = arith.index_cast %add3A_1317 : i32 to index
        %get3A_1428 = arith.constant 112 : index
        %get3A_1429 = tpu.vector_load %arg13[%get3A_1427, %get3A_1428] {strides = array<i32>} : memref<128x128xf32, #tpu.memory_space<vmem>>, vector<1x16xf32>,
        %get3A_1430 = vector.shape_cast %get3A_1429 : vector<1x16xf32> to vector<16xf32>
        %mul3A_1431 = vector.broadcast %squeeze3A_1321 : f32 to vector<16xf32>
        %mul3A_1432 = arith.mulf %mul3A_1431, %get3A_1430 : vector<16xf32>
        %add3A_1433 = arith.addf %add3A_1426, %mul3A_1432 : vector<16xf32>
        %mul3A_1434 = arith.constant 16 : i32
        %mul3A_1435 = arith.muli %scan3A_97, %mul3A_1434 : i32
        %add3A_1436 = arith.constant 11 : i32
        %add3A_1437 = arith.addi %mul3A_1435, %add3A_1436 : i32
        %slice3A_1438 = vector.extract_strided_slice %get3A_110 {offsets = [11], sizes = [1], strides = [1]} : vector<16xf32> to vector<1xf32>
        %squeeze3A_1439 = vector.extract %slice3A_1438[0] : f32 from vector<1xf32>
        %slice3A_1440 = vector.extract_strided_slice %get3A_115 {offsets = [11], sizes = [1], strides = [1]} : vector<16xf32> to vector<1xf32>
        %squeeze3A_1441 = vector.extract %slice3A_1440[0] : f32 from vector<1xf32>
        %get3A_1442 = arith.index_cast %add3A_1437 : i32 to index
        %get3A_1443 = arith.constant 0 : index
        %get3A_1444 = tpu.vector_load %arg12[%get3A_1442, %get3A_1443] {strides = array<i32>} : memref<128x128xf32, #tpu.memory_space<vmem>>, vector<1x16xf32>,
        %get3A_1445 = vector.shape_cast %get3A_1444 : vector<1x16xf32> to vector<16xf32>
        %mul3A_1446 = vector.broadcast %squeeze3A_1439 : f32 to vector<16xf32>
        %mul3A_1447 = arith.mulf %mul3A_1446, %get3A_1445 : vector<16xf32>
        %add3A_1448 = arith.addf %add3A_1335, %mul3A_1447 : vector<16xf32>
        %get3A_1449 = arith.index_cast %add3A_1437 : i32 to index
        %get3A_1450 = arith.constant 0 : index
        %get3A_1451 = tpu.vector_load %arg13[%get3A_1449, %get3A_1450] {strides = array<i32>} : memref<128x128xf32, #tpu.memory_space<vmem>>, vector<1x16xf32>,
        %get3A_1452 = vector.shape_cast %get3A_1451 : vector<1x16xf32> to vector<16xf32>
        %mul3A_1453 = vector.broadcast %squeeze3A_1441 : f32 to vector<16xf32>
        %mul3A_1454 = arith.mulf %mul3A_1453, %get3A_1452 : vector<16xf32>
        %add3A_1455 = arith.addf %add3A_1448, %mul3A_1454 : vector<16xf32>
        %get3A_1456 = arith.index_cast %add3A_1437 : i32 to index
        %get3A_1457 = arith.constant 16 : index
        %get3A_1458 = tpu.vector_load %arg12[%get3A_1456, %get3A_1457] {strides = array<i32>} : memref<128x128xf32, #tpu.memory_space<vmem>>, vector<1x16xf32>,
        %get3A_1459 = vector.shape_cast %get3A_1458 : vector<1x16xf32> to vector<16xf32>
        %mul3A_1460 = vector.broadcast %squeeze3A_1439 : f32 to vector<16xf32>
        %mul3A_1461 = arith.mulf %mul3A_1460, %get3A_1459 : vector<16xf32>
        %add3A_1462 = arith.addf %add3A_1349, %mul3A_1461 : vector<16xf32>
        %get3A_1463 = arith.index_cast %add3A_1437 : i32 to index
        %get3A_1464 = arith.constant 16 : index
        %get3A_1465 = tpu.vector_load %arg13[%get3A_1463, %get3A_1464] {strides = array<i32>} : memref<128x128xf32, #tpu.memory_space<vmem>>, vector<1x16xf32>,
        %get3A_1466 = vector.shape_cast %get3A_1465 : vector<1x16xf32> to vector<16xf32>
        %mul3A_1467 = vector.broadcast %squeeze3A_1441 : f32 to vector<16xf32>
        %mul3A_1468 = arith.mulf %mul3A_1467, %get3A_1466 : vector<16xf32>
        %add3A_1469 = arith.addf %add3A_1462, %mul3A_1468 : vector<16xf32>
        %get3A_1470 = arith.index_cast %add3A_1437 : i32 to index
        %get3A_1471 = arith.constant 32 : index
        %get3A_1472 = tpu.vector_load %arg12[%get3A_1470, %get3A_1471] {strides = array<i32>} : memref<128x128xf32, #tpu.memory_space<vmem>>, vector<1x16xf32>,
        %get3A_1473 = vector.shape_cast %get3A_1472 : vector<1x16xf32> to vector<16xf32>
        %mul3A_1474 = vector.broadcast %squeeze3A_1439 : f32 to vector<16xf32>
        %mul3A_1475 = arith.mulf %mul3A_1474, %get3A_1473 : vector<16xf32>
        %add3A_1476 = arith.addf %add3A_1363, %mul3A_1475 : vector<16xf32>
        %get3A_1477 = arith.index_cast %add3A_1437 : i32 to index
        %get3A_1478 = arith.constant 32 : index
        %get3A_1479 = tpu.vector_load %arg13[%get3A_1477, %get3A_1478] {strides = array<i32>} : memref<128x128xf32, #tpu.memory_space<vmem>>, vector<1x16xf32>,
        %get3A_1480 = vector.shape_cast %get3A_1479 : vector<1x16xf32> to vector<16xf32>
        %mul3A_1481 = vector.broadcast %squeeze3A_1441 : f32 to vector<16xf32>
        %mul3A_1482 = arith.mulf %mul3A_1481, %get3A_1480 : vector<16xf32>
        %add3A_1483 = arith.addf %add3A_1476, %mul3A_1482 : vector<16xf32>
        %get3A_1484 = arith.index_cast %add3A_1437 : i32 to index
        %get3A_1485 = arith.constant 48 : index
        %get3A_1486 = tpu.vector_load %arg12[%get3A_1484, %get3A_1485] {strides = array<i32>} : memref<128x128xf32, #tpu.memory_space<vmem>>, vector<1x16xf32>,
        %get3A_1487 = vector.shape_cast %get3A_1486 : vector<1x16xf32> to vector<16xf32>
        %mul3A_1488 = vector.broadcast %squeeze3A_1439 : f32 to vector<16xf32>
        %mul3A_1489 = arith.mulf %mul3A_1488, %get3A_1487 : vector<16xf32>
        %add3A_1490 = arith.addf %add3A_1377, %mul3A_1489 : vector<16xf32>
        %get3A_1491 = arith.index_cast %add3A_1437 : i32 to index
        %get3A_1492 = arith.constant 48 : index
        %get3A_1493 = tpu.vector_load %arg13[%get3A_1491, %get3A_1492] {strides = array<i32>} : memref<128x128xf32, #tpu.memory_space<vmem>>, vector<1x16xf32>,
        %get3A_1494 = vector.shape_cast %get3A_1493 : vector<1x16xf32> to vector<16xf32>
        %mul3A_1495 = vector.broadcast %squeeze3A_1441 : f32 to vector<16xf32>
        %mul3A_1496 = arith.mulf %mul3A_1495, %get3A_1494 : vector<16xf32>
        %add3A_1497 = arith.addf %add3A_1490, %mul3A_1496 : vector<16xf32>
        %get3A_1498 = arith.index_cast %add3A_1437 : i32 to index
        %get3A_1499 = arith.constant 64 : index
        %get3A_1500 = tpu.vector_load %arg12[%get3A_1498, %get3A_1499] {strides = array<i32>} : memref<128x128xf32, #tpu.memory_space<vmem>>, vector<1x16xf32>,
        %get3A_1501 = vector.shape_cast %get3A_1500 : vector<1x16xf32> to vector<16xf32>
        %mul3A_1502 = vector.broadcast %squeeze3A_1439 : f32 to vector<16xf32>
        %mul3A_1503 = arith.mulf %mul3A_1502, %get3A_1501 : vector<16xf32>
        %add3A_1504 = arith.addf %add3A_1391, %mul3A_1503 : vector<16xf32>
        %get3A_1505 = arith.index_cast %add3A_1437 : i32 to index
        %get3A_1506 = arith.constant 64 : index
        %get3A_1507 = tpu.vector_load %arg13[%get3A_1505, %get3A_1506] {strides = array<i32>} : memref<128x128xf32, #tpu.memory_space<vmem>>, vector<1x16xf32>,
        %get3A_1508 = vector.shape_cast %get3A_1507 : vector<1x16xf32> to vector<16xf32>
        %mul3A_1509 = vector.broadcast %squeeze3A_1441 : f32 to vector<16xf32>
        %mul3A_1510 = arith.mulf %mul3A_1509, %get3A_1508 : vector<16xf32>
        %add3A_1511 = arith.addf %add3A_1504, %mul3A_1510 : vector<16xf32>
        %get3A_1512 = arith.index_cast %add3A_1437 : i32 to index
        %get3A_1513 = arith.constant 80 : index
        %get3A_1514 = tpu.vector_load %arg12[%get3A_1512, %get3A_1513] {strides = array<i32>} : memref<128x128xf32, #tpu.memory_space<vmem>>, vector<1x16xf32>,
        %get3A_1515 = vector.shape_cast %get3A_1514 : vector<1x16xf32> to vector<16xf32>
        %mul3A_1516 = vector.broadcast %squeeze3A_1439 : f32 to vector<16xf32>
        %mul3A_1517 = arith.mulf %mul3A_1516, %get3A_1515 : vector<16xf32>
        %add3A_1518 = arith.addf %add3A_1405, %mul3A_1517 : vector<16xf32>
        %get3A_1519 = arith.index_cast %add3A_1437 : i32 to index
        %get3A_1520 = arith.constant 80 : index
        %get3A_1521 = tpu.vector_load %arg13[%get3A_1519, %get3A_1520] {strides = array<i32>} : memref<128x128xf32, #tpu.memory_space<vmem>>, vector<1x16xf32>,
        %get3A_1522 = vector.shape_cast %get3A_1521 : vector<1x16xf32> to vector<16xf32>
        %mul3A_1523 = vector.broadcast %squeeze3A_1441 : f32 to vector<16xf32>
        %mul3A_1524 = arith.mulf %mul3A_1523, %get3A_1522 : vector<16xf32>
        %add3A_1525 = arith.addf %add3A_1518, %mul3A_1524 : vector<16xf32>
        %get3A_1526 = arith.index_cast %add3A_1437 : i32 to index
        %get3A_1527 = arith.constant 96 : index
        %get3A_1528 = tpu.vector_load %arg12[%get3A_1526, %get3A_1527] {strides = array<i32>} : memref<128x128xf32, #tpu.memory_space<vmem>>, vector<1x16xf32>,
        %get3A_1529 = vector.shape_cast %get3A_1528 : vector<1x16xf32> to vector<16xf32>
        %mul3A_1530 = vector.broadcast %squeeze3A_1439 : f32 to vector<16xf32>
        %mul3A_1531 = arith.mulf %mul3A_1530, %get3A_1529 : vector<16xf32>
        %add3A_1532 = arith.addf %add3A_1419, %mul3A_1531 : vector<16xf32>
        %get3A_1533 = arith.index_cast %add3A_1437 : i32 to index
        %get3A_1534 = arith.constant 96 : index
        %get3A_1535 = tpu.vector_load %arg13[%get3A_1533, %get3A_1534] {strides = array<i32>} : memref<128x128xf32, #tpu.memory_space<vmem>>, vector<1x16xf32>,
        %get3A_1536 = vector.shape_cast %get3A_1535 : vector<1x16xf32> to vector<16xf32>
        %mul3A_1537 = vector.broadcast %squeeze3A_1441 : f32 to vector<16xf32>
        %mul3A_1538 = arith.mulf %mul3A_1537, %get3A_1536 : vector<16xf32>
        %add3A_1539 = arith.addf %add3A_1532, %mul3A_1538 : vector<16xf32>
        %get3A_1540 = arith.index_cast %add3A_1437 : i32 to index
        %get3A_1541 = arith.constant 112 : index
        %get3A_1542 = tpu.vector_load %arg12[%get3A_1540, %get3A_1541] {strides = array<i32>} : memref<128x128xf32, #tpu.memory_space<vmem>>, vector<1x16xf32>,
        %get3A_1543 = vector.shape_cast %get3A_1542 : vector<1x16xf32> to vector<16xf32>
        %mul3A_1544 = vector.broadcast %squeeze3A_1439 : f32 to vector<16xf32>
        %mul3A_1545 = arith.mulf %mul3A_1544, %get3A_1543 : vector<16xf32>
        %add3A_1546 = arith.addf %add3A_1433, %mul3A_1545 : vector<16xf32>
        %get3A_1547 = arith.index_cast %add3A_1437 : i32 to index
        %get3A_1548 = arith.constant 112 : index
        %get3A_1549 = tpu.vector_load %arg13[%get3A_1547, %get3A_1548] {strides = array<i32>} : memref<128x128xf32, #tpu.memory_space<vmem>>, vector<1x16xf32>,
        %get3A_1550 = vector.shape_cast %get3A_1549 : vector<1x16xf32> to vector<16xf32>
        %mul3A_1551 = vector.broadcast %squeeze3A_1441 : f32 to vector<16xf32>
        %mul3A_1552 = arith.mulf %mul3A_1551, %get3A_1550 : vector<16xf32>
        %add3A_1553 = arith.addf %add3A_1546, %mul3A_1552 : vector<16xf32>
        %mul3A_1554 = arith.constant 16 : i32
        %mul3A_1555 = arith.muli %scan3A_97, %mul3A_1554 : i32
        %add3A_1556 = arith.constant 12 : i32
        %add3A_1557 = arith.addi %mul3A_1555, %add3A_1556 : i32
        %slice3A_1558 = vector.extract_strided_slice %get3A_110 {offsets = [12], sizes = [1], strides = [1]} : vector<16xf32> to vector<1xf32>
        %squeeze3A_1559 = vector.extract %slice3A_1558[0] : f32 from vector<1xf32>
        %slice3A_1560 = vector.extract_strided_slice %get3A_115 {offsets = [12], sizes = [1], strides = [1]} : vector<16xf32> to vector<1xf32>
        %squeeze3A_1561 = vector.extract %slice3A_1560[0] : f32 from vector<1xf32>
        %get3A_1562 = arith.index_cast %add3A_1557 : i32 to index
        %get3A_1563 = arith.constant 0 : index
        %get3A_1564 = tpu.vector_load %arg12[%get3A_1562, %get3A_1563] {strides = array<i32>} : memref<128x128xf32, #tpu.memory_space<vmem>>, vector<1x16xf32>,
        %get3A_1565 = vector.shape_cast %get3A_1564 : vector<1x16xf32> to vector<16xf32>
        %mul3A_1566 = vector.broadcast %squeeze3A_1559 : f32 to vector<16xf32>
        %mul3A_1567 = arith.mulf %mul3A_1566, %get3A_1565 : vector<16xf32>
        %add3A_1568 = arith.addf %add3A_1455, %mul3A_1567 : vector<16xf32>
        %get3A_1569 = arith.index_cast %add3A_1557 : i32 to index
        %get3A_1570 = arith.constant 0 : index
        %get3A_1571 = tpu.vector_load %arg13[%get3A_1569, %get3A_1570] {strides = array<i32>} : memref<128x128xf32, #tpu.memory_space<vmem>>, vector<1x16xf32>,
        %get3A_1572 = vector.shape_cast %get3A_1571 : vector<1x16xf32> to vector<16xf32>
        %mul3A_1573 = vector.broadcast %squeeze3A_1561 : f32 to vector<16xf32>
        %mul3A_1574 = arith.mulf %mul3A_1573, %get3A_1572 : vector<16xf32>
        %add3A_1575 = arith.addf %add3A_1568, %mul3A_1574 : vector<16xf32>
        %get3A_1576 = arith.index_cast %add3A_1557 : i32 to index
        %get3A_1577 = arith.constant 16 : index
        %get3A_1578 = tpu.vector_load %arg12[%get3A_1576, %get3A_1577] {strides = array<i32>} : memref<128x128xf32, #tpu.memory_space<vmem>>, vector<1x16xf32>,
        %get3A_1579 = vector.shape_cast %get3A_1578 : vector<1x16xf32> to vector<16xf32>
        %mul3A_1580 = vector.broadcast %squeeze3A_1559 : f32 to vector<16xf32>
        %mul3A_1581 = arith.mulf %mul3A_1580, %get3A_1579 : vector<16xf32>
        %add3A_1582 = arith.addf %add3A_1469, %mul3A_1581 : vector<16xf32>
        %get3A_1583 = arith.index_cast %add3A_1557 : i32 to index
        %get3A_1584 = arith.constant 16 : index
        %get3A_1585 = tpu.vector_load %arg13[%get3A_1583, %get3A_1584] {strides = array<i32>} : memref<128x128xf32, #tpu.memory_space<vmem>>, vector<1x16xf32>,
        %get3A_1586 = vector.shape_cast %get3A_1585 : vector<1x16xf32> to vector<16xf32>
        %mul3A_1587 = vector.broadcast %squeeze3A_1561 : f32 to vector<16xf32>
        %mul3A_1588 = arith.mulf %mul3A_1587, %get3A_1586 : vector<16xf32>
        %add3A_1589 = arith.addf %add3A_1582, %mul3A_1588 : vector<16xf32>
        %get3A_1590 = arith.index_cast %add3A_1557 : i32 to index
        %get3A_1591 = arith.constant 32 : index
        %get3A_1592 = tpu.vector_load %arg12[%get3A_1590, %get3A_1591] {strides = array<i32>} : memref<128x128xf32, #tpu.memory_space<vmem>>, vector<1x16xf32>,
        %get3A_1593 = vector.shape_cast %get3A_1592 : vector<1x16xf32> to vector<16xf32>
        %mul3A_1594 = vector.broadcast %squeeze3A_1559 : f32 to vector<16xf32>
        %mul3A_1595 = arith.mulf %mul3A_1594, %get3A_1593 : vector<16xf32>
        %add3A_1596 = arith.addf %add3A_1483, %mul3A_1595 : vector<16xf32>
        %get3A_1597 = arith.index_cast %add3A_1557 : i32 to index
        %get3A_1598 = arith.constant 32 : index
        %get3A_1599 = tpu.vector_load %arg13[%get3A_1597, %get3A_1598] {strides = array<i32>} : memref<128x128xf32, #tpu.memory_space<vmem>>, vector<1x16xf32>,
        %get3A_1600 = vector.shape_cast %get3A_1599 : vector<1x16xf32> to vector<16xf32>
        %mul3A_1601 = vector.broadcast %squeeze3A_1561 : f32 to vector<16xf32>
        %mul3A_1602 = arith.mulf %mul3A_1601, %get3A_1600 : vector<16xf32>
        %add3A_1603 = arith.addf %add3A_1596, %mul3A_1602 : vector<16xf32>
        %get3A_1604 = arith.index_cast %add3A_1557 : i32 to index
        %get3A_1605 = arith.constant 48 : index
        %get3A_1606 = tpu.vector_load %arg12[%get3A_1604, %get3A_1605] {strides = array<i32>} : memref<128x128xf32, #tpu.memory_space<vmem>>, vector<1x16xf32>,
        %get3A_1607 = vector.shape_cast %get3A_1606 : vector<1x16xf32> to vector<16xf32>
        %mul3A_1608 = vector.broadcast %squeeze3A_1559 : f32 to vector<16xf32>
        %mul3A_1609 = arith.mulf %mul3A_1608, %get3A_1607 : vector<16xf32>
        %add3A_1610 = arith.addf %add3A_1497, %mul3A_1609 : vector<16xf32>
        %get3A_1611 = arith.index_cast %add3A_1557 : i32 to index
        %get3A_1612 = arith.constant 48 : index
        %get3A_1613 = tpu.vector_load %arg13[%get3A_1611, %get3A_1612] {strides = array<i32>} : memref<128x128xf32, #tpu.memory_space<vmem>>, vector<1x16xf32>,
        %get3A_1614 = vector.shape_cast %get3A_1613 : vector<1x16xf32> to vector<16xf32>
        %mul3A_1615 = vector.broadcast %squeeze3A_1561 : f32 to vector<16xf32>
        %mul3A_1616 = arith.mulf %mul3A_1615, %get3A_1614 : vector<16xf32>
        %add3A_1617 = arith.addf %add3A_1610, %mul3A_1616 : vector<16xf32>
        %get3A_1618 = arith.index_cast %add3A_1557 : i32 to index
        %get3A_1619 = arith.constant 64 : index
        %get3A_1620 = tpu.vector_load %arg12[%get3A_1618, %get3A_1619] {strides = array<i32>} : memref<128x128xf32, #tpu.memory_space<vmem>>, vector<1x16xf32>,
        %get3A_1621 = vector.shape_cast %get3A_1620 : vector<1x16xf32> to vector<16xf32>
        %mul3A_1622 = vector.broadcast %squeeze3A_1559 : f32 to vector<16xf32>
        %mul3A_1623 = arith.mulf %mul3A_1622, %get3A_1621 : vector<16xf32>
        %add3A_1624 = arith.addf %add3A_1511, %mul3A_1623 : vector<16xf32>
        %get3A_1625 = arith.index_cast %add3A_1557 : i32 to index
        %get3A_1626 = arith.constant 64 : index
        %get3A_1627 = tpu.vector_load %arg13[%get3A_1625, %get3A_1626] {strides = array<i32>} : memref<128x128xf32, #tpu.memory_space<vmem>>, vector<1x16xf32>,
        %get3A_1628 = vector.shape_cast %get3A_1627 : vector<1x16xf32> to vector<16xf32>
        %mul3A_1629 = vector.broadcast %squeeze3A_1561 : f32 to vector<16xf32>
        %mul3A_1630 = arith.mulf %mul3A_1629, %get3A_1628 : vector<16xf32>
        %add3A_1631 = arith.addf %add3A_1624, %mul3A_1630 : vector<16xf32>
        %get3A_1632 = arith.index_cast %add3A_1557 : i32 to index
        %get3A_1633 = arith.constant 80 : index
        %get3A_1634 = tpu.vector_load %arg12[%get3A_1632, %get3A_1633] {strides = array<i32>} : memref<128x128xf32, #tpu.memory_space<vmem>>, vector<1x16xf32>,
        %get3A_1635 = vector.shape_cast %get3A_1634 : vector<1x16xf32> to vector<16xf32>
        %mul3A_1636 = vector.broadcast %squeeze3A_1559 : f32 to vector<16xf32>
        %mul3A_1637 = arith.mulf %mul3A_1636, %get3A_1635 : vector<16xf32>
        %add3A_1638 = arith.addf %add3A_1525, %mul3A_1637 : vector<16xf32>
        %get3A_1639 = arith.index_cast %add3A_1557 : i32 to index
        %get3A_1640 = arith.constant 80 : index
        %get3A_1641 = tpu.vector_load %arg13[%get3A_1639, %get3A_1640] {strides = array<i32>} : memref<128x128xf32, #tpu.memory_space<vmem>>, vector<1x16xf32>,
        %get3A_1642 = vector.shape_cast %get3A_1641 : vector<1x16xf32> to vector<16xf32>
        %mul3A_1643 = vector.broadcast %squeeze3A_1561 : f32 to vector<16xf32>
        %mul3A_1644 = arith.mulf %mul3A_1643, %get3A_1642 : vector<16xf32>
        %add3A_1645 = arith.addf %add3A_1638, %mul3A_1644 : vector<16xf32>
        %get3A_1646 = arith.index_cast %add3A_1557 : i32 to index
        %get3A_1647 = arith.constant 96 : index
        %get3A_1648 = tpu.vector_load %arg12[%get3A_1646, %get3A_1647] {strides = array<i32>} : memref<128x128xf32, #tpu.memory_space<vmem>>, vector<1x16xf32>,
        %get3A_1649 = vector.shape_cast %get3A_1648 : vector<1x16xf32> to vector<16xf32>
        %mul3A_1650 = vector.broadcast %squeeze3A_1559 : f32 to vector<16xf32>
        %mul3A_1651 = arith.mulf %mul3A_1650, %get3A_1649 : vector<16xf32>
        %add3A_1652 = arith.addf %add3A_1539, %mul3A_1651 : vector<16xf32>
        %get3A_1653 = arith.index_cast %add3A_1557 : i32 to index
        %get3A_1654 = arith.constant 96 : index
        %get3A_1655 = tpu.vector_load %arg13[%get3A_1653, %get3A_1654] {strides = array<i32>} : memref<128x128xf32, #tpu.memory_space<vmem>>, vector<1x16xf32>,
        %get3A_1656 = vector.shape_cast %get3A_1655 : vector<1x16xf32> to vector<16xf32>
        %mul3A_1657 = vector.broadcast %squeeze3A_1561 : f32 to vector<16xf32>
        %mul3A_1658 = arith.mulf %mul3A_1657, %get3A_1656 : vector<16xf32>
        %add3A_1659 = arith.addf %add3A_1652, %mul3A_1658 : vector<16xf32>
        %get3A_1660 = arith.index_cast %add3A_1557 : i32 to index
        %get3A_1661 = arith.constant 112 : index
        %get3A_1662 = tpu.vector_load %arg12[%get3A_1660, %get3A_1661] {strides = array<i32>} : memref<128x128xf32, #tpu.memory_space<vmem>>, vector<1x16xf32>,
        %get3A_1663 = vector.shape_cast %get3A_1662 : vector<1x16xf32> to vector<16xf32>
        %mul3A_1664 = vector.broadcast %squeeze3A_1559 : f32 to vector<16xf32>
        %mul3A_1665 = arith.mulf %mul3A_1664, %get3A_1663 : vector<16xf32>
        %add3A_1666 = arith.addf %add3A_1553, %mul3A_1665 : vector<16xf32>
        %get3A_1667 = arith.index_cast %add3A_1557 : i32 to index
        %get3A_1668 = arith.constant 112 : index
        %get3A_1669 = tpu.vector_load %arg13[%get3A_1667, %get3A_1668] {strides = array<i32>} : memref<128x128xf32, #tpu.memory_space<vmem>>, vector<1x16xf32>,
        %get3A_1670 = vector.shape_cast %get3A_1669 : vector<1x16xf32> to vector<16xf32>
        %mul3A_1671 = vector.broadcast %squeeze3A_1561 : f32 to vector<16xf32>
        %mul3A_1672 = arith.mulf %mul3A_1671, %get3A_1670 : vector<16xf32>
        %add3A_1673 = arith.addf %add3A_1666, %mul3A_1672 : vector<16xf32>
        %mul3A_1674 = arith.constant 16 : i32
        %mul3A_1675 = arith.muli %scan3A_97, %mul3A_1674 : i32
        %add3A_1676 = arith.constant 13 : i32
        %add3A_1677 = arith.addi %mul3A_1675, %add3A_1676 : i32
        %slice3A_1678 = vector.extract_strided_slice %get3A_110 {offsets = [13], sizes = [1], strides = [1]} : vector<16xf32> to vector<1xf32>
        %squeeze3A_1679 = vector.extract %slice3A_1678[0] : f32 from vector<1xf32>
        %slice3A_1680 = vector.extract_strided_slice %get3A_115 {offsets = [13], sizes = [1], strides = [1]} : vector<16xf32> to vector<1xf32>
        %squeeze3A_1681 = vector.extract %slice3A_1680[0] : f32 from vector<1xf32>
        %get3A_1682 = arith.index_cast %add3A_1677 : i32 to index
        %get3A_1683 = arith.constant 0 : index
        %get3A_1684 = tpu.vector_load %arg12[%get3A_1682, %get3A_1683] {strides = array<i32>} : memref<128x128xf32, #tpu.memory_space<vmem>>, vector<1x16xf32>,
        %get3A_1685 = vector.shape_cast %get3A_1684 : vector<1x16xf32> to vector<16xf32>
        %mul3A_1686 = vector.broadcast %squeeze3A_1679 : f32 to vector<16xf32>
        %mul3A_1687 = arith.mulf %mul3A_1686, %get3A_1685 : vector<16xf32>
        %add3A_1688 = arith.addf %add3A_1575, %mul3A_1687 : vector<16xf32>
        %get3A_1689 = arith.index_cast %add3A_1677 : i32 to index
        %get3A_1690 = arith.constant 0 : index
        %get3A_1691 = tpu.vector_load %arg13[%get3A_1689, %get3A_1690] {strides = array<i32>} : memref<128x128xf32, #tpu.memory_space<vmem>>, vector<1x16xf32>,
        %get3A_1692 = vector.shape_cast %get3A_1691 : vector<1x16xf32> to vector<16xf32>
        %mul3A_1693 = vector.broadcast %squeeze3A_1681 : f32 to vector<16xf32>
        %mul3A_1694 = arith.mulf %mul3A_1693, %get3A_1692 : vector<16xf32>
        %add3A_1695 = arith.addf %add3A_1688, %mul3A_1694 : vector<16xf32>
        %get3A_1696 = arith.index_cast %add3A_1677 : i32 to index
        %get3A_1697 = arith.constant 16 : index
        %get3A_1698 = tpu.vector_load %arg12[%get3A_1696, %get3A_1697] {strides = array<i32>} : memref<128x128xf32, #tpu.memory_space<vmem>>, vector<1x16xf32>,
        %get3A_1699 = vector.shape_cast %get3A_1698 : vector<1x16xf32> to vector<16xf32>
        %mul3A_1700 = vector.broadcast %squeeze3A_1679 : f32 to vector<16xf32>
        %mul3A_1701 = arith.mulf %mul3A_1700, %get3A_1699 : vector<16xf32>
        %add3A_1702 = arith.addf %add3A_1589, %mul3A_1701 : vector<16xf32>
        %get3A_1703 = arith.index_cast %add3A_1677 : i32 to index
        %get3A_1704 = arith.constant 16 : index
        %get3A_1705 = tpu.vector_load %arg13[%get3A_1703, %get3A_1704] {strides = array<i32>} : memref<128x128xf32, #tpu.memory_space<vmem>>, vector<1x16xf32>,
        %get3A_1706 = vector.shape_cast %get3A_1705 : vector<1x16xf32> to vector<16xf32>
        %mul3A_1707 = vector.broadcast %squeeze3A_1681 : f32 to vector<16xf32>
        %mul3A_1708 = arith.mulf %mul3A_1707, %get3A_1706 : vector<16xf32>
        %add3A_1709 = arith.addf %add3A_1702, %mul3A_1708 : vector<16xf32>
        %get3A_1710 = arith.index_cast %add3A_1677 : i32 to index
        %get3A_1711 = arith.constant 32 : index
        %get3A_1712 = tpu.vector_load %arg12[%get3A_1710, %get3A_1711] {strides = array<i32>} : memref<128x128xf32, #tpu.memory_space<vmem>>, vector<1x16xf32>,
        %get3A_1713 = vector.shape_cast %get3A_1712 : vector<1x16xf32> to vector<16xf32>
        %mul3A_1714 = vector.broadcast %squeeze3A_1679 : f32 to vector<16xf32>
        %mul3A_1715 = arith.mulf %mul3A_1714, %get3A_1713 : vector<16xf32>
        %add3A_1716 = arith.addf %add3A_1603, %mul3A_1715 : vector<16xf32>
        %get3A_1717 = arith.index_cast %add3A_1677 : i32 to index
        %get3A_1718 = arith.constant 32 : index
        %get3A_1719 = tpu.vector_load %arg13[%get3A_1717, %get3A_1718] {strides = array<i32>} : memref<128x128xf32, #tpu.memory_space<vmem>>, vector<1x16xf32>,
        %get3A_1720 = vector.shape_cast %get3A_1719 : vector<1x16xf32> to vector<16xf32>
        %mul3A_1721 = vector.broadcast %squeeze3A_1681 : f32 to vector<16xf32>
        %mul3A_1722 = arith.mulf %mul3A_1721, %get3A_1720 : vector<16xf32>
        %add3A_1723 = arith.addf %add3A_1716, %mul3A_1722 : vector<16xf32>
        %get3A_1724 = arith.index_cast %add3A_1677 : i32 to index
        %get3A_1725 = arith.constant 48 : index
        %get3A_1726 = tpu.vector_load %arg12[%get3A_1724, %get3A_1725] {strides = array<i32>} : memref<128x128xf32, #tpu.memory_space<vmem>>, vector<1x16xf32>,
        %get3A_1727 = vector.shape_cast %get3A_1726 : vector<1x16xf32> to vector<16xf32>
        %mul3A_1728 = vector.broadcast %squeeze3A_1679 : f32 to vector<16xf32>
        %mul3A_1729 = arith.mulf %mul3A_1728, %get3A_1727 : vector<16xf32>
        %add3A_1730 = arith.addf %add3A_1617, %mul3A_1729 : vector<16xf32>
        %get3A_1731 = arith.index_cast %add3A_1677 : i32 to index
        %get3A_1732 = arith.constant 48 : index
        %get3A_1733 = tpu.vector_load %arg13[%get3A_1731, %get3A_1732] {strides = array<i32>} : memref<128x128xf32, #tpu.memory_space<vmem>>, vector<1x16xf32>,
        %get3A_1734 = vector.shape_cast %get3A_1733 : vector<1x16xf32> to vector<16xf32>
        %mul3A_1735 = vector.broadcast %squeeze3A_1681 : f32 to vector<16xf32>
        %mul3A_1736 = arith.mulf %mul3A_1735, %get3A_1734 : vector<16xf32>
        %add3A_1737 = arith.addf %add3A_1730, %mul3A_1736 : vector<16xf32>
        %get3A_1738 = arith.index_cast %add3A_1677 : i32 to index
        %get3A_1739 = arith.constant 64 : index
        %get3A_1740 = tpu.vector_load %arg12[%get3A_1738, %get3A_1739] {strides = array<i32>} : memref<128x128xf32, #tpu.memory_space<vmem>>, vector<1x16xf32>,
        %get3A_1741 = vector.shape_cast %get3A_1740 : vector<1x16xf32> to vector<16xf32>
        %mul3A_1742 = vector.broadcast %squeeze3A_1679 : f32 to vector<16xf32>
        %mul3A_1743 = arith.mulf %mul3A_1742, %get3A_1741 : vector<16xf32>
        %add3A_1744 = arith.addf %add3A_1631, %mul3A_1743 : vector<16xf32>
        %get3A_1745 = arith.index_cast %add3A_1677 : i32 to index
        %get3A_1746 = arith.constant 64 : index
        %get3A_1747 = tpu.vector_load %arg13[%get3A_1745, %get3A_1746] {strides = array<i32>} : memref<128x128xf32, #tpu.memory_space<vmem>>, vector<1x16xf32>,
        %get3A_1748 = vector.shape_cast %get3A_1747 : vector<1x16xf32> to vector<16xf32>
        %mul3A_1749 = vector.broadcast %squeeze3A_1681 : f32 to vector<16xf32>
        %mul3A_1750 = arith.mulf %mul3A_1749, %get3A_1748 : vector<16xf32>
        %add3A_1751 = arith.addf %add3A_1744, %mul3A_1750 : vector<16xf32>
        %get3A_1752 = arith.index_cast %add3A_1677 : i32 to index
        %get3A_1753 = arith.constant 80 : index
        %get3A_1754 = tpu.vector_load %arg12[%get3A_1752, %get3A_1753] {strides = array<i32>} : memref<128x128xf32, #tpu.memory_space<vmem>>, vector<1x16xf32>,
        %get3A_1755 = vector.shape_cast %get3A_1754 : vector<1x16xf32> to vector<16xf32>
        %mul3A_1756 = vector.broadcast %squeeze3A_1679 : f32 to vector<16xf32>
        %mul3A_1757 = arith.mulf %mul3A_1756, %get3A_1755 : vector<16xf32>
        %add3A_1758 = arith.addf %add3A_1645, %mul3A_1757 : vector<16xf32>
        %get3A_1759 = arith.index_cast %add3A_1677 : i32 to index
        %get3A_1760 = arith.constant 80 : index
        %get3A_1761 = tpu.vector_load %arg13[%get3A_1759, %get3A_1760] {strides = array<i32>} : memref<128x128xf32, #tpu.memory_space<vmem>>, vector<1x16xf32>,
        %get3A_1762 = vector.shape_cast %get3A_1761 : vector<1x16xf32> to vector<16xf32>
        %mul3A_1763 = vector.broadcast %squeeze3A_1681 : f32 to vector<16xf32>
        %mul3A_1764 = arith.mulf %mul3A_1763, %get3A_1762 : vector<16xf32>
        %add3A_1765 = arith.addf %add3A_1758, %mul3A_1764 : vector<16xf32>
        %get3A_1766 = arith.index_cast %add3A_1677 : i32 to index
        %get3A_1767 = arith.constant 96 : index
        %get3A_1768 = tpu.vector_load %arg12[%get3A_1766, %get3A_1767] {strides = array<i32>} : memref<128x128xf32, #tpu.memory_space<vmem>>, vector<1x16xf32>,
        %get3A_1769 = vector.shape_cast %get3A_1768 : vector<1x16xf32> to vector<16xf32>
        %mul3A_1770 = vector.broadcast %squeeze3A_1679 : f32 to vector<16xf32>
        %mul3A_1771 = arith.mulf %mul3A_1770, %get3A_1769 : vector<16xf32>
        %add3A_1772 = arith.addf %add3A_1659, %mul3A_1771 : vector<16xf32>
        %get3A_1773 = arith.index_cast %add3A_1677 : i32 to index
        %get3A_1774 = arith.constant 96 : index
        %get3A_1775 = tpu.vector_load %arg13[%get3A_1773, %get3A_1774] {strides = array<i32>} : memref<128x128xf32, #tpu.memory_space<vmem>>, vector<1x16xf32>,
        %get3A_1776 = vector.shape_cast %get3A_1775 : vector<1x16xf32> to vector<16xf32>
        %mul3A_1777 = vector.broadcast %squeeze3A_1681 : f32 to vector<16xf32>
        %mul3A_1778 = arith.mulf %mul3A_1777, %get3A_1776 : vector<16xf32>
        %add3A_1779 = arith.addf %add3A_1772, %mul3A_1778 : vector<16xf32>
        %get3A_1780 = arith.index_cast %add3A_1677 : i32 to index
        %get3A_1781 = arith.constant 112 : index
        %get3A_1782 = tpu.vector_load %arg12[%get3A_1780, %get3A_1781] {strides = array<i32>} : memref<128x128xf32, #tpu.memory_space<vmem>>, vector<1x16xf32>,
        %get3A_1783 = vector.shape_cast %get3A_1782 : vector<1x16xf32> to vector<16xf32>
        %mul3A_1784 = vector.broadcast %squeeze3A_1679 : f32 to vector<16xf32>
        %mul3A_1785 = arith.mulf %mul3A_1784, %get3A_1783 : vector<16xf32>
        %add3A_1786 = arith.addf %add3A_1673, %mul3A_1785 : vector<16xf32>
        %get3A_1787 = arith.index_cast %add3A_1677 : i32 to index
        %get3A_1788 = arith.constant 112 : index
        %get3A_1789 = tpu.vector_load %arg13[%get3A_1787, %get3A_1788] {strides = array<i32>} : memref<128x128xf32, #tpu.memory_space<vmem>>, vector<1x16xf32>,
        %get3A_1790 = vector.shape_cast %get3A_1789 : vector<1x16xf32> to vector<16xf32>
        %mul3A_1791 = vector.broadcast %squeeze3A_1681 : f32 to vector<16xf32>
        %mul3A_1792 = arith.mulf %mul3A_1791, %get3A_1790 : vector<16xf32>
        %add3A_1793 = arith.addf %add3A_1786, %mul3A_1792 : vector<16xf32>
        %mul3A_1794 = arith.constant 16 : i32
        %mul3A_1795 = arith.muli %scan3A_97, %mul3A_1794 : i32
        %add3A_1796 = arith.constant 14 : i32
        %add3A_1797 = arith.addi %mul3A_1795, %add3A_1796 : i32
        %slice3A_1798 = vector.extract_strided_slice %get3A_110 {offsets = [14], sizes = [1], strides = [1]} : vector<16xf32> to vector<1xf32>
        %squeeze3A_1799 = vector.extract %slice3A_1798[0] : f32 from vector<1xf32>
        %slice3A_1800 = vector.extract_strided_slice %get3A_115 {offsets = [14], sizes = [1], strides = [1]} : vector<16xf32> to vector<1xf32>
        %squeeze3A_1801 = vector.extract %slice3A_1800[0] : f32 from vector<1xf32>
        %get3A_1802 = arith.index_cast %add3A_1797 : i32 to index
        %get3A_1803 = arith.constant 0 : index
        %get3A_1804 = tpu.vector_load %arg12[%get3A_1802, %get3A_1803] {strides = array<i32>} : memref<128x128xf32, #tpu.memory_space<vmem>>, vector<1x16xf32>,
        %get3A_1805 = vector.shape_cast %get3A_1804 : vector<1x16xf32> to vector<16xf32>
        %mul3A_1806 = vector.broadcast %squeeze3A_1799 : f32 to vector<16xf32>
        %mul3A_1807 = arith.mulf %mul3A_1806, %get3A_1805 : vector<16xf32>
        %add3A_1808 = arith.addf %add3A_1695, %mul3A_1807 : vector<16xf32>
        %get3A_1809 = arith.index_cast %add3A_1797 : i32 to index
        %get3A_1810 = arith.constant 0 : index
        %get3A_1811 = tpu.vector_load %arg13[%get3A_1809, %get3A_1810] {strides = array<i32>} : memref<128x128xf32, #tpu.memory_space<vmem>>, vector<1x16xf32>,
        %get3A_1812 = vector.shape_cast %get3A_1811 : vector<1x16xf32> to vector<16xf32>
        %mul3A_1813 = vector.broadcast %squeeze3A_1801 : f32 to vector<16xf32>
        %mul3A_1814 = arith.mulf %mul3A_1813, %get3A_1812 : vector<16xf32>
        %add3A_1815 = arith.addf %add3A_1808, %mul3A_1814 : vector<16xf32>
        %get3A_1816 = arith.index_cast %add3A_1797 : i32 to index
        %get3A_1817 = arith.constant 16 : index
        %get3A_1818 = tpu.vector_load %arg12[%get3A_1816, %get3A_1817] {strides = array<i32>} : memref<128x128xf32, #tpu.memory_space<vmem>>, vector<1x16xf32>,
        %get3A_1819 = vector.shape_cast %get3A_1818 : vector<1x16xf32> to vector<16xf32>
        %mul3A_1820 = vector.broadcast %squeeze3A_1799 : f32 to vector<16xf32>
        %mul3A_1821 = arith.mulf %mul3A_1820, %get3A_1819 : vector<16xf32>
        %add3A_1822 = arith.addf %add3A_1709, %mul3A_1821 : vector<16xf32>
        %get3A_1823 = arith.index_cast %add3A_1797 : i32 to index
        %get3A_1824 = arith.constant 16 : index
        %get3A_1825 = tpu.vector_load %arg13[%get3A_1823, %get3A_1824] {strides = array<i32>} : memref<128x128xf32, #tpu.memory_space<vmem>>, vector<1x16xf32>,
        %get3A_1826 = vector.shape_cast %get3A_1825 : vector<1x16xf32> to vector<16xf32>
        %mul3A_1827 = vector.broadcast %squeeze3A_1801 : f32 to vector<16xf32>
        %mul3A_1828 = arith.mulf %mul3A_1827, %get3A_1826 : vector<16xf32>
        %add3A_1829 = arith.addf %add3A_1822, %mul3A_1828 : vector<16xf32>
        %get3A_1830 = arith.index_cast %add3A_1797 : i32 to index
        %get3A_1831 = arith.constant 32 : index
        %get3A_1832 = tpu.vector_load %arg12[%get3A_1830, %get3A_1831] {strides = array<i32>} : memref<128x128xf32, #tpu.memory_space<vmem>>, vector<1x16xf32>,
        %get3A_1833 = vector.shape_cast %get3A_1832 : vector<1x16xf32> to vector<16xf32>
        %mul3A_1834 = vector.broadcast %squeeze3A_1799 : f32 to vector<16xf32>
        %mul3A_1835 = arith.mulf %mul3A_1834, %get3A_1833 : vector<16xf32>
        %add3A_1836 = arith.addf %add3A_1723, %mul3A_1835 : vector<16xf32>
        %get3A_1837 = arith.index_cast %add3A_1797 : i32 to index
        %get3A_1838 = arith.constant 32 : index
        %get3A_1839 = tpu.vector_load %arg13[%get3A_1837, %get3A_1838] {strides = array<i32>} : memref<128x128xf32, #tpu.memory_space<vmem>>, vector<1x16xf32>,
        %get3A_1840 = vector.shape_cast %get3A_1839 : vector<1x16xf32> to vector<16xf32>
        %mul3A_1841 = vector.broadcast %squeeze3A_1801 : f32 to vector<16xf32>
        %mul3A_1842 = arith.mulf %mul3A_1841, %get3A_1840 : vector<16xf32>
        %add3A_1843 = arith.addf %add3A_1836, %mul3A_1842 : vector<16xf32>
        %get3A_1844 = arith.index_cast %add3A_1797 : i32 to index
        %get3A_1845 = arith.constant 48 : index
        %get3A_1846 = tpu.vector_load %arg12[%get3A_1844, %get3A_1845] {strides = array<i32>} : memref<128x128xf32, #tpu.memory_space<vmem>>, vector<1x16xf32>,
        %get3A_1847 = vector.shape_cast %get3A_1846 : vector<1x16xf32> to vector<16xf32>
        %mul3A_1848 = vector.broadcast %squeeze3A_1799 : f32 to vector<16xf32>
        %mul3A_1849 = arith.mulf %mul3A_1848, %get3A_1847 : vector<16xf32>
        %add3A_1850 = arith.addf %add3A_1737, %mul3A_1849 : vector<16xf32>
        %get3A_1851 = arith.index_cast %add3A_1797 : i32 to index
        %get3A_1852 = arith.constant 48 : index
        %get3A_1853 = tpu.vector_load %arg13[%get3A_1851, %get3A_1852] {strides = array<i32>} : memref<128x128xf32, #tpu.memory_space<vmem>>, vector<1x16xf32>,
        %get3A_1854 = vector.shape_cast %get3A_1853 : vector<1x16xf32> to vector<16xf32>
        %mul3A_1855 = vector.broadcast %squeeze3A_1801 : f32 to vector<16xf32>
        %mul3A_1856 = arith.mulf %mul3A_1855, %get3A_1854 : vector<16xf32>
        %add3A_1857 = arith.addf %add3A_1850, %mul3A_1856 : vector<16xf32>
        %get3A_1858 = arith.index_cast %add3A_1797 : i32 to index
        %get3A_1859 = arith.constant 64 : index
        %get3A_1860 = tpu.vector_load %arg12[%get3A_1858, %get3A_1859] {strides = array<i32>} : memref<128x128xf32, #tpu.memory_space<vmem>>, vector<1x16xf32>,
        %get3A_1861 = vector.shape_cast %get3A_1860 : vector<1x16xf32> to vector<16xf32>
        %mul3A_1862 = vector.broadcast %squeeze3A_1799 : f32 to vector<16xf32>
        %mul3A_1863 = arith.mulf %mul3A_1862, %get3A_1861 : vector<16xf32>
        %add3A_1864 = arith.addf %add3A_1751, %mul3A_1863 : vector<16xf32>
        %get3A_1865 = arith.index_cast %add3A_1797 : i32 to index
        %get3A_1866 = arith.constant 64 : index
        %get3A_1867 = tpu.vector_load %arg13[%get3A_1865, %get3A_1866] {strides = array<i32>} : memref<128x128xf32, #tpu.memory_space<vmem>>, vector<1x16xf32>,
        %get3A_1868 = vector.shape_cast %get3A_1867 : vector<1x16xf32> to vector<16xf32>
        %mul3A_1869 = vector.broadcast %squeeze3A_1801 : f32 to vector<16xf32>
        %mul3A_1870 = arith.mulf %mul3A_1869, %get3A_1868 : vector<16xf32>
        %add3A_1871 = arith.addf %add3A_1864, %mul3A_1870 : vector<16xf32>
        %get3A_1872 = arith.index_cast %add3A_1797 : i32 to index
        %get3A_1873 = arith.constant 80 : index
        %get3A_1874 = tpu.vector_load %arg12[%get3A_1872, %get3A_1873] {strides = array<i32>} : memref<128x128xf32, #tpu.memory_space<vmem>>, vector<1x16xf32>,
        %get3A_1875 = vector.shape_cast %get3A_1874 : vector<1x16xf32> to vector<16xf32>
        %mul3A_1876 = vector.broadcast %squeeze3A_1799 : f32 to vector<16xf32>
        %mul3A_1877 = arith.mulf %mul3A_1876, %get3A_1875 : vector<16xf32>
        %add3A_1878 = arith.addf %add3A_1765, %mul3A_1877 : vector<16xf32>
        %get3A_1879 = arith.index_cast %add3A_1797 : i32 to index
        %get3A_1880 = arith.constant 80 : index
        %get3A_1881 = tpu.vector_load %arg13[%get3A_1879, %get3A_1880] {strides = array<i32>} : memref<128x128xf32, #tpu.memory_space<vmem>>, vector<1x16xf32>,
        %get3A_1882 = vector.shape_cast %get3A_1881 : vector<1x16xf32> to vector<16xf32>
        %mul3A_1883 = vector.broadcast %squeeze3A_1801 : f32 to vector<16xf32>
        %mul3A_1884 = arith.mulf %mul3A_1883, %get3A_1882 : vector<16xf32>
        %add3A_1885 = arith.addf %add3A_1878, %mul3A_1884 : vector<16xf32>
        %get3A_1886 = arith.index_cast %add3A_1797 : i32 to index
        %get3A_1887 = arith.constant 96 : index
        %get3A_1888 = tpu.vector_load %arg12[%get3A_1886, %get3A_1887] {strides = array<i32>} : memref<128x128xf32, #tpu.memory_space<vmem>>, vector<1x16xf32>,
        %get3A_1889 = vector.shape_cast %get3A_1888 : vector<1x16xf32> to vector<16xf32>
        %mul3A_1890 = vector.broadcast %squeeze3A_1799 : f32 to vector<16xf32>
        %mul3A_1891 = arith.mulf %mul3A_1890, %get3A_1889 : vector<16xf32>
        %add3A_1892 = arith.addf %add3A_1779, %mul3A_1891 : vector<16xf32>
        %get3A_1893 = arith.index_cast %add3A_1797 : i32 to index
        %get3A_1894 = arith.constant 96 : index
        %get3A_1895 = tpu.vector_load %arg13[%get3A_1893, %get3A_1894] {strides = array<i32>} : memref<128x128xf32, #tpu.memory_space<vmem>>, vector<1x16xf32>,
        %get3A_1896 = vector.shape_cast %get3A_1895 : vector<1x16xf32> to vector<16xf32>
        %mul3A_1897 = vector.broadcast %squeeze3A_1801 : f32 to vector<16xf32>
        %mul3A_1898 = arith.mulf %mul3A_1897, %get3A_1896 : vector<16xf32>
        %add3A_1899 = arith.addf %add3A_1892, %mul3A_1898 : vector<16xf32>
        %get3A_1900 = arith.index_cast %add3A_1797 : i32 to index
        %get3A_1901 = arith.constant 112 : index
        %get3A_1902 = tpu.vector_load %arg12[%get3A_1900, %get3A_1901] {strides = array<i32>} : memref<128x128xf32, #tpu.memory_space<vmem>>, vector<1x16xf32>,
        %get3A_1903 = vector.shape_cast %get3A_1902 : vector<1x16xf32> to vector<16xf32>
        %mul3A_1904 = vector.broadcast %squeeze3A_1799 : f32 to vector<16xf32>
        %mul3A_1905 = arith.mulf %mul3A_1904, %get3A_1903 : vector<16xf32>
        %add3A_1906 = arith.addf %add3A_1793, %mul3A_1905 : vector<16xf32>
        %get3A_1907 = arith.index_cast %add3A_1797 : i32 to index
        %get3A_1908 = arith.constant 112 : index
        %get3A_1909 = tpu.vector_load %arg13[%get3A_1907, %get3A_1908] {strides = array<i32>} : memref<128x128xf32, #tpu.memory_space<vmem>>, vector<1x16xf32>,
        %get3A_1910 = vector.shape_cast %get3A_1909 : vector<1x16xf32> to vector<16xf32>
        %mul3A_1911 = vector.broadcast %squeeze3A_1801 : f32 to vector<16xf32>
        %mul3A_1912 = arith.mulf %mul3A_1911, %get3A_1910 : vector<16xf32>
        %add3A_1913 = arith.addf %add3A_1906, %mul3A_1912 : vector<16xf32>
        %mul3A_1914 = arith.constant 16 : i32
        %mul3A_1915 = arith.muli %scan3A_97, %mul3A_1914 : i32
        %add3A_1916 = arith.constant 15 : i32
        %add3A_1917 = arith.addi %mul3A_1915, %add3A_1916 : i32
        %slice3A_1918 = vector.extract_strided_slice %get3A_110 {offsets = [15], sizes = [1], strides = [1]} : vector<16xf32> to vector<1xf32>
        %squeeze3A_1919 = vector.extract %slice3A_1918[0] : f32 from vector<1xf32>
        %slice3A_1920 = vector.extract_strided_slice %get3A_115 {offsets = [15], sizes = [1], strides = [1]} : vector<16xf32> to vector<1xf32>
        %squeeze3A_1921 = vector.extract %slice3A_1920[0] : f32 from vector<1xf32>
        %get3A_1922 = arith.index_cast %add3A_1917 : i32 to index
        %get3A_1923 = arith.constant 0 : index
        %get3A_1924 = tpu.vector_load %arg12[%get3A_1922, %get3A_1923] {strides = array<i32>} : memref<128x128xf32, #tpu.memory_space<vmem>>, vector<1x16xf32>,
        %get3A_1925 = vector.shape_cast %get3A_1924 : vector<1x16xf32> to vector<16xf32>
        %mul3A_1926 = vector.broadcast %squeeze3A_1919 : f32 to vector<16xf32>
        %mul3A_1927 = arith.mulf %mul3A_1926, %get3A_1925 : vector<16xf32>
        %add3A_1928 = arith.addf %add3A_1815, %mul3A_1927 : vector<16xf32>
        %get3A_1929 = arith.index_cast %add3A_1917 : i32 to index
        %get3A_1930 = arith.constant 0 : index
        %get3A_1931 = tpu.vector_load %arg13[%get3A_1929, %get3A_1930] {strides = array<i32>} : memref<128x128xf32, #tpu.memory_space<vmem>>, vector<1x16xf32>,
        %get3A_1932 = vector.shape_cast %get3A_1931 : vector<1x16xf32> to vector<16xf32>
        %mul3A_1933 = vector.broadcast %squeeze3A_1921 : f32 to vector<16xf32>
        %mul3A_1934 = arith.mulf %mul3A_1933, %get3A_1932 : vector<16xf32>
        %add3A_1935 = arith.addf %add3A_1928, %mul3A_1934 : vector<16xf32>
        %get3A_1936 = arith.index_cast %add3A_1917 : i32 to index
        %get3A_1937 = arith.constant 16 : index
        %get3A_1938 = tpu.vector_load %arg12[%get3A_1936, %get3A_1937] {strides = array<i32>} : memref<128x128xf32, #tpu.memory_space<vmem>>, vector<1x16xf32>,
        %get3A_1939 = vector.shape_cast %get3A_1938 : vector<1x16xf32> to vector<16xf32>
        %mul3A_1940 = vector.broadcast %squeeze3A_1919 : f32 to vector<16xf32>
        %mul3A_1941 = arith.mulf %mul3A_1940, %get3A_1939 : vector<16xf32>
        %add3A_1942 = arith.addf %add3A_1829, %mul3A_1941 : vector<16xf32>
        %get3A_1943 = arith.index_cast %add3A_1917 : i32 to index
        %get3A_1944 = arith.constant 16 : index
        %get3A_1945 = tpu.vector_load %arg13[%get3A_1943, %get3A_1944] {strides = array<i32>} : memref<128x128xf32, #tpu.memory_space<vmem>>, vector<1x16xf32>,
        %get3A_1946 = vector.shape_cast %get3A_1945 : vector<1x16xf32> to vector<16xf32>
        %mul3A_1947 = vector.broadcast %squeeze3A_1921 : f32 to vector<16xf32>
        %mul3A_1948 = arith.mulf %mul3A_1947, %get3A_1946 : vector<16xf32>
        %add3A_1949 = arith.addf %add3A_1942, %mul3A_1948 : vector<16xf32>
        %get3A_1950 = arith.index_cast %add3A_1917 : i32 to index
        %get3A_1951 = arith.constant 32 : index
        %get3A_1952 = tpu.vector_load %arg12[%get3A_1950, %get3A_1951] {strides = array<i32>} : memref<128x128xf32, #tpu.memory_space<vmem>>, vector<1x16xf32>,
        %get3A_1953 = vector.shape_cast %get3A_1952 : vector<1x16xf32> to vector<16xf32>
        %mul3A_1954 = vector.broadcast %squeeze3A_1919 : f32 to vector<16xf32>
        %mul3A_1955 = arith.mulf %mul3A_1954, %get3A_1953 : vector<16xf32>
        %add3A_1956 = arith.addf %add3A_1843, %mul3A_1955 : vector<16xf32>
        %get3A_1957 = arith.index_cast %add3A_1917 : i32 to index
        %get3A_1958 = arith.constant 32 : index
        %get3A_1959 = tpu.vector_load %arg13[%get3A_1957, %get3A_1958] {strides = array<i32>} : memref<128x128xf32, #tpu.memory_space<vmem>>, vector<1x16xf32>,
        %get3A_1960 = vector.shape_cast %get3A_1959 : vector<1x16xf32> to vector<16xf32>
        %mul3A_1961 = vector.broadcast %squeeze3A_1921 : f32 to vector<16xf32>
        %mul3A_1962 = arith.mulf %mul3A_1961, %get3A_1960 : vector<16xf32>
        %add3A_1963 = arith.addf %add3A_1956, %mul3A_1962 : vector<16xf32>
        %get3A_1964 = arith.index_cast %add3A_1917 : i32 to index
        %get3A_1965 = arith.constant 48 : index
        %get3A_1966 = tpu.vector_load %arg12[%get3A_1964, %get3A_1965] {strides = array<i32>} : memref<128x128xf32, #tpu.memory_space<vmem>>, vector<1x16xf32>,
        %get3A_1967 = vector.shape_cast %get3A_1966 : vector<1x16xf32> to vector<16xf32>
        %mul3A_1968 = vector.broadcast %squeeze3A_1919 : f32 to vector<16xf32>
        %mul3A_1969 = arith.mulf %mul3A_1968, %get3A_1967 : vector<16xf32>
        %add3A_1970 = arith.addf %add3A_1857, %mul3A_1969 : vector<16xf32>
        %get3A_1971 = arith.index_cast %add3A_1917 : i32 to index
        %get3A_1972 = arith.constant 48 : index
        %get3A_1973 = tpu.vector_load %arg13[%get3A_1971, %get3A_1972] {strides = array<i32>} : memref<128x128xf32, #tpu.memory_space<vmem>>, vector<1x16xf32>,
        %get3A_1974 = vector.shape_cast %get3A_1973 : vector<1x16xf32> to vector<16xf32>
        %mul3A_1975 = vector.broadcast %squeeze3A_1921 : f32 to vector<16xf32>
        %mul3A_1976 = arith.mulf %mul3A_1975, %get3A_1974 : vector<16xf32>
        %add3A_1977 = arith.addf %add3A_1970, %mul3A_1976 : vector<16xf32>
        %get3A_1978 = arith.index_cast %add3A_1917 : i32 to index
        %get3A_1979 = arith.constant 64 : index
        %get3A_1980 = tpu.vector_load %arg12[%get3A_1978, %get3A_1979] {strides = array<i32>} : memref<128x128xf32, #tpu.memory_space<vmem>>, vector<1x16xf32>,
        %get3A_1981 = vector.shape_cast %get3A_1980 : vector<1x16xf32> to vector<16xf32>
        %mul3A_1982 = vector.broadcast %squeeze3A_1919 : f32 to vector<16xf32>
        %mul3A_1983 = arith.mulf %mul3A_1982, %get3A_1981 : vector<16xf32>
        %add3A_1984 = arith.addf %add3A_1871, %mul3A_1983 : vector<16xf32>
        %get3A_1985 = arith.index_cast %add3A_1917 : i32 to index
        %get3A_1986 = arith.constant 64 : index
        %get3A_1987 = tpu.vector_load %arg13[%get3A_1985, %get3A_1986] {strides = array<i32>} : memref<128x128xf32, #tpu.memory_space<vmem>>, vector<1x16xf32>,
        %get3A_1988 = vector.shape_cast %get3A_1987 : vector<1x16xf32> to vector<16xf32>
        %mul3A_1989 = vector.broadcast %squeeze3A_1921 : f32 to vector<16xf32>
        %mul3A_1990 = arith.mulf %mul3A_1989, %get3A_1988 : vector<16xf32>
        %add3A_1991 = arith.addf %add3A_1984, %mul3A_1990 : vector<16xf32>
        %get3A_1992 = arith.index_cast %add3A_1917 : i32 to index
        %get3A_1993 = arith.constant 80 : index
        %get3A_1994 = tpu.vector_load %arg12[%get3A_1992, %get3A_1993] {strides = array<i32>} : memref<128x128xf32, #tpu.memory_space<vmem>>, vector<1x16xf32>,
        %get3A_1995 = vector.shape_cast %get3A_1994 : vector<1x16xf32> to vector<16xf32>
        %mul3A_1996 = vector.broadcast %squeeze3A_1919 : f32 to vector<16xf32>
        %mul3A_1997 = arith.mulf %mul3A_1996, %get3A_1995 : vector<16xf32>
        %add3A_1998 = arith.addf %add3A_1885, %mul3A_1997 : vector<16xf32>
        %get3A_1999 = arith.index_cast %add3A_1917 : i32 to index
        %get3A_2000 = arith.constant 80 : index
        %get3A_2001 = tpu.vector_load %arg13[%get3A_1999, %get3A_2000] {strides = array<i32>} : memref<128x128xf32, #tpu.memory_space<vmem>>, vector<1x16xf32>,
        %get3A_2002 = vector.shape_cast %get3A_2001 : vector<1x16xf32> to vector<16xf32>
        %mul3A_2003 = vector.broadcast %squeeze3A_1921 : f32 to vector<16xf32>
        %mul3A_2004 = arith.mulf %mul3A_2003, %get3A_2002 : vector<16xf32>
        %add3A_2005 = arith.addf %add3A_1998, %mul3A_2004 : vector<16xf32>
        %get3A_2006 = arith.index_cast %add3A_1917 : i32 to index
        %get3A_2007 = arith.constant 96 : index
        %get3A_2008 = tpu.vector_load %arg12[%get3A_2006, %get3A_2007] {strides = array<i32>} : memref<128x128xf32, #tpu.memory_space<vmem>>, vector<1x16xf32>,
        %get3A_2009 = vector.shape_cast %get3A_2008 : vector<1x16xf32> to vector<16xf32>
        %mul3A_2010 = vector.broadcast %squeeze3A_1919 : f32 to vector<16xf32>
        %mul3A_2011 = arith.mulf %mul3A_2010, %get3A_2009 : vector<16xf32>
        %add3A_2012 = arith.addf %add3A_1899, %mul3A_2011 : vector<16xf32>
        %get3A_2013 = arith.index_cast %add3A_1917 : i32 to index
        %get3A_2014 = arith.constant 96 : index
        %get3A_2015 = tpu.vector_load %arg13[%get3A_2013, %get3A_2014] {strides = array<i32>} : memref<128x128xf32, #tpu.memory_space<vmem>>, vector<1x16xf32>,
        %get3A_2016 = vector.shape_cast %get3A_2015 : vector<1x16xf32> to vector<16xf32>
        %mul3A_2017 = vector.broadcast %squeeze3A_1921 : f32 to vector<16xf32>
        %mul3A_2018 = arith.mulf %mul3A_2017, %get3A_2016 : vector<16xf32>
        %add3A_2019 = arith.addf %add3A_2012, %mul3A_2018 : vector<16xf32>
        %get3A_2020 = arith.index_cast %add3A_1917 : i32 to index
        %get3A_2021 = arith.constant 112 : index
        %get3A_2022 = tpu.vector_load %arg12[%get3A_2020, %get3A_2021] {strides = array<i32>} : memref<128x128xf32, #tpu.memory_space<vmem>>, vector<1x16xf32>,
        %get3A_2023 = vector.shape_cast %get3A_2022 : vector<1x16xf32> to vector<16xf32>
        %mul3A_2024 = vector.broadcast %squeeze3A_1919 : f32 to vector<16xf32>
        %mul3A_2025 = arith.mulf %mul3A_2024, %get3A_2023 : vector<16xf32>
        %add3A_2026 = arith.addf %add3A_1913, %mul3A_2025 : vector<16xf32>
        %get3A_2027 = arith.index_cast %add3A_1917 : i32 to index
        %get3A_2028 = arith.constant 112 : index
        %get3A_2029 = tpu.vector_load %arg13[%get3A_2027, %get3A_2028] {strides = array<i32>} : memref<128x128xf32, #tpu.memory_space<vmem>>, vector<1x16xf32>,
        %get3A_2030 = vector.shape_cast %get3A_2029 : vector<1x16xf32> to vector<16xf32>
        %mul3A_2031 = vector.broadcast %squeeze3A_1921 : f32 to vector<16xf32>
        %mul3A_2032 = arith.mulf %mul3A_2031, %get3A_2030 : vector<16xf32>
        %add3A_2033 = arith.addf %add3A_2026, %mul3A_2032 : vector<16xf32>
        scf.yield %add3A_1935, %add3A_1949, %add3A_1963, %add3A_1977, %add3A_1991, %add3A_2005, %add3A_2019, %add3A_2033 : vector<16xf32>, vector<16xf32>, vector<16xf32>, vector<16xf32>, vector<16xf32>, vector<16xf32>, vector<16xf32>, vector<16xf32>
      }
      %scan3A_56 = arith.constant 8 : i32
      %swap3A = arith.index_cast %scan3A_9 : i32 to index
      %swap3A_57 = arith.constant 0 : index
      %swap3A_58 = tpu.vector_load %arg14[%swap3A, %swap3A_57] {strides = array<i32>} : memref<32x128xf32, #tpu.memory_space<vmem>>, vector<1x16xf32>,
      %swap3A_59 = vector.shape_cast %swap3A_58 : vector<1x16xf32> to vector<16xf32>
      %swap3A_60 = vector.shape_cast %scan3A_55#0 : vector<16xf32> to vector<1x16xf32>
      tpu.vector_store %arg14[%swap3A, %swap3A_57], %swap3A_60 {strides = array<i32>} : memref<32x128xf32, #tpu.memory_space<vmem>>, vector<1x16xf32>,
      %swap3A_61 = arith.index_cast %scan3A_9 : i32 to index
      %swap3A_62 = arith.constant 16 : index
      %swap3A_63 = tpu.vector_load %arg14[%swap3A_61, %swap3A_62] {strides = array<i32>} : memref<32x128xf32, #tpu.memory_space<vmem>>, vector<1x16xf32>,
      %swap3A_64 = vector.shape_cast %swap3A_63 : vector<1x16xf32> to vector<16xf32>
      %swap3A_65 = vector.shape_cast %scan3A_55#1 : vector<16xf32> to vector<1x16xf32>
      tpu.vector_store %arg14[%swap3A_61, %swap3A_62], %swap3A_65 {strides = array<i32>} : memref<32x128xf32, #tpu.memory_space<vmem>>, vector<1x16xf32>,
      %swap3A_66 = arith.index_cast %scan3A_9 : i32 to index
      %swap3A_67 = arith.constant 32 : index
      %swap3A_68 = tpu.vector_load %arg14[%swap3A_66, %swap3A_67] {strides = array<i32>} : memref<32x128xf32, #tpu.memory_space<vmem>>, vector<1x16xf32>,
      %swap3A_69 = vector.shape_cast %swap3A_68 : vector<1x16xf32> to vector<16xf32>
      %swap3A_70 = vector.shape_cast %scan3A_55#2 : vector<16xf32> to vector<1x16xf32>
      tpu.vector_store %arg14[%swap3A_66, %swap3A_67], %swap3A_70 {strides = array<i32>} : memref<32x128xf32, #tpu.memory_space<vmem>>, vector<1x16xf32>,
      %swap3A_71 = arith.index_cast %scan3A_9 : i32 to index
      %swap3A_72 = arith.constant 48 : index
      %swap3A_73 = tpu.vector_load %arg14[%swap3A_71, %swap3A_72] {strides = array<i32>} : memref<32x128xf32, #tpu.memory_space<vmem>>, vector<1x16xf32>,
      %swap3A_74 = vector.shape_cast %swap3A_73 : vector<1x16xf32> to vector<16xf32>
      %swap3A_75 = vector.shape_cast %scan3A_55#3 : vector<16xf32> to vector<1x16xf32>
      tpu.vector_store %arg14[%swap3A_71, %swap3A_72], %swap3A_75 {strides = array<i32>} : memref<32x128xf32, #tpu.memory_space<vmem>>, vector<1x16xf32>,
      %swap3A_76 = arith.index_cast %scan3A_9 : i32 to index
      %swap3A_77 = arith.constant 64 : index
      %swap3A_78 = tpu.vector_load %arg14[%swap3A_76, %swap3A_77] {strides = array<i32>} : memref<32x128xf32, #tpu.memory_space<vmem>>, vector<1x16xf32>,
      %swap3A_79 = vector.shape_cast %swap3A_78 : vector<1x16xf32> to vector<16xf32>
      %swap3A_80 = vector.shape_cast %scan3A_55#4 : vector<16xf32> to vector<1x16xf32>
      tpu.vector_store %arg14[%swap3A_76, %swap3A_77], %swap3A_80 {strides = array<i32>} : memref<32x128xf32, #tpu.memory_space<vmem>>, vector<1x16xf32>,
      %swap3A_81 = arith.index_cast %scan3A_9 : i32 to index
      %swap3A_82 = arith.constant 80 : index
      %swap3A_83 = tpu.vector_load %arg14[%swap3A_81, %swap3A_82] {strides = array<i32>} : memref<32x128xf32, #tpu.memory_space<vmem>>, vector<1x16xf32>,
      %swap3A_84 = vector.shape_cast %swap3A_83 : vector<1x16xf32> to vector<16xf32>
      %swap3A_85 = vector.shape_cast %scan3A_55#5 : vector<16xf32> to vector<1x16xf32>
      tpu.vector_store %arg14[%swap3A_81, %swap3A_82], %swap3A_85 {strides = array<i32>} : memref<32x128xf32, #tpu.memory_space<vmem>>, vector<1x16xf32>,
      %swap3A_86 = arith.index_cast %scan3A_9 : i32 to index
      %swap3A_87 = arith.constant 96 : index
      %swap3A_88 = tpu.vector_load %arg14[%swap3A_86, %swap3A_87] {strides = array<i32>} : memref<32x128xf32, #tpu.memory_space<vmem>>, vector<1x16xf32>,
      %swap3A_89 = vector.shape_cast %swap3A_88 : vector<1x16xf32> to vector<16xf32>
      %swap3A_90 = vector.shape_cast %scan3A_55#6 : vector<16xf32> to vector<1x16xf32>
      tpu.vector_store %arg14[%swap3A_86, %swap3A_87], %swap3A_90 {strides = array<i32>} : memref<32x128xf32, #tpu.memory_space<vmem>>, vector<1x16xf32>,
      %swap3A_91 = arith.index_cast %scan3A_9 : i32 to index
      %swap3A_92 = arith.constant 112 : index
      %swap3A_93 = tpu.vector_load %arg14[%swap3A_91, %swap3A_92] {strides = array<i32>} : memref<32x128xf32, #tpu.memory_space<vmem>>, vector<1x16xf32>,
      %swap3A_94 = vector.shape_cast %swap3A_93 : vector<1x16xf32> to vector<16xf32>
      %swap3A_95 = vector.shape_cast %scan3A_55#7 : vector<16xf32> to vector<1x16xf32>
      tpu.vector_store %arg14[%swap3A_91, %swap3A_92], %swap3A_95 {strides = array<i32>} : memref<32x128xf32, #tpu.memory_space<vmem>>, vector<1x16xf32>,
      %scan3A_96 = arith.constant 0 : i32
      scf.yield %scan3A_96 : i32
    }
    %scan3A_8 = arith.constant 32 : i32
    "tpu.region"() ({
      %run_scoped3A = tpu.sem_alloc : memref<!tpu.dma_semaphore, #tpu.memory_space<semaphore_mem>>
      %dma_start3A = arith.constant 0 : i32
      %dma_start3A_9 = tpu.memref_slice %arg5[%mul3A_2, %dma_start3A] : memref<1024x128xf32, #tpu.memory_space<hbm>> -> memref<32x128xf32, #tpu.memory_space<hbm>>
      %dma_start3A_10 = arith.constant 0 : i32
      %dma_start3A_11 = tpu.memref_slice %arg5[%mul3A_2, %dma_start3A_10] : memref<1024x128xf32, #tpu.memory_space<hbm>> -> memref<32x128xf32, #tpu.memory_space<hbm>>
      tpu.enqueue_dma source(%arg14 : memref<32x128xf32, #tpu.memory_space<vmem>>) target(%dma_start3A_11 : memref<32x128xf32, #tpu.memory_space<hbm>>) target_semaphore(%run_scoped3A : memref<!tpu.dma_semaphore, #tpu.memory_space<semaphore_mem>>)
      %dma_wait3A = arith.constant 0 : i32
      %dma_wait3A_12 = tpu.memref_slice %arg5[%mul3A_2, %dma_wait3A] : memref<1024x128xf32, #tpu.memory_space<hbm>> -> memref<32x128xf32, #tpu.memory_space<hbm>>
      %dma_wait3A_13 = arith.constant 0 : i32
      %dma_wait3A_14 = tpu.memref_slice %arg5[%mul3A_2, %dma_wait3A_13] : memref<1024x128xf32, #tpu.memory_space<hbm>> -> memref<32x128xf32, #tpu.memory_space<hbm>>
      tpu.wait_dma2 semaphore(%run_scoped3A : memref<!tpu.dma_semaphore, #tpu.memory_space<semaphore_mem>>) src(%arg14 : memref<32x128xf32, #tpu.memory_space<vmem>>) dst(%dma_wait3A_14 : memref<32x128xf32, #tpu.memory_space<hbm>>)
      tpu.yield
    }) : () -> ()
    return
  }
}

</mosaic_0001>

<sc_bundles>
// kernel: kernel.3.cloned.1.call-start
scs
__scs_entry_jumppad:
0x0: {  	(pc) =	sbr.rel $0x88, $3  }
0x1: {  	(tag) =	ssettag $0x0;
	lr =	simm.s32 $0x1  }
0x2: {  	[smem:$0x3F9E] =	sst lr;
	_ =	strace $0xD0000000  }
0x3: {  	_ = 	snop  }
0x4: {  	_ = 	snop  }
0x5: {  	_ = 	snop  }
0x6: {  	_ = 	snop  }
0x7: {  	_ = 	snop  }
__scs_overlays_trampoline_lowered:
0x8: {  	[smem:$0x3FAD] =	sst s0  }
0x9: {  	[smem:$0x3FAE] =	sst s1  }
0xa: {  	[smem:$0x3FAF] =	sst s2  }
0xb: {  	[smem:$0x3FB0] =	sst s3  }
0xc: {  	[smem:$0x3FB1] =	sst s4  }
0xd: {  	[smem:$0x3FB2] =	sst s5  }
0xe: {  	[smem:$0x3FB3] =	sst s6  }
0xf: {  	[smem:$0x3FB4] =	sst s7  }
0x10: {  	[smem:$0x3FB5] =	sst s8  }
0x11: {  	[smem:$0x3FB6] =	sst s9;
	s0 =	simm.s32 @!p0 $0x0  }
0x12: {  	s1 =	sld [smem:$0x3F9C];
	s0 =	simm.s32 @p0 $0x1  }
0x13: {  	[smem:$0x3FB7] =	sst s0;
	s0 =	simm.s32 @!p1 $0x0  }
0x14: {  	s2 =	sld [smem:$0x3F9B];
	s0 =	simm.s32 @p1 $0x1  }
0x15: {  	[smem:$0x3FB8] =	sst s0;
	s0 =	simm.s32 @!p2 $0x0  }
0x16: {  	s3 =	sld [smem:$0x3FDB];
	s0 =	simm.s32 @p2 $0x1  }
0x17: {  	s4 =	simm.s32 $0x1BF5;
	[smem:$0x3FBA] =	sst s0  }
0x18: {  	s0 =	sld [smem:$0x3F9D];
	_ =	swait.ge [sflag:s4], $0x0  }
0x19: {  	s7 =	sld [smem:$0x3F9E]  }
0x1a: {  	s8 =	sadd.s32 $0xFFFFE003, lr  }
0x1b: {  	s9 =	sadd.s32 $0xFFFFFEF7, lr;
	s5 =	simm.s32 $0xFFFFFFFF;
	p2 =	slt.u32 s8, $0xFFFFF086  }
0x1c: {  	p1 =	slt.u32 s9, $0xF7A;
	s5 =	simm.s32 @!p2 $0x0  }
0x1d: {  	s5 =	simm.s32 @p1 $0x1;
	p0 =	seq.s32 s7, s2  }
0x1e: {  	s7 =	smul.u32 @!p0 $0xF7A, s2;
	p2 =	seq.s32 @!p0 s5, $0x0  }
0x1f: {  	s9 =	smul.u32 $0xF7A, s1;
	s8 =	simm.s32 @!p0 $0x1BF5;
	p2 =	por !p2, p0  }
0x20: {  	[sflag:s8] =	ssyncset.s32 @!p0 $0xFFFFF086;
	s6 =	sadd.s32 @!p0 s3, s7;
	s7 =	simm.s32 @!p0 $0x108  }
0x21: {  	s3 =	sadd.s32 s3, s9;
	s6 =	sadd.s32 @!p0 $0x88, s6;
	s7 =	simm.s32 @p2 $0x1082  }
0x22: {  	[simem:s7], [sflag:s8] =	dma.local @!p0 [hbm:s6], $0xF7A  }
0x23: {  	s9 =	sor.u32 $0xD0000000, s2;
	s6 =	simm.s32 $0x108;
	_ =	swait.ge @!p0 [sflag:s8], $0x0  }
0x24: {  	s3 =	sadd.s32 $0x88, s3;
	s6 =	simm.s32 @!p1 $0x1082;
	[sflag:s4] =	ssyncset.s32 $0xFFFFF086  }
0x25: {  	[simem:s6], [sflag:s4] =	dma.local [hbm:s3], $0xF7A  }
0x26: {  	[smem:$0x3F9E] =	sst s1;
	(tag) =	ssettag s2;
	_ =	strace s9  }
0x27: {  	s1 =	sld [smem:$0x3FAE]  }
0x28: {  	s2 =	sld [smem:$0x3FAF]  }
0x29: {  	s4 =	sld [smem:$0x3FB1]  }
0x2a: {  	p0 =	seq.s32 s5, $0x0;
	s5 =	sld [smem:$0x3FB2]  }
0x2b: {  	s6 =	sld [smem:$0x3FB3]  }
0x2c: {  	s7 =	sld [smem:$0x3FB4]  }
0x2d: {  	s3 =	simm.s32 $0x108;
	s8 =	sld [smem:$0x3FB5]  }
0x2e: {  	s3 =	simm.s32 @!p0 $0x1082;
	s9 =	sld [smem:$0x3FB6]  }
0x2f: {  	lr =	sadd.s32 s0, s3;
	s0 =	sld [smem:$0x3FAD]  }
0x30: {  	s3 =	sld [smem:$0x3FB0]  }
0x31: {  	[smem:$0x3FB9] =	sst s10  }
0x32: {  	s10 =	sld [smem:$0x3FB7];
	_ =	sdelay $0x3  }
0x33: {  	p0 =	seq.s32 s10, $0x1;
	s10 =	sld [smem:$0x3FB9];
	_ =	sdelay $0x3  }
0x34: {  	[smem:$0x3FB9] =	sst s10  }
0x35: {  	s10 =	sld [smem:$0x3FB8];
	_ =	sdelay $0x3  }
0x36: {  	p1 =	seq.s32 s10, $0x1;
	s10 =	sld [smem:$0x3FB9];
	_ =	sdelay $0x3  }
0x37: {  	[smem:$0x3FB9] =	sst s10  }
0x38: {  	s10 =	sld [smem:$0x3FBA]  }
0x39: {  	_ = 	snop;
	(pc) =	sbr.ind lr, $3  }
0x3a: {  	_ = 	snop  }
0x3b: {  	_ = 	snop  }
0x3c: {  	p2 =	seq.s32 s10, $0x1;
	s10 =	sld [smem:$0x3FB9]  }
0x3d: {  	_ =	shalt  }
0x3e: {  	_ =	shalt  }
0x3f: {  	_ =	shalt  }
0x40: {  	_ =	shalt  }
0x41: {  	_ =	shalt  }
0x42: {  	_ =	shalt  }
0x43: {  	_ =	shalt  }
0x44: {  	_ =	shalt  }
0x45: {  	_ =	shalt  }
0x46: {  	_ =	shalt  }
0x47: {  	_ =	shalt  }
0x48: {  	_ =	shalt  }
0x49: {  	_ =	shalt  }
0x4a: {  	_ =	shalt  }
0x4b: {  	_ =	shalt  }
0x4c: {  	_ =	shalt  }
0x4d: {  	_ =	shalt  }
0x4e: {  	_ =	shalt  }
0x4f: {  	_ =	shalt  }
0x50: {  	_ =	shalt  }
0x51: {  	_ =	shalt  }
0x52: {  	_ =	shalt  }
0x53: {  	_ =	shalt  }
0x54: {  	_ =	shalt  }
0x55: {  	_ =	shalt  }
0x56: {  	_ =	shalt  }
0x57: {  	_ =	shalt  }
0x58: {  	_ =	shalt  }
0x59: {  	_ =	shalt  }
0x5a: {  	_ =	shalt  }
0x5b: {  	_ =	shalt  }
0x5c: {  	_ =	shalt  }
0x5d: {  	_ =	shalt  }
0x5e: {  	_ =	shalt  }
0x5f: {  	_ =	shalt  }
0x60: {  	_ =	shalt  }
0x61: {  	_ =	shalt  }
0x62: {  	_ =	shalt  }
0x63: {  	_ =	shalt  }
0x64: {  	_ =	shalt  }
0x65: {  	_ =	shalt  }
0x66: {  	_ =	shalt  }
0x67: {  	_ =	shalt  }
0x68: {  	_ =	shalt  }
0x69: {  	_ =	shalt  }
0x6a: {  	_ =	shalt  }
0x6b: {  	_ =	shalt  }
0x6c: {  	_ =	shalt  }
0x6d: {  	_ =	shalt  }
0x6e: {  	_ =	shalt  }
0x6f: {  	_ =	shalt  }
0x70: {  	_ =	shalt  }
0x71: {  	_ =	shalt  }
0x72: {  	_ =	shalt  }
0x73: {  	_ =	shalt  }
0x74: {  	_ =	shalt  }
0x75: {  	_ =	shalt  }
0x76: {  	_ =	shalt  }
0x77: {  	_ =	shalt  }
0x78: {  	_ =	shalt  }
0x79: {  	_ =	shalt  }
0x7a: {  	_ =	shalt  }
0x7b: {  	_ =	shalt  }
0x7c: {  	_ =	shalt  }
0x7d: {  	_ =	shalt  }
0x7e: {  	_ =	shalt  }
0x7f: {  	_ =	shalt  }
0x80: {  	_ =	shalt  }
0x81: {  	_ =	shalt  }
0x82: {  	_ =	shalt  }
0x83: {  	_ =	shalt  }
0x84: {  	_ =	shalt  }
0x85: {  	_ =	shalt  }
0x86: {  	_ =	shalt  }
0x87: {  	_ =	shalt  }
.Lfunc_end0:
.L_simem_size_0:
called_computation_lowered:
.L_overlay_start_0:
0x88: {  	s2 =	sld [smem:$0x3FD9]  }
0x89: {  	s3 =	sld [smem:$0x3FFE];
	_ =	sdelay $0x1  }
0x8a: {  	s1 =	srdreg.scid  }
0x8b: {  	s0 =	sand.u32 $0x1, s1  }
0x8c: {  	s17 =	sshll.u32 s0, $0xA;
	s2 =	sadd.s32 s3, s2  }
0x8d: {  	s2 =	sadd.s32 s2, s17  }
0x8e: {  	[smem:$0x3FC5] =	sst s2  }
0x8f: {  	_ = 	snop  }
0x90: {  	s2 =	sld [smem:$0x3FC9]  }
0x91: {  	s18 =	sld [smem:$0x3FC7]  }
0x92: {  	s4 =	sld [smem:$0x3FD0];
	(tm) =	ssettm $0x1  }
0x93: {  	s5 =	sld [smem:$0x3FFB];
	_ =	sdelay $0x3  }
0x94: {  	_ =	strace s5  }
0x95: {  	s5 =	sld [smem:$0x3FFC];
	_ =	sdelay $0x3  }
0x96: {  	_ =	strace s5  }
0x97: {  	s5 =	sld [smem:$0x3FFD];
	_ =	sdelay $0x3  }
0x98: {  	_ =	strace s5  }
0x99: {  	_ =	strace $0x8FFFFFFF  }
0x9a: {  	s19 =	sld [smem:$0x3FDB];
	_ =	sdelay $0x1  }
0x9b: {  	s6 =	simm.s32 $_scs_section_size  }
0x9c: {  	s7 =	simm.s32 $_size__tile_overlayer_lowered;
	s8 =	simm.s32 $_tile_overlayer_lowered  }
0x9d: {  	s22 =	simm.s32 $0x1BFF;
	s21 =	sshll.u32 s8, $0x1;
	s5 =	sadd.s32 s6, s19  }
0x9e: {  	s9 =	simm.s32 $0x0;
	s20 =	sshll.u32 s7, $0x1;
	s7 =	sadd.s32 s21, s5  }
0x9f: {  	[timem:s9], [sflag:s22] =	dma.local [hbm:s7], s20  }
0xa0: {  	_ =	swait.ge [sflag:s22], s20  }
0xa1: {  	s6 =	ssub.s32 $0x0, s20;
	[sflag:s22] =	ssyncset.done $0x0  }
0xa2: {  	[sflag:s22] =	ssyncadd.s32 s6;
	_ =	sdelay $0x1  }
0xa3: {  	s23 =	simm.s32 $0x1B8B  }
0xa4: {  	_ =	swait.ge [sflag:s23], $0x1  }
0xa5: {  	[sflag:s23] =	ssyncset.done $0x0  }
0xa6: {  	s25 =	simm.s32 $0x1B8E;
	s24 =	sld [smem:$0x3FFE];
	[sflag:s23] =	ssyncadd.s32 $0xFFFFFFFF  }
0xa7: {  	s26 =	simm.s32 $execute0_lowered;
	[smem:$0x3FD2] =	sst s25  }
0xa8: {  	s7 =	sshll.u32 s26, $0x1;
	_ =	strace $0x80000046;
	[dreg:$0x1] =	wrdreg $0xFFFFFFFF  }
0xa9: {  	s28 =	simm.s32 $_size_execute0_lowered;
	s5 =	sadd.s32 s5, s7;
	[dreg:$0x0] =	wrdreg $0x0  }
0xaa: {  	s7 =	sshll.u32 s28, $0x1;
	[dreg:$0x2] =	wrdreg s5  }
0xab: {  	[dreg:$0x3] =	wrdreg s7  }
0xac: {  	[dreg:$0x4] =	wrdreg $0xC0  }
0xad: {  	_ =	task [dreg:s9], $0x5FFFF  }
0xae: {  	[dreg:$0x1] =	wrdreg $0xFFFFFFFF  }
0xaf: {  	[dreg:$0x0] =	wrdreg $0x60  }
0xb0: {  	[dreg:$0x2] =	wrdreg s2  }
0xb1: {  	[dreg:$0x3] =	wrdreg s24  }
0xb2: {  	[dreg:$0x4] =	wrdreg s18  }
0xb3: {  	[dreg:$0x5] =	wrdreg s4  }
0xb4: {  	[dreg:$0x6] =	wrdreg $0x9  }
0xb5: {  	_ =	task.clear_ibuf [dreg:s9], $0x7FFFF;
	_ =	strace $0x90000046  }
0xb6: {  	s29 =	simm.s32 $0x9;
	_ =	strace $0x80000048  }
0xb7: {  	_ =	swait.ge [sflag:s29], $0x1  }
0xb8: {  	[sflag:s29] =	ssyncadd.s32 $0xFFFFFFFF  }
0xb9: {  	_ =	strace $0x90000048  }
0xba: {  	_ =	sfence  }
0xbb: {  	s30 =	sld [smem:$0x0];
	_ =	sdelay $0x2  }
0xbc: {  	s31 =	sshll.u32 s1, $0xD;
	s1 =	sshrl.u32 s1, $0x2  }
0xbd: {  	s3 =	sand.u32 $0x4000, s31;
	s1 =	sadd.s32 s1, s30  }
0xbe: {  	s0 =	sor.u32 s3, s0;
	s1 =	sshll.u32 s1, $0x11  }
0xbf: {  	s0 =	sor.u32 s1, s0  }
0xc0: {  	s0 =	sadd.s32 $0x8F2B, s0  }
0xc1: {  	[sflag:s0] =	ssyncadd.remote.s32 $0x1  }
0xc2: {  	_ =	sfence.sel $0xFFFF  }
0xc3: {  	[dreg:$0x0] =	wrdreg $0xFFFFFFFF;
	(pc) =	sbr.abs _section_cstart, $3  }
0xc4: {  	[dreg:$0x1] =	wrdreg $0xFFFFFFFF  }
0xc5: {  	_ =	task.clear_ibuf [dreg:s9], $0x2FFFF;
	_ =	strace $0x9FFFFFFF  }
0xc6: {  	(tm) =	ssettm $0x7FFFFFFF  }
0xc7: {  	_ =	shalt  }
tec
execute0_lowered:
.L_overlay_start_1:
0x0: {  	(tag) =	ssettag $0x1  }
0x1: {  	s5 =	rddreg [dreg:$0x0]  }
0x2: {  	s4 =	rddreg [dreg:$0x1]  }
0x3: {  	s1 =	rddreg [dreg:$0x2]  }
0x4: {  	s6 =	rddreg [dreg:$0x3]  }
0x5: {  	s0 =	rddreg [dreg:$0x4];
	s3 =	simm.s32 $0x0;
	s7 =	srdreg.scid  }
0x6: {  	s2 =	stileid.u32;
	s11 =	simm.s32 $0x1080;
	s12 =	simm.s32 $0x1280  }
0x7: {  	s13 =	simm.s32 $0x1;
	s14 =	simm.s32 $0x1100;
	s15 =	simm.s32 $0x5280  }
0x8: {  	s16 =	simm.s32 $0x9280;
	s17 =	simm.s32 $0x0;
	[smem:$0x7FF] =	sst s3  }
0x9: {  	s7 =	sand.u32 $0x1, s7;
	s9 =	sshll.u32 s2, $0xA;
	s4 =	sadd.s32 $0x400, s4  }
0xa: {  	v0 =	vlaneseq.u32;
	s8 =	ssub.s32 $0x2, s7;
	s7 =	sshll.u32 s7, $0x9;
	_ =	strace $0x80000047  }
0xb: {  	v4 =	vmul.u32 $0x8, v0;
	s10 =	sshrl.u32 s8, $0x1;
	s7 =	sor.u32 s7, s9;
	s9 =	simm.s32 $0x1000  }
0xc: {  	s8 =	ssub.s32 s8, s10;
	s5 =	sadd.s32 s5, s7;
	s6 =	sadd.s32 s6, s7  }
0xd: {  	[tilespmem:$0x1FFF0] =	vst v4;
	s10 =	simm.s32 $0x80;
	s7 =	smax.u32 s8, $0x1;
	s8 =	simm.s32 $0x2  }
.LBB2_1:
0xe: {  	[tilespmem:s3], [sflag:$0x2] =	stream.linear.gather [hbm4b:s5+s3], $0x1000, $0x38;
	[tilespmem:$0xA280] =	vst v63  }
0xf: {  	_ =	swait.ge [sflag:s8], $0x1000  }
0x10: {  	[sflag:s8] =	ssyncset.done $0x0  }
0x11: {  	[sflag:s8] =	ssyncadd.s32 $0xFFFFF000  }
0x12: {  	[tilespmem:s9], [sflag:$0x2] =	stream.linear.gather [hbm4b:s1+s3], $0x80, $0x38;
	[tilespmem:$0xA280] =	vst v63  }
0x13: {  	_ =	swait.ge [sflag:s8], $0x80  }
0x14: {  	[sflag:s8] =	ssyncset.done $0x0  }
0x15: {  	s18 =	simm.s32 $0x0;
	s19 =	simm.s32 $0x0;
	[sflag:s8] =	ssyncadd.s32 $0xFFFFFF80  }
.LBB2_2:
0x16: {  	v0 =	vld [tilespmem:s18+$0x0];
	_ =	sdelay $0x4  }
0x17: {  	v0 =	vmax.f32 v0, $-2.000000000e+00  }
0x18: {  	v0 =	vmin.f32 v0, $2.000000000e+00  }
0x19: {  	v0 =	vadd.f32 $2.000000000e+00, v0;
	_ =	sdelay $0x1  }
0x1a: {  	v0 =	vmul.f32 $1.750000000e+00, v0;
	_ =	sdelay $0x1  }
0x1b: {  	v1 =	vtrunc.f32 v0  }
0x1c: {  	v1 =	vcvt.f32.s32 v1  }
0x1d: {  	s20 =	simm.s32 $0x0  }
0x1e: {  	v2 =	vmov s20;
	vm0 =	vlt.s32 v1, $0x6  }
0x1f: {  	v2 =	vshll.u32 v2, $0x3;
	v1 =	vnsel vm0, $0x6, v1  }
0x20: {  	v2 =	vor.u32 v4, v2;
	v3 =	vcvt.s32.f32 v1  }
0x21: {  	s21 =	simm.s32 $0x1080;
	v1 =	vadd.s32 v2, v1  }
0x22: {  	s22 =	simm.s32 $0x1100;
	v2 =	vadd.s32 $0x1, v1;
	[tilespmem:s21+$0x0] =	vst v1;
	v0 =	vsub.f32 v0, v3  }
0x23: {  	s24 =	simm.s32 $0x1200;
	[tilespmem:s22+$0x0] =	vst v2  }
0x24: {  	s28 =	simm.s32 $0x1180;
	s23 =	simm.s32 $0x10;
	s25 =	simm.s32 $0x1190;
	[tilespmem:s24+$0x0] =	vst v0;
	v0 =	vsub.f32 $1.000000000e+00, v0  }
0x25: {  	s26 =	smov.u32 s18;
	s20 =	sshll.u32 s19, $0x9;
	s24 =	simm.s32 $0x1210  }
.LBB2_3:
0x26: {  	[tilespmem:s28+$0x0] =	vst v0;
	s26 =	sadd.s32 $0x10, s26;
	s21 =	sadd.s32 $0x10, s21;
	s22 =	sadd.s32 $0x10, s22  }
0x27: {  	p0 =	sne.s32 s23, $0x70;
	s29 =	smov.u32 s23;
	s23 =	sadd.s32 $0x10, s23;
	v0 =	vld [tilespmem:s26+$0x0]  }
0x28: {  	s28 =	smov.u32 s25;
	_ =	sdelay $0x3  }
0x29: {  	v0 =	vmax.f32 v0, $-2.000000000e+00  }
0x2a: {  	v0 =	vmin.f32 v0, $2.000000000e+00  }
0x2b: {  	v0 =	vadd.f32 $2.000000000e+00, v0;
	_ =	sdelay $0x1  }
0x2c: {  	v0 =	vmul.f32 $1.750000000e+00, v0;
	_ =	sdelay $0x1  }
0x2d: {  	v1 =	vtrunc.f32 v0  }
0x2e: {  	v1 =	vcvt.f32.s32 v1  }
0x2f: {  	v2 =	vmov s29  }
0x30: {  	v2 =	vshll.u32 v2, $0x3;
	vm0 =	vlt.s32 v1, $0x6  }
0x31: {  	v2 =	vor.u32 v4, v2;
	v1 =	vnsel vm0, $0x6, v1  }
0x32: {  	v3 =	vcvt.s32.f32 v1;
	v1 =	vadd.s32 v2, v1  }
.Ltmp0:
0x33: {  	v2 =	vadd.s32 $0x1, v1;
	(pc) =	sbr.rel @p0 .LBB2_3-.Ltmp0, $4  }
0x34: {  	v0 =	vsub.f32 v0, v3;
	[tilespmem:s21+$0x0] =	vst v1  }
0x35: {  	[tilespmem:s22+$0x0] =	vst v2  }
0x36: {  	[tilespmem:s24+$0x0] =	vst v0;
	v0 =	vsub.f32 $1.000000000e+00, v0  }
0x37: {  	s25 =	sadd.s32 $0x10, s25;
	s24 =	sadd.s32 $0x10, s24  }
0x38: {  	[tilespmem:s28+$0x0] =	vst v0  }
0x39: {  	[tilespmem:s12], [sflag:$0x1] =	stream.indirect.gather [hbm4b:s4+s10], $0x80, s11, s10, $0xb8;
	[tilespmem:$0xA280] =	vst v63  }
0x3a: {  	_ =	swait.ge [sflag:s13], $0x4000  }
0x3b: {  	[sflag:s13] =	ssyncset.done $0x0  }
0x3c: {  	[sflag:s13] =	ssyncadd.s32 $0xFFFFC000  }
0x3d: {  	[tilespmem:s15], [sflag:$0x1] =	stream.indirect.gather [hbm4b:s4+s10], $0x80, s14, s10, $0xb8;
	[tilespmem:$0xA280] =	vst v63  }
0x3e: {  	_ =	swait.ge [sflag:s13], $0x4000  }
0x3f: {  	[sflag:s13] =	ssyncset.done $0x0  }
0x40: {  	[sflag:s13] =	ssyncadd.s32 $0xFFFFC000  }
0x41: {  	v0 =	vld [tilespmem:$0x1040];
	_ =	sdelay $0x4  }
0x42: {  	[tilespmem:$0x1F890] =	vst v0;
	v0 =	vld [tilespmem:$0x1050];
	_ =	sdelay $0x4  }
0x43: {  	[tilespmem:$0x1F8A0] =	vst v0;
	v0 =	vld [tilespmem:$0x1060];
	_ =	sdelay $0x4  }
0x44: {  	[tilespmem:$0x1F8B0] =	vst v0;
	v0 =	vld [tilespmem:$0x1070];
	_ =	sdelay $0x3  }
0x45: {  	s21 =	simm.s32 $0x0  }
0x46: {  	[tilespmem:$0x1F8C0] =	vst v0;
	v0 =	vld [tilespmem:s21+$0x5900];
	_ =	sdelay $0x4  }
0x47: {  	[tilespmem:$0x1FAB0] =	vst v0;
	v0 =	vld [tilespmem:s21+$0x5910];
	_ =	sdelay $0x4  }
0x48: {  	[tilespmem:$0x1FAC0] =	vst v0;
	v0 =	vld [tilespmem:s21+$0x5920];
	_ =	sdelay $0x4  }
0x49: {  	[tilespmem:$0x1FAD0] =	vst v0;
	v0 =	vld [tilespmem:s21+$0x5930];
	_ =	sdelay $0x4  }
0x4a: {  	[tilespmem:$0x1FAE0] =	vst v0;
	v0 =	vld [tilespmem:s21+$0x5940];
	_ =	sdelay $0x4  }
0x4b: {  	[tilespmem:$0x1FAF0] =	vst v0;
	v0 =	vld [tilespmem:s21+$0x5950];
	_ =	sdelay $0x4  }
0x4c: {  	[tilespmem:$0x1FB20] =	vst v0;
	v0 =	vld [tilespmem:s21+$0x1900];
	_ =	sdelay $0x4  }
0x4d: {  	[tilespmem:$0x1FB40] =	vst v0;
	v0 =	vld [tilespmem:s21+$0x1910];
	_ =	sdelay $0x4  }
0x4e: {  	[tilespmem:$0x1FB50] =	vst v0;
	v0 =	vld [tilespmem:s21+$0x1920];
	_ =	sdelay $0x4  }
0x4f: {  	[tilespmem:$0x1FB60] =	vst v0;
	v0 =	vld [tilespmem:s21+$0x1930];
	_ =	sdelay $0x3  }
0x50: {  	v22 =	vld [tilespmem:s21+$0x5820]  }
0x51: {  	[tilespmem:$0x1FB70] =	vst v0;
	v0 =	vld [tilespmem:s21+$0x1940];
	_ =	sdelay $0x3  }
0x52: {  	[tilespmem:$0x1FD90] =	vst v22;
	v22 =	vld [tilespmem:s21+$0x5830]  }
0x53: {  	[tilespmem:$0x1FB80] =	vst v0;
	v0 =	vld [tilespmem:s21+$0x1950];
	_ =	sdelay $0x3  }
0x54: {  	[tilespmem:$0x1FDA0] =	vst v22;
	v22 =	vld [tilespmem:s21+$0x5850]  }
0x55: {  	[tilespmem:$0x1FBB0] =	vst v0;
	v0 =	vld [tilespmem:s21+$0x5880];
	_ =	sdelay $0x3  }
0x56: {  	[tilespmem:$0x1FDD0] =	vst v22;
	v22 =	vld [tilespmem:s21+$0x1800]  }
0x57: {  	[tilespmem:$0x1FBD0] =	vst v0;
	v0 =	vld [tilespmem:s21+$0x5890];
	_ =	sdelay $0x3  }
0x58: {  	[tilespmem:$0x1FD10] =	vst v22;
	v22 =	vld [tilespmem:s21+$0x1810]  }
0x59: {  	[tilespmem:$0x1FBE0] =	vst v0;
	v0 =	vld [tilespmem:s21+$0x58A0];
	_ =	sdelay $0x3  }
0x5a: {  	[tilespmem:$0x1FD40] =	vst v22;
	v22 =	vld [tilespmem:s21+$0x1820]  }
0x5b: {  	[tilespmem:$0x1FBF0] =	vst v0;
	v0 =	vld [tilespmem:s21+$0x58B0];
	_ =	sdelay $0x3  }
0x5c: {  	[tilespmem:$0x1FD60] =	vst v22;
	v22 =	vld [tilespmem:s21+$0x1830]  }
0x5d: {  	[tilespmem:$0x1FC10] =	vst v0;
	v0 =	vld [tilespmem:s21+$0x58C0];
	_ =	sdelay $0x3  }
0x5e: {  	[tilespmem:$0x1FD80] =	vst v22;
	v22 =	vld [tilespmem:s21+$0x1840]  }
0x5f: {  	[tilespmem:$0x1FC20] =	vst v0;
	v0 =	vld [tilespmem:s21+$0x58D0];
	_ =	sdelay $0x3  }
0x60: {  	[tilespmem:$0x1FDF0] =	vst v22;
	v22 =	vld [tilespmem:s21+$0x1850]  }
0x61: {  	[tilespmem:$0x1FC50] =	vst v0;
	v0 =	vld [tilespmem:s21+$0x1880];
	_ =	sdelay $0x3  }
0x62: {  	[tilespmem:$0x1FE20] =	vst v22;
	v22 =	vld [tilespmem:s21+$0x5780]  }
0x63: {  	[tilespmem:$0x1FC70] =	vst v0;
	v0 =	vld [tilespmem:s21+$0x1890]  }
0x64: {  	v8 =	vld [tilespmem:$0x1000]  }
0x65: {  	v9 =	vld [tilespmem:$0x1010]  }
0x66: {  	v18 =	vld [tilespmem:$0x1020]  }
0x67: {  	[tilespmem:$0x1FC80] =	vst v22;
	v22 =	vld [tilespmem:s21+$0x5790]  }
0x68: {  	[tilespmem:$0x1FC90] =	vst v0;
	v0 =	vld [tilespmem:s21+$0x18A0]  }
0x69: {  	v20 =	vld [tilespmem:$0x1030]  }
0x6a: {  	v12 =	vld [tilespmem:s21+$0x5A00]  }
0x6b: {  	v13 =	vld [tilespmem:s21+$0x5A10]  }
0x6c: {  	[tilespmem:$0x1FCA0] =	vst v22;
	v22 =	vld [tilespmem:s21+$0x57A0]  }
0x6d: {  	[tilespmem:$0x1FCB0] =	vst v0;
	v0 =	vld [tilespmem:s21+$0x18B0]  }
0x6e: {  	v19 =	vld [tilespmem:s21+$0x5A20]  }
0x6f: {  	v21 =	vld [tilespmem:s21+$0x5A30]  }
0x70: {  	v1 =	vld [tilespmem:s21+$0x5A40]  }
0x71: {  	[tilespmem:$0x1FCC0] =	vst v22;
	v22 =	vld [tilespmem:s21+$0x57B0]  }
0x72: {  	[tilespmem:$0x1FCD0] =	vst v0;
	v0 =	vld [tilespmem:s21+$0x18C0]  }
0x73: {  	v2 =	vld [tilespmem:s21+$0x5A50]  }
0x74: {  	v3 =	vld [tilespmem:s21+$0x1A00]  }
0x75: {  	v5 =	vld [tilespmem:s21+$0x1A10]  }
0x76: {  	[tilespmem:$0x1FCE0] =	vst v22;
	v22 =	vld [tilespmem:s21+$0x57C0]  }
0x77: {  	s22 =	simm.s32 $0x0;
	[tilespmem:$0x1FCF0] =	vst v0;
	v0 =	vld [tilespmem:s21+$0x18D0]  }
0x78: {  	v40 =	vld [tilespmem:s22+$0x1200]  }
0x79: {  	v10 =	vld [tilespmem:s21+$0x5840]  }
0x7a: {  	v23 =	vld [tilespmem:s21+$0x1400]  }
0x7b: {  	[tilespmem:$0x1FE40] =	vst v22;
	v22 =	vld [tilespmem:s21+$0x57D0]  }
0x7c: {  	[tilespmem:$0x1FD20] =	vst v0;
	v0 =	vld [tilespmem:s21+$0x5800]  }
0x7d: {  	v24 =	vld [tilespmem:s21+$0x1410]  }
0x7e: {  	v26 =	vld [tilespmem:s21+$0x5300]  }
0x7f: {  	v27 =	vld [tilespmem:s21+$0x5310]  }
0x80: {  	[tilespmem:$0x1FE60] =	vst v22;
	v22 =	vld [tilespmem:s21+$0x1780]  }
0x81: {  	[tilespmem:$0x1FD50] =	vst v0;
	v0 =	vld [tilespmem:s21+$0x5810]  }
0x82: {  	v29 =	vld [tilespmem:s21+$0x5280]  }
0x83: {  	v46 =	vld [tilespmem:s21+$0x5290]  }
0x84: {  	v39 =	vld [tilespmem:s21+$0x52B0]  }
0x85: {  	[tilespmem:$0x1FC00] =	vst v22;
	v22 =	vld [tilespmem:s21+$0x5400]  }
0x86: {  	v37 =	vbroadcast v40, $0x0;
	[tilespmem:$0x1FD70] =	vst v0;
	v0 =	vld [tilespmem:s22+$0x1180]  }
0x87: {  	v32 =	vld [tilespmem:s21+$0x1280];
	v51 =	vbroadcast v40, $0x1  }
0x88: {  	v33 =	vld [tilespmem:s21+$0x1290];
	v29 =	vmul.f32 v29, v37;
	v62 =	vmul.f32 v46, v37  }
0x89: {  	v34 =	vld [tilespmem:s21+$0x12A0];
	v49 =	vmul.f32 v39, v37;
	v46 =	vbroadcast v40, $0x3  }
0x8a: {  	v36 =	vld [tilespmem:s21+$0x12B0];
	v26 =	vmul.f32 v26, v51;
	v27 =	vmul.f32 v27, v51  }
0x8b: {  	v25 =	vld [tilespmem:s21+$0x5380];
	v22 =	vmul.f32 v22, v46;
	v30 =	vbroadcast v0, $0x0  }
0x8c: {  	v28 =	vld [tilespmem:s21+$0x1300];
	[tilespmem:$0x1FDB0] =	vst v10;
	v39 =	vbroadcast v0, $0xF;
	v10 =	vbroadcast v0, $0x7  }
0x8d: {  	v38 =	vld [tilespmem:s21+$0x52A0];
	v4 =	vbroadcast v0, $0x6;
	v32 =	vmul.f32 v32, v30  }
0x8e: {  	v57 =	vld [tilespmem:s21+$0x1310];
	v33 =	vmul.f32 v33, v30;
	v56 =	vmul.f32 v34, v30  }
0x8f: {  	v60 =	vld [tilespmem:s21+$0x1320];
	[tilespmem:$0x1F8D0] =	vst v30;
	v58 =	vmul.f32 v36, v30;
	v30 =	vbroadcast v0, $0x1  }
0x90: {  	v63 =	vld [tilespmem:s21+$0x1330];
	v3 =	vmul.f32 v3, v39;
	v8 =	vadd.f32 v32, v8;
	v9 =	vadd.f32 v33, v9  }
0x91: {  	v48 =	vld [tilespmem:s21+$0x5320];
	v18 =	vadd.f32 v56, v18;
	v20 =	vadd.f32 v58, v20;
	v28 =	vmul.f32 v28, v30  }
0x92: {  	v50 =	vld [tilespmem:s21+$0x5390];
	v8 =	vadd.f32 v29, v8;
	v29 =	vmul.f32 v38, v37;
	v9 =	vadd.f32 v62, v9  }
0x93: {  	v52 =	vld [tilespmem:s21+$0x5330];
	[tilespmem:$0x1F8E0] =	vst v37;
	v20 =	vadd.f32 v49, v20;
	v37 =	vbroadcast v0, $0xC;
	v49 =	vbroadcast v0, $0xA  }
0x94: {  	v53 =	vld [tilespmem:s21+$0x1380];
	v38 =	vbroadcast v0, $0x8;
	v18 =	vadd.f32 v29, v18;
	v29 =	vmul.f32 v57, v30  }
0x95: {  	v54 =	vld [tilespmem:s21+$0x1390];
	v8 =	vadd.f32 v28, v8;
	v28 =	vmul.f32 v60, v30;
	v57 =	vbroadcast v0, $0x3  }
0x96: {  	v58 =	vld [tilespmem:s21+$0x1420];
	v60 =	vbroadcast v40, $0x2;
	v9 =	vadd.f32 v29, v9;
	v29 =	vmul.f32 v63, v30  }
0x97: {  	v55 =	vld [tilespmem:s21+$0x13A0];
	[tilespmem:$0x1F8F0] =	vst v30;
	v18 =	vadd.f32 v28, v18;
	v28 =	vmul.f32 v48, v51;
	v30 =	vbroadcast v0, $0x2  }
0x98: {  	v8 =	vadd.f32 v26, v8;
	v26 =	vmul.f32 v52, v51;
	v20 =	vadd.f32 v29, v20;
	v29 =	vld [tilespmem:s21+$0x13B0]  }
0x99: {  	v23 =	vmul.f32 v23, v57;
	v24 =	vmul.f32 v24, v57;
	v9 =	vadd.f32 v27, v9;
	v27 =	vld [tilespmem:s21+$0x53A0]  }
0x9a: {  	v56 =	vld [tilespmem:s21+$0x53B0];
	v25 =	vmul.f32 v25, v60;
	v18 =	vadd.f32 v28, v18;
	v28 =	vmul.f32 v53, v30  }
0x9b: {  	v59 =	vld [tilespmem:s21+$0x1A20];
	v63 =	vmul.f32 v58, v57;
	v20 =	vadd.f32 v26, v20;
	v26 =	vmul.f32 v54, v30  }
0x9c: {  	v31 =	vld [tilespmem:s21+$0x1A30];
	[tilespmem:$0x1FFE0] =	vst v51;
	v48 =	vbroadcast v0, $0xE;
	v8 =	vadd.f32 v28, v8;
	v28 =	vmul.f32 v55, v30  }
0x9d: {  	v47 =	vld [tilespmem:s21+$0x1490];
	v51 =	vbroadcast v40, $0xE;
	[tilespmem:$0x1FFD0] =	vst v30;
	v9 =	vadd.f32 v26, v9;
	v26 =	vmul.f32 v29, v30  }
0x9e: {  	v36 =	vld [tilespmem:s21+$0x5490];
	v18 =	vadd.f32 v28, v18;
	v8 =	vadd.f32 v25, v8;
	v30 =	vmovc v60;
	v27 =	vmul.f32 v27, v60  }
0x9f: {  	v62 =	vld [tilespmem:s21+$0x1430];
	v25 =	vmul.f32 v56, v30;
	v20 =	vadd.f32 v26, v20;
	v26 =	vmul.f32 v50, v60  }
0xa0: {  	v52 =	vbroadcast v40, $0xD;
	v53 =	vbroadcast v40, $0xC;
	v18 =	vadd.f32 v27, v18;
	v27 =	vld [tilespmem:s21+$0x5410]  }
0xa1: {  	v55 =	vbroadcast v40, $0x4;
	v9 =	vadd.f32 v26, v9;
	v20 =	vadd.f32 v25, v20;
	v25 =	vld [tilespmem:s21+$0x5420]  }
0xa2: {  	v54 =	vbroadcast v40, $0x5;
	v56 =	vbroadcast v0, $0xB;
	v8 =	vadd.f32 v23, v8;
	v23 =	vld [tilespmem:s21+$0x5430]  }
0xa3: {  	v30 =	vbroadcast v0, $0x4;
	v50 =	vbroadcast v0, $0xD;
	v9 =	vadd.f32 v24, v9;
	v24 =	vld [tilespmem:s21+$0x14A0]  }
0xa4: {  	v34 =	vld [tilespmem:s21+$0x1480];
	[tilespmem:$0x1FFB0] =	vst v60;
	v60 =	vbroadcast v0, $0x5;
	v26 =	vmul.f32 v62, v57  }
0xa5: {  	[tilespmem:$0x1FF90] =	vst v57;
	v28 =	vld [tilespmem:s21+$0x5480];
	v57 =	vbroadcast v0, $0x9;
	v0 =	vmul.f32 v27, v46  }
0xa6: {  	v29 =	vld [tilespmem:s21+$0x1500];
	v22 =	vadd.f32 v22, v8;
	v18 =	vadd.f32 v63, v18;
	v8 =	vmul.f32 v25, v46  }
0xa7: {  	v36 =	vmul.f32 v36, v55;
	v62 =	vld [tilespmem:s21+$0x14B0];
	v20 =	vadd.f32 v26, v20;
	v27 =	vadd.f32 v0, v9  }
0xa8: {  	v26 =	vld [tilespmem:s21+$0x54A0];
	v9 =	vmul.f32 v23, v46;
	v23 =	vadd.f32 v8, v18;
	v24 =	vmul.f32 v24, v30  }
0xa9: {  	v33 =	vmul.f32 v47, v30;
	v47 =	vbroadcast v40, $0xF;
	v25 =	vld [tilespmem:s21+$0x54B0]  }
0xaa: {  	v28 =	vmul.f32 v28, v55;
	v18 =	vmul.f32 v34, v30;
	v23 =	vadd.f32 v24, v23;
	v24 =	vld [tilespmem:s21+$0x1510]  }
0xab: {  	v29 =	vmul.f32 v29, v60;
	v12 =	vmul.f32 v12, v47;
	v27 =	vadd.f32 v33, v27;
	v33 =	vld [tilespmem:s21+$0x1520]  }
0xac: {  	v13 =	vmul.f32 v13, v47;
	v19 =	vmul.f32 v19, v47;
	v22 =	vadd.f32 v18, v22;
	v18 =	vld [tilespmem:s21+$0x17C0]  }
0xad: {  	[tilespmem:$0x1FF70] =	vst v46;
	v21 =	vmul.f32 v21, v47;
	v26 =	vmul.f32 v26, v55;
	v27 =	vadd.f32 v36, v27;
	v36 =	vld [tilespmem:s21+$0x5500]  }
0xae: {  	[tilespmem:$0x1F970] =	vst v3;
	v2 =	vmul.f32 v2, v47;
	v32 =	vmul.f32 v62, v30;
	v22 =	vadd.f32 v28, v22;
	v28 =	vld [tilespmem:s21+$0x1530]  }
0xaf: {  	[tilespmem:$0x1FF60] =	vst v30;
	v62 =	vbroadcast v40, $0xB;
	v23 =	vadd.f32 v26, v23;
	v26 =	vld [tilespmem:s21+$0x5510];
	v24 =	vmul.f32 v24, v60  }
0xb0: {  	[tilespmem:$0x1F900] =	vst v12;
	v46 =	vbroadcast v40, $0x6;
	v63 =	vadd.f32 v9, v20;
	v22 =	vadd.f32 v29, v22;
	v29 =	vld [tilespmem:s21+$0x5530]  }
0xb1: {  	[tilespmem:$0x1F910] =	vst v13;
	v20 =	vbroadcast v40, $0x9;
	v12 =	vmul.f32 v33, v60;
	v24 =	vadd.f32 v24, v27;
	v27 =	vld [tilespmem:s21+$0x1580]  }
0xb2: {  	v35 =	vld [tilespmem:s21+$0x1A40];
	[tilespmem:$0x1F920] =	vst v19;
	v30 =	vbroadcast v40, $0x7;
	v32 =	vadd.f32 v32, v63;
	v25 =	vmul.f32 v25, v55  }
0xb3: {  	v63 =	vbroadcast v40, $0xA;
	[tilespmem:$0x1FE80] =	vst v18;
	v18 =	vbroadcast v40, $0x8;
	v12 =	vadd.f32 v12, v23;
	v23 =	vld [tilespmem:s21+$0x1590]  }
0xb4: {  	[tilespmem:$0x1F930] =	vst v21;
	v25 =	vadd.f32 v25, v32;
	v40 =	vld [tilespmem:s21+$0x5520];
	v19 =	vmul.f32 v36, v54;
	v13 =	vmul.f32 v28, v60  }
0xb5: {  	v6 =	vld [tilespmem:s21+$0x1A50];
	[tilespmem:$0x1F960] =	vst v2;
	v21 =	vmul.f32 v26, v54;
	v2 =	vmul.f32 v29, v54  }
0xb6: {  	v28 =	vmovc v4;
	v13 =	vadd.f32 v13, v25;
	v25 =	vld [tilespmem:s21+$0x15A0];
	v3 =	vmul.f32 v27, v4;
	v4 =	vmul.f32 v5, v39  }
0xb7: {  	v1 =	vmul.f32 v1, v47;
	v19 =	vadd.f32 v19, v22;
	v22 =	vld [tilespmem:s21+$0x15B0]  }
0xb8: {  	v21 =	vadd.f32 v21, v24;
	v2 =	vadd.f32 v2, v13;
	v13 =	vld [tilespmem:s21+$0x55A0];
	[tilespmem:$0x1F980] =	vst v4;
	v4 =	vmul.f32 v23, v28  }
0xb9: {  	v14 =	vld [tilespmem:s21+$0x59A0];
	[tilespmem:$0x1F940] =	vst v1;
	v1 =	vmul.f32 v40, v54;
	v3 =	vadd.f32 v3, v19;
	v19 =	vmul.f32 v59, v39  }
0xba: {  	v24 =	vld [tilespmem:s21+$0x5580];
	v4 =	vadd.f32 v4, v21;
	v21 =	vmul.f32 v31, v39  }
0xbb: {  	v1 =	vadd.f32 v1, v12;
	v12 =	vld [tilespmem:s21+$0x5590];
	[tilespmem:$0x1F990] =	vst v19;
	v19 =	vmul.f32 v25, v28  }
0xbc: {  	v5 =	vmul.f32 v6, v39;
	[tilespmem:$0x1F9A0] =	vst v21;
	v21 =	vmul.f32 v22, v28;
	v22 =	vld [tilespmem:s21+$0x1600]  }
0xbd: {  	v6 =	vmul.f32 v13, v46;
	v1 =	vadd.f32 v19, v1;
	v19 =	vmul.f32 v35, v39  }
0xbe: {  	v15 =	vld [tilespmem:s21+$0x59C0]  }
0xbf: {  	v7 =	vld [tilespmem:s21+$0x5980];
	[tilespmem:$0x1F9B0] =	vst v19;
	v19 =	vmul.f32 v24, v46;
	v1 =	vadd.f32 v6, v1;
	v6 =	vmul.f32 v14, v51  }
0xc0: {  	[tilespmem:$0x1F9D0] =	vst v5;
	v5 =	vmul.f32 v12, v46;
	v12 =	vld [tilespmem:s21+$0x1620]  }
0xc1: {  	v3 =	vadd.f32 v19, v3;
	[tilespmem:$0x1F9F0] =	vst v6;
	v6 =	vmul.f32 v22, v10  }
0xc2: {  	v17 =	vld [tilespmem:s21+$0x1980]  }
0xc3: {  	v3 =	vadd.f32 v6, v3;
	v6 =	vmul.f32 v15, v51  }
0xc4: {  	[tilespmem:$0x1F950] =	vst v47;
	v47 =	vmov v10;
	v59 =	vmul.f32 v7, v51;
	v7 =	vld [tilespmem:s21+$0x5600]  }
0xc5: {  	[tilespmem:$0x1FA10] =	vst v6;
	v6 =	vmul.f32 v12, v47  }
0xc6: {  	v42 =	vld [tilespmem:s21+$0x19A0]  }
0xc7: {  	v1 =	vadd.f32 v6, v1;
	v6 =	vmul.f32 v17, v48  }
0xc8: {  	v19 =	vld [tilespmem:s21+$0x5620]  }
0xc9: {  	[tilespmem:$0x1FA40] =	vst v6;
	v6 =	vmul.f32 v7, v30  }
0xca: {  	v44 =	vld [tilespmem:s21+$0x19C0]  }
0xcb: {  	v3 =	vadd.f32 v6, v3;
	v6 =	vmul.f32 v42, v48  }
0xcc: {  	v12 =	vld [tilespmem:s21+$0x1680]  }
0xcd: {  	v11 =	vld [tilespmem:s21+$0x5990];
	[tilespmem:$0x1FA60] =	vst v6;
	v6 =	vmul.f32 v19, v30;
	_ =	sdelay $0x1  }
0xce: {  	v23 =	vld [tilespmem:s21+$0x55B0];
	v6 =	vadd.f32 v6, v1;
	v1 =	vmul.f32 v44, v48;
	_ =	sdelay $0x1  }
0xcf: {  	v45 =	vld [tilespmem:s21+$0x59B0];
	[tilespmem:$0x1FA80] =	vst v1;
	v1 =	vmul.f32 v12, v38  }
0xd0: {  	v4 =	vadd.f32 v5, v4;
	v5 =	vmul.f32 v11, v51;
	v24 =	vld [tilespmem:s21+$0x1610]  }
0xd1: {  	v14 =	vadd.f32 v1, v3;
	v1 =	vld [tilespmem:$0x1FAB0]  }
0xd2: {  	v2 =	vadd.f32 v21, v2;
	[tilespmem:$0x1F9E0] =	vst v5;
	v5 =	vmul.f32 v23, v46  }
0xd3: {  	v16 =	vld [tilespmem:s21+$0x59D0]  }
0xd4: {  	v2 =	vadd.f32 v5, v2;
	v5 =	vmul.f32 v45, v51  }
0xd5: {  	v13 =	vld [tilespmem:s21+$0x1630]  }
0xd6: {  	[tilespmem:$0x1FA00] =	vst v5;
	v5 =	vmul.f32 v24, v47;
	v1 =	vmul.f32 v1, v52  }
0xd7: {  	v41 =	vld [tilespmem:s21+$0x1990]  }
0xd8: {  	v4 =	vadd.f32 v5, v4;
	v5 =	vmul.f32 v16, v51;
	[tilespmem:$0x1FF80] =	vst v1;
	v1 =	vld [tilespmem:$0x1FAC0];
	_ =	sdelay $0x1  }
0xd9: {  	v10 =	vld [tilespmem:s21+$0x5610];
	[tilespmem:$0x1FA30] =	vst v5;
	v5 =	vmul.f32 v13, v47;
	_ =	sdelay $0x1  }
0xda: {  	v43 =	vld [tilespmem:s21+$0x19B0];
	v2 =	vadd.f32 v5, v2;
	v5 =	vmul.f32 v41, v48  }
0xdb: {  	v1 =	vmul.f32 v1, v52  }
0xdc: {  	v11 =	vld [tilespmem:s21+$0x5630];
	[tilespmem:$0x1FA50] =	vst v5  }
0xdd: {  	v5 =	vmul.f32 v10, v30;
	[tilespmem:$0x1FFA0] =	vst v1;
	v1 =	vld [tilespmem:$0x1FAD0]  }
0xde: {  	v61 =	vld [tilespmem:s21+$0x19D0]  }
0xdf: {  	v4 =	vadd.f32 v5, v4;
	v5 =	vmul.f32 v43, v48  }
0xe0: {  	v7 =	vld [tilespmem:s21+$0x1690]  }
0xe1: {  	[tilespmem:$0x1FA70] =	vst v5;
	v5 =	vmul.f32 v11, v30  }
0xe2: {  	v13 =	vld [tilespmem:s21+$0x16B0];
	v1 =	vmul.f32 v1, v52  }
0xe3: {  	v5 =	vadd.f32 v5, v2;
	v2 =	vmul.f32 v61, v48  }
0xe4: {  	[tilespmem:$0x1FFC0] =	vst v1;
	v1 =	vld [tilespmem:$0x1FAE0]  }
0xe5: {  	[tilespmem:$0x1FAA0] =	vst v2;
	v2 =	vmul.f32 v7, v38;
	_ =	sdelay $0x1  }
0xe6: {  	v15 =	vadd.f32 v2, v4;
	v4 =	vmul.f32 v13, v38;
	_ =	sdelay $0x1  }
0xe7: {  	v17 =	vadd.f32 v4, v5;
	v4 =	vmul.f32 v1, v52;
	v1 =	vld [tilespmem:$0x1FAF0];
	_ =	sdelay $0x4  }
0xe8: {  	v1 =	vmul.f32 v1, v52;
	_ =	sdelay $0x1  }
0xe9: {  	[tilespmem:$0x1FB00] =	vst v1;
	v1 =	vld [tilespmem:$0x1FB20];
	_ =	sdelay $0x4  }
0xea: {  	v12 =	vld [tilespmem:s21+$0x5690];
	v1 =	vmul.f32 v1, v52;
	_ =	sdelay $0x1  }
0xeb: {  	[tilespmem:$0x1FB30] =	vst v1;
	v1 =	vld [tilespmem:$0x1FB40]  }
0xec: {  	v10 =	vld [tilespmem:s21+$0x16A0];
	_ =	sdelay $0x1  }
0xed: {  	v7 =	vld [tilespmem:s21+$0x56A0];
	v5 =	vmul.f32 v12, v18;
	_ =	sdelay $0x1  }
0xee: {  	v15 =	vadd.f32 v5, v15;
	v5 =	vmul.f32 v1, v50;
	v1 =	vld [tilespmem:$0x1FB50]  }
0xef: {  	v11 =	vld [tilespmem:s21+$0x5680];
	v3 =	vmul.f32 v10, v38;
	_ =	sdelay $0x1  }
0xf0: {  	v13 =	vld [tilespmem:s21+$0x1700];
	v6 =	vadd.f32 v3, v6;
	v7 =	vmul.f32 v7, v18;
	_ =	sdelay $0x1  }
0xf1: {  	v21 =	vadd.f32 v7, v6;
	v6 =	vmul.f32 v1, v50;
	v1 =	vld [tilespmem:$0x1FB60]  }
0xf2: {  	v10 =	vld [tilespmem:s21+$0x56B0];
	v11 =	vmul.f32 v11, v18;
	_ =	sdelay $0x1  }
0xf3: {  	v16 =	vld [tilespmem:s21+$0x1710];
	v11 =	vadd.f32 v11, v14;
	v7 =	vmul.f32 v13, v57;
	_ =	sdelay $0x1  }
0xf4: {  	v11 =	vadd.f32 v7, v11;
	v7 =	vmul.f32 v1, v50;
	v1 =	vld [tilespmem:$0x1FB70]  }
0xf5: {  	v10 =	vmul.f32 v10, v18;
	_ =	sdelay $0x1  }
0xf6: {  	v17 =	vadd.f32 v10, v17;
	v10 =	vmul.f32 v16, v57;
	_ =	sdelay $0x1  }
0xf7: {  	v15 =	vadd.f32 v10, v15;
	v10 =	vmul.f32 v1, v50;
	v1 =	vld [tilespmem:$0x1FB80];
	_ =	sdelay $0x4  }
0xf8: {  	v1 =	vmul.f32 v1, v50;
	_ =	sdelay $0x1  }
0xf9: {  	[tilespmem:$0x1FB90] =	vst v1;
	v1 =	vld [tilespmem:$0x1FBB0];
	_ =	sdelay $0x4  }
0xfa: {  	v19 =	vld [tilespmem:s21+$0x5700];
	v1 =	vmul.f32 v1, v50;
	_ =	sdelay $0x1  }
0xfb: {  	[tilespmem:$0x1FBC0] =	vst v1;
	v1 =	vld [tilespmem:$0x1FBD0];
	_ =	sdelay $0x2  }
0xfc: {  	v19 =	vmul.f32 v19, v20;
	_ =	sdelay $0x1  }
0xfd: {  	v11 =	vadd.f32 v19, v11;
	v19 =	vmul.f32 v1, v53;
	v1 =	vld [tilespmem:$0x1FBE0];
	_ =	sdelay $0x4  }
0xfe: {  	v26 =	vmul.f32 v1, v53;
	v1 =	vld [tilespmem:$0x1FBF0]  }
0xff: {  	v12 =	vld [tilespmem:s21+$0x1720];
	_ =	sdelay $0x1  }
0x100: {  	v16 =	vld [tilespmem:s21+$0x5720];
	_ =	sdelay $0x1  }
0x101: {  	v27 =	vmul.f32 v1, v53;
	v1 =	vld [tilespmem:$0x1FC00]  }
0x102: {  	v12 =	vmul.f32 v12, v57;
	_ =	sdelay $0x1  }
0x103: {  	v12 =	vadd.f32 v12, v21;
	v16 =	vmul.f32 v16, v20;
	_ =	sdelay $0x1  }
0x104: {  	v12 =	vadd.f32 v16, v12;
	v16 =	vmul.f32 v1, v49;
	v1 =	vld [tilespmem:$0x1FC10];
	_ =	sdelay $0x4  }
0x105: {  	[tilespmem:$0x1FA90] =	vst v48;
	v48 =	vmul.f32 v1, v53;
	v1 =	vld [tilespmem:$0x1FC20];
	_ =	sdelay $0x4  }
0x106: {  	v1 =	vmul.f32 v1, v53;
	_ =	sdelay $0x1  }
0x107: {  	[tilespmem:$0x1FC30] =	vst v1;
	v1 =	vld [tilespmem:$0x1FC50];
	_ =	sdelay $0x4  }
0x108: {  	v8 =	vld [tilespmem:s21+$0x17A0];
	v1 =	vmul.f32 v1, v53;
	_ =	sdelay $0x1  }
0x109: {  	[tilespmem:$0x1FC60] =	vst v1;
	v1 =	vld [tilespmem:$0x1FC70];
	_ =	sdelay $0x2  }
0x10a: {  	v8 =	vmul.f32 v8, v49;
	v14 =	vld [tilespmem:s21+$0x1730]  }
0x10b: {  	v13 =	vld [tilespmem:s21+$0x5710]  }
0x10c: {  	v8 =	vadd.f32 v8, v12;
	v12 =	vmul.f32 v1, v37;
	v1 =	vld [tilespmem:$0x1FC80]  }
0x10d: {  	v22 =	vld [tilespmem:s21+$0x5730];
	_ =	sdelay $0x1  }
0x10e: {  	v9 =	vld [tilespmem:s21+$0x17B0]  }
0x10f: {  	v14 =	vmul.f32 v14, v57;
	v13 =	vmul.f32 v13, v20  }
0x110: {  	v31 =	vmul.f32 v1, v63;
	v1 =	vld [tilespmem:$0x1FC90]  }
0x111: {  	v14 =	vadd.f32 v14, v17;
	v13 =	vadd.f32 v13, v15;
	v15 =	vmul.f32 v22, v20;
	_ =	sdelay $0x1  }
0x112: {  	v9 =	vmul.f32 v9, v49;
	v14 =	vadd.f32 v15, v14;
	_ =	sdelay $0x1  }
0x113: {  	v9 =	vadd.f32 v9, v14;
	v14 =	vmul.f32 v1, v37;
	v1 =	vld [tilespmem:$0x1FCA0];
	_ =	sdelay $0x4  }
0x114: {  	v43 =	vmul.f32 v1, v63;
	v1 =	vld [tilespmem:$0x1FCB0];
	_ =	sdelay $0x2  }
0x115: {  	v11 =	vadd.f32 v16, v11;
	_ =	sdelay $0x1  }
0x116: {  	v11 =	vadd.f32 v31, v11;
	v31 =	vmul.f32 v1, v37;
	v1 =	vld [tilespmem:$0x1FCC0];
	_ =	sdelay $0x4  }
0x117: {  	v44 =	vmul.f32 v1, v63;
	v1 =	vld [tilespmem:$0x1FCD0];
	_ =	sdelay $0x4  }
0x118: {  	v33 =	vmul.f32 v1, v37;
	v1 =	vld [tilespmem:$0x1FCE0];
	_ =	sdelay $0x4  }
0x119: {  	v24 =	vmul.f32 v1, v63;
	v1 =	vld [tilespmem:$0x1FCF0];
	_ =	sdelay $0x4  }
0x11a: {  	v1 =	vmul.f32 v1, v37;
	_ =	sdelay $0x1  }
0x11b: {  	[tilespmem:$0x1FD00] =	vst v1;
	v1 =	vld [tilespmem:$0x1FD10];
	_ =	sdelay $0x4  }
0x11c: {  	v45 =	vmul.f32 v1, v56;
	v1 =	vld [tilespmem:$0x1FD20];
	_ =	sdelay $0x4  }
0x11d: {  	v1 =	vmul.f32 v1, v37;
	_ =	sdelay $0x1  }
0x11e: {  	[tilespmem:$0x1FD30] =	vst v1;
	v1 =	vld [tilespmem:$0x1FD40];
	_ =	sdelay $0x4  }
0x11f: {  	v9 =	vadd.f32 v24, v9;
	v24 =	vmul.f32 v1, v56;
	v1 =	vld [tilespmem:$0x1FD50];
	_ =	sdelay $0x3  }
0x120: {  	v0 =	vld [tilespmem:s21+$0x1790]  }
0x121: {  	v35 =	vmul.f32 v1, v62;
	v1 =	vld [tilespmem:$0x1FD60];
	_ =	sdelay $0x3  }
0x122: {  	v0 =	vmul.f32 v0, v49  }
0x123: {  	[tilespmem:$0x1FBA0] =	vst v50;
	v50 =	vmul.f32 v1, v56;
	v1 =	vld [tilespmem:$0x1FD70]  }
0x124: {  	v0 =	vadd.f32 v0, v13;
	_ =	sdelay $0x1  }
0x125: {  	v0 =	vadd.f32 v43, v0;
	_ =	sdelay $0x1  }
0x126: {  	v0 =	vadd.f32 v24, v0;
	v24 =	vmul.f32 v1, v62;
	v1 =	vld [tilespmem:$0x1FD80];
	_ =	sdelay $0x4  }
0x127: {  	[tilespmem:$0x1FA20] =	vst v51;
	v51 =	vmul.f32 v1, v56;
	v1 =	vld [tilespmem:$0x1FD90];
	_ =	sdelay $0x4  }
0x128: {  	[tilespmem:$0x1FB10] =	vst v52;
	v52 =	vmul.f32 v1, v62;
	v1 =	vld [tilespmem:$0x1FDA0];
	_ =	sdelay $0x4  }
0x129: {  	[tilespmem:$0x1FC40] =	vst v53;
	v53 =	vmul.f32 v1, v62;
	v1 =	vld [tilespmem:$0x1FDB0];
	_ =	sdelay $0x4  }
0x12a: {  	v1 =	vmul.f32 v1, v62;
	_ =	sdelay $0x1  }
0x12b: {  	[tilespmem:$0x1FDC0] =	vst v1;
	v1 =	vld [tilespmem:$0x1FDD0];
	_ =	sdelay $0x4  }
0x12c: {  	v1 =	vmul.f32 v1, v62;
	_ =	sdelay $0x1  }
0x12d: {  	[tilespmem:$0x1FDE0] =	vst v1;
	v1 =	vld [tilespmem:$0x1FDF0];
	_ =	sdelay $0x4  }
0x12e: {  	v1 =	vmul.f32 v1, v56;
	_ =	sdelay $0x1  }
0x12f: {  	[tilespmem:$0x1FE00] =	vst v1;
	v1 =	vld [tilespmem:$0x1FE20];
	_ =	sdelay $0x4  }
0x130: {  	v1 =	vmul.f32 v1, v56;
	_ =	sdelay $0x1  }
0x131: {  	[tilespmem:$0x1FE30] =	vst v1;
	v1 =	vld [tilespmem:$0x1FE40];
	_ =	sdelay $0x4  }
0x132: {  	v1 =	vmul.f32 v1, v63;
	_ =	sdelay $0x1  }
0x133: {  	[tilespmem:$0x1FE50] =	vst v1;
	v1 =	vld [tilespmem:$0x1FE60];
	_ =	sdelay $0x2  }
0x134: {  	v58 =	vld [tilespmem:s21+$0x17D0]  }
0x135: {  	v34 =	vld [tilespmem:s21+$0x1640]  }
0x136: {  	v36 =	vld [tilespmem:s21+$0x1650];
	v1 =	vmul.f32 v1, v63  }
0x137: {  	v29 =	vld [tilespmem:s21+$0x56D0]  }
0x138: {  	[tilespmem:$0x1FE70] =	vst v1;
	v1 =	vld [tilespmem:$0x1FE80]  }
0x139: {  	v17 =	vld [tilespmem:s21+$0x1740]  }
0x13a: {  	v40 =	vld [tilespmem:s21+$0x15C0];
	v11 =	vadd.f32 v45, v11  }
0x13b: {  	v25 =	vld [tilespmem:s21+$0x1750]  }
0x13c: {  	[tilespmem:$0x1F9C0] =	vst v39;
	v39 =	vld [tilespmem:s21+$0x55D0];
	v11 =	vadd.f32 v35, v11  }
0x13d: {  	v22 =	vld [tilespmem:s21+$0x56C0];
	v1 =	vmul.f32 v1, v49  }
0x13e: {  	v23 =	vld [tilespmem:s21+$0x5740];
	v11 =	vadd.f32 v12, v11;
	v12 =	vmul.f32 v17, v57  }
0x13f: {  	v42 =	vld [tilespmem:s21+$0x15D0];
	[tilespmem:$0x1FE90] =	vst v1;
	v1 =	vmul.f32 v58, v49  }
0x140: {  	v13 =	vld [tilespmem:s21+$0x5640];
	v8 =	vadd.f32 v44, v8;
	[tilespmem:$0x1FEE0] =	vst v12;
	v12 =	vmul.f32 v25, v57;
	v9 =	vadd.f32 v51, v9  }
0x141: {  	[tilespmem:$0x1FEB0] =	vst v1;
	v1 =	vld [tilespmem:s21+$0x54D0]  }
0x142: {  	v15 =	vld [tilespmem:s21+$0x16C0];
	v8 =	vadd.f32 v50, v8;
	[tilespmem:$0x1FEF0] =	vst v12;
	v12 =	vmul.f32 v22, v18;
	v9 =	vadd.f32 v53, v9  }
0x143: {  	[tilespmem:$0x1FEA0] =	vst v49;
	v16 =	vld [tilespmem:s21+$0x16D0];
	v17 =	vmov v55;
	v0 =	vadd.f32 v24, v0  }
0x144: {  	v25 =	vld [tilespmem:s21+$0x14D0];
	[tilespmem:$0x1FF00] =	vst v12;
	v12 =	vmul.f32 v29, v18;
	v8 =	vadd.f32 v52, v8;
	v9 =	vadd.f32 v33, v9  }
0x145: {  	v0 =	vadd.f32 v14, v0;
	v52 =	vmul.f32 v13, v30;
	v49 =	vmovc v20;
	v20 =	vmul.f32 v23, v20;
	v23 =	vld [tilespmem:s21+$0x14C0]  }
0x146: {  	v8 =	vadd.f32 v31, v8;
	v13 =	vadd.f32 v48, v9;
	v9 =	vmul.f32 v1, v17;
	v1 =	vld [tilespmem:$0x1FF60]  }
0x147: {  	v61 =	vld [tilespmem:s21+$0x5540];
	[tilespmem:$0x1FF20] =	vst v12;
	v12 =	vmul.f32 v15, v38;
	v0 =	vadd.f32 v26, v0  }
0x148: {  	v2 =	vld [tilespmem:s21+$0x5550];
	v55 =	vmul.f32 v36, v47;
	v8 =	vadd.f32 v27, v8  }
0x149: {  	v22 =	vld [tilespmem:s21+$0x5440];
	[tilespmem:$0x1FF30] =	vst v12;
	v12 =	vmul.f32 v16, v38;
	v16 =	vmul.f32 v34, v47;
	v6 =	vadd.f32 v6, v0  }
0x14a: {  	v29 =	vld [tilespmem:s21+$0x5450];
	v7 =	vadd.f32 v7, v8;
	v58 =	vmul.f32 v39, v46;
	v39 =	vmul.f32 v42, v28  }
0x14b: {  	v42 =	vmovc v47;
	v0 =	vmul.f32 v23, v1;
	v47 =	vmov v1;
	v8 =	vmul.f32 v25, v1;
	v1 =	vld [tilespmem:$0x1FF70];
	_ =	sdelay $0x2  }
0x14c: {  	[tilespmem:$0x1FF40] =	vst v38;
	v32 =	vld [tilespmem:s21+$0x5650];
	v41 =	vmul.f32 v2, v54  }
0x14d: {  	[tilespmem:$0x1FF10] =	vst v18;
	v38 =	vmul.f32 v40, v28;
	v40 =	vmul.f32 v61, v54;
	v61 =	vmov v54  }
0x14e: {  	v10 =	vadd.f32 v10, v13;
	v13 =	vmul.f32 v22, v1;
	v54 =	vmovc v1;
	v18 =	vmul.f32 v29, v1;
	v1 =	vld [tilespmem:$0x1FF80]  }
0x14f: {  	v21 =	vld [tilespmem:s21+$0x5750];
	v11 =	vadd.f32 v19, v11  }
0x150: {  	v43 =	vld [tilespmem:s21+$0x1540]  }
0x151: {  	v5 =	vadd.f32 v5, v11;
	v15 =	vmul.f32 v32, v30;
	v32 =	vld [tilespmem:s21+$0x1450]  }
0x152: {  	v31 =	vld [tilespmem:s21+$0x1440]  }
0x153: {  	v5 =	vadd.f32 v1, v5;
	v1 =	vld [tilespmem:$0x1FF90];
	_ =	sdelay $0x1  }
0x154: {  	[tilespmem:$0x1FEC0] =	vst v20;
	v20 =	vmul.f32 v21, v49  }
0x155: {  	v3 =	vld [tilespmem:s21+$0x55C0]  }
0x156: {  	v2 =	vld [tilespmem:$0x1FFD0];
	[tilespmem:$0x1FED0] =	vst v20;
	v20 =	vmul.f32 v43, v60  }
0x157: {  	v43 =	vmovc v30;
	v19 =	vmul.f32 v31, v1;
	v21 =	vmov v1;
	v30 =	vmul.f32 v32, v1;
	v1 =	vld [tilespmem:$0x1FFA0]  }
0x158: {  	v35 =	vld [tilespmem:s21+$0x1550]  }
0x159: {  	v24 =	vld [tilespmem:s21+$0x54C0]  }
0x15a: {  	v26 =	vld [tilespmem:s21+$0x53C0]  }
0x15b: {  	v27 =	vld [tilespmem:s21+$0x53D0]  }
0x15c: {  	v6 =	vadd.f32 v1, v6;
	v1 =	vld [tilespmem:$0x1FFB0]  }
0x15d: {  	v45 =	vmov v57;
	v57 =	vld [tilespmem:s21+$0x5340]  }
0x15e: {  	[tilespmem:$0x1FF50] =	vst v12;
	v12 =	vmul.f32 v24, v17;
	v24 =	vld [tilespmem:s21+$0x5350]  }
0x15f: {  	v53 =	vmul.f32 v3, v46;
	v3 =	vld [tilespmem:$0x1FFE0]  }
0x160: {  	v51 =	vmul.f32 v35, v60;
	v33 =	vld [tilespmem:s21+$0x13C0]  }
0x161: {  	v31 =	vmul.f32 v26, v1;
	v48 =	vmov v1;
	v35 =	vmul.f32 v27, v1;
	v1 =	vld [tilespmem:$0x1FFC0]  }
0x162: {  	v34 =	vld [tilespmem:s21+$0x13D0]  }
0x163: {  	v11 =	vld [tilespmem:s21+$0x1350]  }
0x164: {  	v23 =	vld [tilespmem:s21+$0x52C0]  }
0x165: {  	[tilespmem:$0x1FE10] =	vst v56;
	v4 =	vadd.f32 v4, v10;
	v25 =	vld [tilespmem:s21+$0x52D0]  }
0x166: {  	v44 =	vmovc v28;
	v10 =	vmul.f32 v24, v3;
	v22 =	vld [tilespmem:s21+$0x1340];
	v26 =	vadd.f32 v1, v7;
	v1 =	vmul.f32 v33, v2  }
0x167: {  	s22 =	simm.s32 $0x1;
	v36 =	vmovc v60;
	v50 =	vmovc v2;
	v2 =	vmul.f32 v34, v2;
	v7 =	vmul.f32 v57, v3;
	v57 =	vmov v3;
	v3 =	vld [tilespmem:s21+$0x12C0]  }
.LBB2_5:
0x168: {  	v14 =	vld [tilespmem:$0x1FA40];
	_ =	sdelay $0x4  }
0x169: {  	v5 =	vadd.f32 v14, v5;
	v14 =	vld [tilespmem:$0x1FA50];
	_ =	sdelay $0x4  }
0x16a: {  	v6 =	vadd.f32 v14, v6;
	v14 =	vld [tilespmem:$0x1FA60];
	_ =	sdelay $0x4  }
0x16b: {  	v24 =	vadd.f32 v14, v26;
	v14 =	vld [tilespmem:$0x1FA70];
	_ =	sdelay $0x4  }
0x16c: {  	v4 =	vadd.f32 v14, v4;
	v14 =	vld [tilespmem:$0x1F9E0];
	_ =	sdelay $0x4  }
0x16d: {  	v6 =	vadd.f32 v14, v6;
	v14 =	vld [tilespmem:$0x1F9F0];
	_ =	sdelay $0x4  }
0x16e: {  	v24 =	vadd.f32 v14, v24;
	v14 =	vld [tilespmem:$0x1FA00];
	_ =	sdelay $0x4  }
0x16f: {  	v4 =	vadd.f32 v14, v4;
	v14 =	vld [tilespmem:$0x1F970];
	_ =	sdelay $0x2  }
0x170: {  	v5 =	vadd.f32 v59, v5;
	_ =	sdelay $0x1  }
0x171: {  	v5 =	vadd.f32 v14, v5;
	v14 =	vld [tilespmem:$0x1F980];
	_ =	sdelay $0x4  }
0x172: {  	v6 =	vadd.f32 v14, v6;
	v14 =	vld [tilespmem:$0x1F990];
	_ =	sdelay $0x4  }
0x173: {  	v24 =	vadd.f32 v14, v24;
	v14 =	vld [tilespmem:$0x1F9A0];
	_ =	sdelay $0x4  }
0x174: {  	v4 =	vadd.f32 v14, v4;
	v14 =	vld [tilespmem:$0x1F900];
	_ =	sdelay $0x4  }
0x175: {  	v5 =	vadd.f32 v14, v5;
	_ =	sdelay $0x1  }
0x176: {  	[tilespmem:$0x1F550] =	vst v5;
	v5 =	vld [tilespmem:$0x1F910]  }
0x177: {  	v59 =	vld [tilespmem:$0x1F8D0]  }
0x178: {  	v26 =	vld [tilespmem:s21+$0x12F0];
	_ =	sdelay $0x2  }
0x179: {  	v5 =	vadd.f32 v5, v6;
	_ =	sdelay $0x1  }
0x17a: {  	[tilespmem:$0x1F560] =	vst v5;
	v5 =	vmul.f32 v26, v59;
	v26 =	vld [tilespmem:$0x1F920];
	_ =	sdelay $0x4  }
0x17b: {  	v14 =	vadd.f32 v26, v24;
	_ =	sdelay $0x1  }
0x17c: {  	[tilespmem:$0x1F570] =	vst v14;
	v14 =	vld [tilespmem:$0x1F930];
	_ =	sdelay $0x4  }
0x17d: {  	v4 =	vadd.f32 v14, v4;
	_ =	sdelay $0x1  }
0x17e: {  	[tilespmem:$0x1F580] =	vst v4;
	v4 =	vld [tilespmem:$0x1F890]  }
0x17f: {  	v27 =	vld [tilespmem:s21+$0x12D0]  }
0x180: {  	v56 =	vld [tilespmem:$0x1F8E0]  }
0x181: {  	v28 =	vld [tilespmem:s21+$0x52E0];
	v3 =	vmul.f32 v3, v59  }
0x182: {  	v60 =	vld [tilespmem:$0x1F8F0]  }
0x183: {  	v3 =	vadd.f32 v3, v4;
	v4 =	vld [tilespmem:$0x1F8A0]  }
0x184: {  	v29 =	vld [tilespmem:s21+$0x12E0]  }
0x185: {  	v32 =	vld [tilespmem:s21+$0x52F0]  }
0x186: {  	v27 =	vmul.f32 v27, v59;
	v24 =	vmul.f32 v28, v56;
	v28 =	vld [tilespmem:$0x1F8C0];
	_ =	sdelay $0x1  }
0x187: {  	v4 =	vadd.f32 v27, v4;
	v27 =	vld [tilespmem:$0x1F8B0]  }
0x188: {  	v33 =	vld [tilespmem:s21+$0x1360];
	v22 =	vmul.f32 v22, v60  }
0x189: {  	v34 =	vld [tilespmem:s21+$0x1370];
	v23 =	vmul.f32 v23, v56;
	v25 =	vmul.f32 v25, v56  }
0x18a: {  	v29 =	vmul.f32 v29, v59;
	v6 =	vld [tilespmem:s21+$0x5360];
	v5 =	vadd.f32 v5, v28;
	v28 =	vmul.f32 v32, v56  }
0x18b: {  	v11 =	vmul.f32 v11, v60;
	v26 =	vld [tilespmem:s21+$0x5370];
	v3 =	vadd.f32 v23, v3;
	v4 =	vadd.f32 v25, v4  }
0x18c: {  	v5 =	vadd.f32 v28, v5;
	v27 =	vadd.f32 v29, v27;
	v29 =	vld [tilespmem:s21+$0x13E0]  }
0x18d: {  	v3 =	vadd.f32 v22, v3;
	v25 =	vld [tilespmem:s21+$0x13F0];
	v4 =	vadd.f32 v11, v4  }
0x18e: {  	v28 =	vld [tilespmem:s21+$0x53E0];
	v23 =	vmul.f32 v33, v60;
	v24 =	vadd.f32 v24, v27;
	v27 =	vmul.f32 v34, v60  }
0x18f: {  	v6 =	vmul.f32 v6, v57;
	v3 =	vadd.f32 v7, v3;
	v11 =	vld [tilespmem:s21+$0x53F0];
	v4 =	vadd.f32 v10, v4  }
0x190: {  	v22 =	vadd.f32 v23, v24;
	v5 =	vadd.f32 v27, v5;
	v23 =	vmul.f32 v26, v57;
	v24 =	vld [tilespmem:s21+$0x1460]  }
0x191: {  	v1 =	vadd.f32 v1, v3;
	v10 =	vld [tilespmem:s21+$0x1470];
	v2 =	vadd.f32 v2, v4;
	v7 =	vmul.f32 v29, v50  }
0x192: {  	v4 =	vld [tilespmem:s21+$0x5470];
	v6 =	vadd.f32 v6, v22;
	v5 =	vadd.f32 v23, v5;
	v22 =	vmul.f32 v25, v50  }
0x193: {  	v3 =	vmul.f32 v28, v48;
	v1 =	vadd.f32 v31, v1;
	v2 =	vadd.f32 v35, v2;
	v23 =	vld [tilespmem:s21+$0x5460]  }
0x194: {  	v6 =	vadd.f32 v7, v6;
	v5 =	vadd.f32 v22, v5;
	v7 =	vmul.f32 v11, v48;
	v11 =	vld [tilespmem:s21+$0x14E0]  }
0x195: {  	v1 =	vadd.f32 v19, v1;
	v2 =	vadd.f32 v30, v2;
	v22 =	vmul.f32 v24, v21;
	v24 =	vld [tilespmem:s21+$0x14F0]  }
0x196: {  	v3 =	vadd.f32 v3, v6;
	v5 =	vadd.f32 v7, v5;
	v6 =	vmul.f32 v10, v21;
	v7 =	vld [tilespmem:s21+$0x54E0]  }
0x197: {  	v19 =	vld [tilespmem:s21+$0x54F0];
	v1 =	vadd.f32 v13, v1;
	v4 =	vmul.f32 v4, v54;
	v2 =	vadd.f32 v18, v2  }
0x198: {  	v13 =	vld [tilespmem:s21+$0x1570];
	v10 =	vmul.f32 v23, v54;
	v3 =	vadd.f32 v22, v3;
	v5 =	vadd.f32 v6, v5  }
0x199: {  	v0 =	vadd.f32 v0, v1;
	v1 =	vadd.f32 v8, v2;
	v8 =	vld [tilespmem:s21+$0x15E0];
	v11 =	vmul.f32 v11, v47  }
0x19a: {  	v6 =	vld [tilespmem:s21+$0x1560];
	v3 =	vadd.f32 v10, v3;
	v4 =	vadd.f32 v4, v5;
	v5 =	vmul.f32 v24, v47  }
0x19b: {  	v2 =	vmul.f32 v7, v17;
	v7 =	vld [tilespmem:s21+$0x5570]  }
0x19c: {  	v10 =	vld [tilespmem:s21+$0x5560];
	v3 =	vadd.f32 v11, v3;
	v4 =	vadd.f32 v5, v4;
	v5 =	vmul.f32 v19, v17  }
0x19d: {  	v1 =	vadd.f32 v9, v1;
	v9 =	vld [tilespmem:s21+$0x15F0]  }
0x19e: {  	v2 =	vadd.f32 v2, v3;
	v3 =	vadd.f32 v5, v4;
	v4 =	vmul.f32 v13, v36  }
0x19f: {  	v11 =	vld [tilespmem:s21+$0x55F0];
	v6 =	vmul.f32 v6, v36  }
0x1a0: {  	v0 =	vadd.f32 v12, v0;
	v3 =	vadd.f32 v4, v3;
	v4 =	vmul.f32 v7, v61  }
0x1a1: {  	v10 =	vmul.f32 v10, v61;
	v2 =	vadd.f32 v6, v2;
	v7 =	vmul.f32 v8, v44;
	v8 =	vld [tilespmem:s21+$0x1670]  }
0x1a2: {  	v12 =	vld [tilespmem:$0x1FF40];
	v3 =	vadd.f32 v4, v3;
	v4 =	vmul.f32 v9, v44  }
0x1a3: {  	v0 =	vadd.f32 v20, v0;
	v2 =	vadd.f32 v10, v2;
	v10 =	vld [tilespmem:s21+$0x5670]  }
0x1a4: {  	v5 =	vld [tilespmem:s21+$0x55E0];
	v3 =	vadd.f32 v4, v3;
	v4 =	vmul.f32 v11, v46  }
0x1a5: {  	v0 =	vadd.f32 v40, v0;
	v11 =	vld [tilespmem:s21+$0x16F0]  }
0x1a6: {  	v3 =	vadd.f32 v4, v3;
	v4 =	vmul.f32 v8, v42  }
0x1a7: {  	v0 =	vadd.f32 v38, v0;
	v1 =	vadd.f32 v51, v1;
	v6 =	vld [tilespmem:s21+$0x1660]  }
0x1a8: {  	v9 =	vld [tilespmem:s21+$0x5660];
	v3 =	vadd.f32 v4, v3;
	v4 =	vmul.f32 v10, v43  }
0x1a9: {  	v0 =	vadd.f32 v53, v0;
	v1 =	vadd.f32 v41, v1;
	v5 =	vmul.f32 v5, v46  }
0x1aa: {  	v2 =	vadd.f32 v7, v2;
	v3 =	vadd.f32 v4, v3;
	v4 =	vmul.f32 v11, v12;
	v11 =	vld [tilespmem:$0x1FF30]  }
0x1ab: {  	v0 =	vadd.f32 v16, v0;
	v7 =	vld [tilespmem:s21+$0x16E0]  }
0x1ac: {  	v1 =	vadd.f32 v39, v1;
	v6 =	vmul.f32 v6, v42;
	v2 =	vadd.f32 v5, v2;
	v5 =	vld [tilespmem:s21+$0x56E0]  }
0x1ad: {  	v0 =	vadd.f32 v52, v0;
	v8 =	vmul.f32 v9, v43;
	v9 =	vld [tilespmem:s21+$0x56F0]  }
0x1ae: {  	v1 =	vadd.f32 v58, v1;
	v2 =	vadd.f32 v6, v2;
	v6 =	vld [tilespmem:s21+$0x1760]  }
0x1af: {  	v0 =	vadd.f32 v11, v0;
	v11 =	vld [tilespmem:$0x1FF50]  }
0x1b0: {  	v1 =	vadd.f32 v55, v1;
	v7 =	vmul.f32 v7, v12;
	v12 =	vld [tilespmem:$0x1FF10]  }
0x1b1: {  	v10 =	vld [tilespmem:s21+$0x1770];
	v2 =	vadd.f32 v8, v2  }
0x1b2: {  	v1 =	vadd.f32 v15, v1;
	v8 =	vld [tilespmem:s21+$0x5760]  }
0x1b3: {  	v2 =	vadd.f32 v7, v2;
	v7 =	vld [tilespmem:s21+$0x17E0]  }
0x1b4: {  	v1 =	vadd.f32 v11, v1;
	v11 =	vld [tilespmem:s21+$0x5770]  }
0x1b5: {  	v3 =	vadd.f32 v4, v3;
	v4 =	vmul.f32 v9, v12;
	v9 =	vld [tilespmem:$0x1FF00];
	_ =	sdelay $0x3  }
0x1b6: {  	v3 =	vadd.f32 v4, v3;
	v4 =	vmul.f32 v10, v45;
	v10 =	vld [tilespmem:$0x1FEE0]  }
0x1b7: {  	v0 =	vadd.f32 v9, v0;
	v9 =	vld [tilespmem:$0x1FF20]  }
0x1b8: {  	v3 =	vadd.f32 v4, v3;
	v4 =	vmul.f32 v11, v49;
	v11 =	vld [tilespmem:$0x1FEC0];
	_ =	sdelay $0x1  }
0x1b9: {  	v5 =	vmul.f32 v5, v12;
	v12 =	vld [tilespmem:$0x1FEA0]  }
0x1ba: {  	v0 =	vadd.f32 v10, v0;
	v10 =	vld [tilespmem:$0x1FEF0]  }
0x1bb: {  	v1 =	vadd.f32 v9, v1;
	v9 =	vld [tilespmem:s21+$0x17F0]  }
0x1bc: {  	v0 =	vadd.f32 v11, v0;
	v11 =	vld [tilespmem:$0x1FED0];
	_ =	sdelay $0x2  }
0x1bd: {  	v1 =	vadd.f32 v10, v1;
	v10 =	vld [tilespmem:s21+$0x57F0]  }
0x1be: {  	v3 =	vadd.f32 v4, v3;
	v4 =	vmul.f32 v9, v12;
	v9 =	vld [tilespmem:$0x1FE90]  }
0x1bf: {  	v1 =	vadd.f32 v11, v1;
	v11 =	vld [tilespmem:s21+$0x1870]  }
0x1c0: {  	v7 =	vmul.f32 v7, v12;
	v12 =	vld [tilespmem:$0x1FE10];
	_ =	sdelay $0x1  }
0x1c1: {  	v3 =	vadd.f32 v4, v3;
	v4 =	vmul.f32 v10, v63;
	v10 =	vld [tilespmem:$0x1FE50]  }
0x1c2: {  	v0 =	vadd.f32 v9, v0;
	v9 =	vld [tilespmem:$0x1FEB0]  }
0x1c3: {  	v6 =	vmul.f32 v6, v45;
	v2 =	vadd.f32 v5, v2;
	v5 =	vld [tilespmem:s21+$0x57E0]  }
0x1c4: {  	v3 =	vadd.f32 v4, v3;
	v4 =	vmul.f32 v11, v12;
	v11 =	vld [tilespmem:$0x1FE00]  }
0x1c5: {  	v2 =	vadd.f32 v6, v2;
	v6 =	vld [tilespmem:s21+$0x1860]  }
0x1c6: {  	v8 =	vmul.f32 v8, v49;
	v0 =	vadd.f32 v10, v0;
	v10 =	vld [tilespmem:$0x1FE70]  }
0x1c7: {  	v1 =	vadd.f32 v9, v1;
	v9 =	vld [tilespmem:s21+$0x5870]  }
0x1c8: {  	v2 =	vadd.f32 v8, v2;
	v8 =	vld [tilespmem:s21+$0x5860]  }
0x1c9: {  	v0 =	vadd.f32 v11, v0;
	v11 =	vld [tilespmem:$0x1FE30]  }
0x1ca: {  	v2 =	vadd.f32 v7, v2;
	v7 =	vld [tilespmem:s21+$0x18E0]  }
0x1cb: {  	v1 =	vadd.f32 v10, v1;
	v10 =	vld [tilespmem:s21+$0x18F0]  }
0x1cc: {  	v3 =	vadd.f32 v4, v3;
	v4 =	vmul.f32 v9, v62;
	v9 =	vld [tilespmem:$0x1FDC0]  }
0x1cd: {  	v5 =	vmul.f32 v5, v63;
	v6 =	vmul.f32 v6, v12;
	v12 =	vld [tilespmem:$0x1FC40]  }
0x1ce: {  	v1 =	vadd.f32 v11, v1;
	v11 =	vld [tilespmem:s21+$0x58F0]  }
0x1cf: {  	v2 =	vadd.f32 v5, v2;
	v5 =	vld [tilespmem:s21+$0x58E0]  }
0x1d0: {  	v3 =	vadd.f32 v4, v3;
	v4 =	vmul.f32 v10, v37;
	v10 =	vld [tilespmem:$0x1FD00]  }
0x1d1: {  	v0 =	vadd.f32 v9, v0;
	v9 =	vld [tilespmem:$0x1FDE0]  }
0x1d2: {  	v2 =	vadd.f32 v6, v2;
	v6 =	vld [tilespmem:s21+$0x1960]  }
0x1d3: {  	v3 =	vadd.f32 v4, v3;
	v4 =	vmul.f32 v11, v12;
	v11 =	vld [tilespmem:$0x1FC30]  }
0x1d4: {  	v5 =	vmul.f32 v5, v12;
	v12 =	vld [tilespmem:$0x1FBA0]  }
0x1d5: {  	v0 =	vadd.f32 v10, v0;
	v10 =	vld [tilespmem:$0x1FD30]  }
0x1d6: {  	v8 =	vmul.f32 v8, v62;
	v1 =	vadd.f32 v9, v1;
	v9 =	vld [tilespmem:s21+$0x1970];
	_ =	sdelay $0x1  }
0x1d7: {  	v2 =	vadd.f32 v8, v2;
	v8 =	vld [tilespmem:s21+$0x5960]  }
0x1d8: {  	v0 =	vadd.f32 v11, v0;
	v11 =	vld [tilespmem:$0x1FC60]  }
0x1d9: {  	v7 =	vmul.f32 v7, v37;
	v1 =	vadd.f32 v10, v1;
	v10 =	vld [tilespmem:s21+$0x5970]  }
0x1da: {  	v3 =	vadd.f32 v4, v3;
	v6 =	vmul.f32 v6, v12;
	v4 =	vmul.f32 v9, v12;
	v12 =	vld [tilespmem:$0x1FB10];
	_ =	sdelay $0x1  }
0x1db: {  	v2 =	vadd.f32 v7, v2  }
0x1dc: {  	v7 =	vld [tilespmem:s21+$0x19E0]  }
0x1dd: {  	v2 =	vadd.f32 v5, v2;
	v1 =	vadd.f32 v11, v1;
	v11 =	vld [tilespmem:s21+$0x19F0]  }
0x1de: {  	v3 =	vadd.f32 v4, v3;
	v8 =	vmul.f32 v8, v12;
	v4 =	vmul.f32 v10, v12;
	v12 =	vld [tilespmem:$0x1FA90]  }
0x1df: {  	v9 =	vld [tilespmem:$0x1FB90]  }
0x1e0: {  	v2 =	vadd.f32 v6, v2  }
0x1e1: {  	v10 =	vld [tilespmem:$0x1FB00]  }
0x1e2: {  	v5 =	vld [tilespmem:s21+$0x59E0];
	v2 =	vadd.f32 v8, v2  }
0x1e3: {  	v3 =	vadd.f32 v4, v3;
	v7 =	vmul.f32 v7, v12;
	v4 =	vmul.f32 v11, v12;
	v11 =	vld [tilespmem:$0x1FA80]  }
0x1e4: {  	v0 =	vadd.f32 v9, v0;
	v9 =	vld [tilespmem:$0x1FBC0]  }
0x1e5: {  	v2 =	vadd.f32 v7, v2;
	v7 =	vld [tilespmem:$0x1FA10]  }
0x1e6: {  	v0 =	vadd.f32 v10, v0;
	v10 =	vld [tilespmem:$0x1FB30]  }
0x1e7: {  	v12 =	vld [tilespmem:$0x1FA20]  }
0x1e8: {  	s23 =	sshll.u32 s22, $0x4;
	v0 =	vadd.f32 v11, v0;
	v11 =	vld [tilespmem:$0x1FAA0]  }
0x1e9: {  	v49 =	vld [tilespmem:s23+$0x1200];
	v1 =	vadd.f32 v9, v1  }
0x1ea: {  	v0 =	vadd.f32 v7, v0;
	v7 =	vld [tilespmem:$0x1FA30]  }
0x1eb: {  	v6 =	vld [tilespmem:s21+$0x1A60];
	v1 =	vadd.f32 v10, v1  }
0x1ec: {  	v8 =	vld [tilespmem:s21+$0x5A60];
	v5 =	vmul.f32 v5, v12  }
0x1ed: {  	v9 =	vld [tilespmem:s21+$0x59F0];
	v1 =	vadd.f32 v11, v1  }
0x1ee: {  	v2 =	vadd.f32 v5, v2;
	v5 =	vld [tilespmem:$0x1F9B0]  }
0x1ef: {  	v1 =	vadd.f32 v7, v1;
	v7 =	vld [tilespmem:$0x1F9C0]  }
0x1f0: {  	v10 =	vld [tilespmem:s21+$0x1A70]  }
0x1f1: {  	v11 =	vld [tilespmem:s21+$0x5A70];
	s21 =	sshll.u32 s22, $0xB  }
0x1f2: {  	v20 =	vld [tilespmem:s21+$0x5A00]  }
0x1f3: {  	v3 =	vadd.f32 v4, v3;
	v4 =	vmul.f32 v9, v12;
	v53 =	vld [tilespmem:s21+$0x5A10]  }
0x1f4: {  	v0 =	vadd.f32 v5, v0;
	v5 =	vld [tilespmem:$0x1F9D0];
	v6 =	vmul.f32 v6, v7  }
0x1f5: {  	v3 =	vadd.f32 v4, v3;
	v4 =	vmul.f32 v10, v7;
	v7 =	vld [tilespmem:$0x1F950]  }
0x1f6: {  	v30 =	vbroadcast v49, $0xF;
	v2 =	vadd.f32 v6, v2;
	v6 =	vld [tilespmem:s21+$0x5A50];
	_ =	sdelay $0x1  }
0x1f7: {  	v54 =	vld [tilespmem:s21+$0x5A20];
	v20 =	vmul.f32 v20, v30  }
0x1f8: {  	v55 =	vld [tilespmem:s21+$0x5A30]  }
0x1f9: {  	v1 =	vadd.f32 v5, v1;
	[tilespmem:$0x1F900] =	vst v20;
	v5 =	vmul.f32 v8, v7;
	v8 =	vld [tilespmem:s21+$0x5A40]  }
0x1fa: {  	v20 =	vmul.f32 v53, v30;
	[tilespmem:$0x1F2E0] =	vst v6;
	v6 =	vld [tilespmem:$0x1F940];
	_ =	sdelay $0x1  }
0x1fb: {  	[tilespmem:$0x1F910] =	vst v20;
	v20 =	vmul.f32 v54, v30;
	_ =	sdelay $0x1  }
0x1fc: {  	[tilespmem:$0x1F920] =	vst v20;
	v20 =	vmul.f32 v55, v30  }
0x1fd: {  	[tilespmem:$0x1F2D0] =	vst v8;
	v0 =	vadd.f32 v6, v0  }
0x1fe: {  	[tilespmem:$0x1F930] =	vst v20;
	v20 =	vld [tilespmem:$0x1F2D0]  }
0x1ff: {  	[tilespmem:$0x1F890] =	vst v0;
	v0 =	vld [tilespmem:$0x1F960];
	_ =	sdelay $0x3  }
0x200: {  	v20 =	vmul.f32 v20, v30  }
0x201: {  	v0 =	vadd.f32 v0, v1  }
0x202: {  	[tilespmem:$0x1F940] =	vst v20;
	v20 =	vld [tilespmem:$0x1F2E0]  }
0x203: {  	[tilespmem:$0x1F8A0] =	vst v0;
	v0 =	vld [tilespmem:s21+$0x1A00];
	_ =	sdelay $0x3  }
0x204: {  	v50 =	vld [tilespmem:s23+$0x1180];
	v20 =	vmul.f32 v20, v30  }
0x205: {  	v3 =	vadd.f32 v4, v3;
	v4 =	vmul.f32 v11, v7;
	[tilespmem:$0x1F2F0] =	vst v0;
	v0 =	vadd.f32 v5, v2  }
0x206: {  	[tilespmem:$0x1F960] =	vst v20;
	v20 =	vld [tilespmem:$0x1F2F0]  }
0x207: {  	[tilespmem:$0x1F8B0] =	vst v0;
	v0 =	vadd.f32 v4, v3  }
0x208: {  	v25 =	vld [tilespmem:s21+$0x1A10]  }
0x209: {  	v23 =	vbroadcast v50, $0xF;
	[tilespmem:$0x1F8C0] =	vst v0;
	v0 =	vld [tilespmem:s21+$0x5980];
	_ =	sdelay $0x1  }
0x20a: {  	v58 =	vld [tilespmem:s21+$0x1A20];
	v20 =	vmul.f32 v20, v23;
	_ =	sdelay $0x1  }
0x20b: {  	v31 =	vld [tilespmem:s21+$0x1A30];
	[tilespmem:$0x1F970] =	vst v20  }
0x20c: {  	v20 =	vmul.f32 v25, v23;
	[tilespmem:$0x1F300] =	vst v0;
	v0 =	vld [tilespmem:s21+$0x59A0]  }
0x20d: {  	v22 =	vld [tilespmem:s21+$0x1A40]  }
0x20e: {  	[tilespmem:$0x1F980] =	vst v20;
	v20 =	vmul.f32 v58, v23  }
0x20f: {  	v29 =	vld [tilespmem:s21+$0x1A50]  }
0x210: {  	[tilespmem:$0x1F990] =	vst v20;
	v20 =	vmul.f32 v31, v23  }
0x211: {  	[tilespmem:$0x1F310] =	vst v0  }
0x212: {  	v0 =	vld [tilespmem:s21+$0x59C0];
	[tilespmem:$0x1F9A0] =	vst v20;
	v20 =	vmul.f32 v22, v23;
	_ =	sdelay $0x1  }
0x213: {  	[tilespmem:$0x1F9B0] =	vst v20;
	v20 =	vmul.f32 v29, v23  }
0x214: {  	v12 =	vld [tilespmem:s21+$0x59B0]  }
0x215: {  	[tilespmem:$0x1F9D0] =	vst v20;
	v20 =	vld [tilespmem:$0x1F300]  }
0x216: {  	[tilespmem:$0x1F320] =	vst v0;
	v0 =	vld [tilespmem:s21+$0x1980];
	_ =	sdelay $0x1  }
0x217: {  	v61 =	vld [tilespmem:s21+$0x5990];
	v8 =	vbroadcast v49, $0xE;
	_ =	sdelay $0x1  }
0x218: {  	v12 =	vmul.f32 v12, v8  }
0x219: {  	v20 =	vmul.f32 v20, v8;
	[tilespmem:$0x1F330] =	vst v0;
	v0 =	vld [tilespmem:s21+$0x19A0]  }
0x21a: {  	[tilespmem:$0x1FA00] =	vst v12  }
0x21b: {  	v12 =	vld [tilespmem:$0x1F320];
	[tilespmem:$0x1F590] =	vst v20;
	v20 =	vmul.f32 v61, v8  }
0x21c: {  	v24 =	vld [tilespmem:s21+$0x59D0]  }
0x21d: {  	[tilespmem:$0x1F9E0] =	vst v20;
	v20 =	vld [tilespmem:$0x1F310]  }
0x21e: {  	[tilespmem:$0x1F340] =	vst v0;
	v0 =	vld [tilespmem:s21+$0x19C0];
	_ =	sdelay $0x1  }
0x21f: {  	v12 =	vmul.f32 v12, v8  }
0x220: {  	[tilespmem:$0x1FA20] =	vst v8  }
0x221: {  	[tilespmem:$0x1FA10] =	vst v12;
	v12 =	vmul.f32 v24, v8;
	v20 =	vmul.f32 v20, v8;
	v8 =	vld [tilespmem:$0x1F330]  }
0x222: {  	[tilespmem:$0x1F350] =	vst v0;
	v0 =	vld [tilespmem:s21+$0x19D0];
	_ =	sdelay $0x1  }
0x223: {  	v11 =	vld [tilespmem:s21+$0x1990]  }
0x224: {  	v5 =	vbroadcast v50, $0xE;
	_ =	sdelay $0x1  }
0x225: {  	v8 =	vmul.f32 v8, v5;
	[tilespmem:$0x1F360] =	vst v0;
	v0 =	vld [tilespmem:s21+$0x5900];
	_ =	sdelay $0x1  }
0x226: {  	[tilespmem:$0x1FA40] =	vst v8;
	v8 =	vmul.f32 v11, v5;
	_ =	sdelay $0x1  }
0x227: {  	[tilespmem:$0x1FA50] =	vst v8;
	v8 =	vld [tilespmem:$0x1F340]  }
0x228: {  	[tilespmem:$0x1F370] =	vst v0;
	v0 =	vld [tilespmem:s21+$0x5920];
	_ =	sdelay $0x1  }
0x229: {  	v15 =	vld [tilespmem:s21+$0x19B0];
	_ =	sdelay $0x2  }
0x22a: {  	v8 =	vmul.f32 v8, v5;
	[tilespmem:$0x1F380] =	vst v0;
	v0 =	vld [tilespmem:s21+$0x5930];
	_ =	sdelay $0x1  }
0x22b: {  	[tilespmem:$0x1FA60] =	vst v8;
	v8 =	vmul.f32 v15, v5;
	_ =	sdelay $0x1  }
0x22c: {  	[tilespmem:$0x1FA70] =	vst v8;
	v8 =	vld [tilespmem:$0x1F350]  }
0x22d: {  	[tilespmem:$0x1F390] =	vst v0;
	v0 =	vld [tilespmem:s21+$0x5940];
	_ =	sdelay $0x3  }
0x22e: {  	v11 =	vmul.f32 v8, v5;
	v8 =	vld [tilespmem:$0x1F360]  }
0x22f: {  	[tilespmem:$0x1F3A0] =	vst v0;
	v0 =	vld [tilespmem:s21+$0x1900];
	_ =	sdelay $0x2  }
0x230: {  	[tilespmem:$0x1FA90] =	vst v5  }
0x231: {  	[tilespmem:$0x1FA80] =	vst v11;
	v11 =	vmul.f32 v8, v5;
	v5 =	vld [tilespmem:$0x1F370]  }
0x232: {  	[tilespmem:$0x1F3B0] =	vst v0;
	v0 =	vld [tilespmem:s21+$0x1920];
	_ =	sdelay $0x1  }
0x233: {  	v56 =	vld [tilespmem:s21+$0x5910]  }
0x234: {  	v52 =	vbroadcast v49, $0xD;
	_ =	sdelay $0x1  }
0x235: {  	v5 =	vmul.f32 v5, v52;
	[tilespmem:$0x1F3C0] =	vst v0;
	v0 =	vld [tilespmem:s21+$0x1930];
	_ =	sdelay $0x1  }
0x236: {  	[tilespmem:$0x1F850] =	vst v5;
	v5 =	vmul.f32 v56, v52;
	_ =	sdelay $0x1  }
0x237: {  	[tilespmem:$0x1F860] =	vst v5;
	v5 =	vld [tilespmem:$0x1F380]  }
0x238: {  	[tilespmem:$0x1F3D0] =	vst v0;
	v0 =	vld [tilespmem:s21+$0x1940];
	_ =	sdelay $0x4  }
0x239: {  	v5 =	vmul.f32 v5, v52;
	[tilespmem:$0x1F3E0] =	vst v0;
	v0 =	vld [tilespmem:s21+$0x1950];
	_ =	sdelay $0x1  }
0x23a: {  	[tilespmem:$0x1F870] =	vst v5;
	v5 =	vld [tilespmem:$0x1F390];
	_ =	sdelay $0x2  }
0x23b: {  	[tilespmem:$0x1F3F0] =	vst v0;
	v0 =	vld [tilespmem:s21+$0x5880];
	_ =	sdelay $0x1  }
0x23c: {  	v5 =	vmul.f32 v5, v52;
	_ =	sdelay $0x1  }
0x23d: {  	[tilespmem:$0x1F880] =	vst v5;
	v5 =	vld [tilespmem:$0x1F3A0]  }
0x23e: {  	[tilespmem:$0x1F400] =	vst v0;
	v0 =	vld [tilespmem:s21+$0x5890];
	_ =	sdelay $0x1  }
0x23f: {  	v35 =	vld [tilespmem:s21+$0x5950];
	_ =	sdelay $0x2  }
0x240: {  	v8 =	vmul.f32 v5, v52;
	[tilespmem:$0x1F410] =	vst v0;
	v0 =	vld [tilespmem:s21+$0x58A0];
	_ =	sdelay $0x1  }
0x241: {  	[tilespmem:$0x1FB00] =	vst v8;
	v8 =	vmul.f32 v35, v52;
	_ =	sdelay $0x1  }
0x242: {  	[tilespmem:$0x1FB30] =	vst v8;
	v8 =	vld [tilespmem:$0x1F3E0]  }
0x243: {  	[tilespmem:$0x1F420] =	vst v0  }
0x244: {  	[tilespmem:$0x1FAA0] =	vst v11;
	v11 =	vld [tilespmem:$0x1F420]  }
0x245: {  	v28 =	vbroadcast v50, $0xD;
	v0 =	vld [tilespmem:s21+$0x58B0];
	_ =	sdelay $0x1  }
0x246: {  	v3 =	vbroadcast v49, $0xC;
	v8 =	vmul.f32 v8, v28;
	_ =	sdelay $0x1  }
0x247: {  	[tilespmem:$0x1FB90] =	vst v8;
	v8 =	vld [tilespmem:$0x1F3F0];
	v11 =	vmul.f32 v11, v3  }
0x248: {  	[tilespmem:$0x1F430] =	vst v0  }
0x249: {  	[tilespmem:$0x1F7F0] =	vst v11;
	v11 =	vld [tilespmem:$0x1F430]  }
0x24a: {  	v0 =	vld [tilespmem:s21+$0x58C0];
	_ =	sdelay $0x1  }
0x24b: {  	v8 =	vmul.f32 v8, v28;
	_ =	sdelay $0x1  }
0x24c: {  	[tilespmem:$0x1FBC0] =	vst v8;
	v8 =	vld [tilespmem:$0x1F400];
	v11 =	vmul.f32 v11, v3  }
0x24d: {  	[tilespmem:$0x1F440] =	vst v0  }
0x24e: {  	[tilespmem:$0x1F800] =	vst v11;
	v11 =	vld [tilespmem:$0x1F440]  }
0x24f: {  	v0 =	vld [tilespmem:s21+$0x58D0];
	_ =	sdelay $0x1  }
0x250: {  	v8 =	vmul.f32 v8, v3;
	_ =	sdelay $0x1  }
0x251: {  	[tilespmem:$0x1F7D0] =	vst v8;
	v8 =	vld [tilespmem:$0x1F410];
	v11 =	vmul.f32 v11, v3  }
0x252: {  	[tilespmem:$0x1F450] =	vst v0;
	v0 =	vld [tilespmem:s21+$0x1880]  }
0x253: {  	[tilespmem:$0x1FC30] =	vst v11;
	v11 =	vld [tilespmem:$0x1F450];
	_ =	sdelay $0x3  }
0x254: {  	[tilespmem:$0x1F460] =	vst v0  }
0x255: {  	[tilespmem:$0x1FC40] =	vst v3;
	v8 =	vmul.f32 v8, v3;
	v11 =	vmul.f32 v11, v3;
	v3 =	vld [tilespmem:$0x1F460]  }
0x256: {  	v0 =	vld [tilespmem:s21+$0x1890];
	_ =	sdelay $0x1  }
0x257: {  	v37 =	vbroadcast v50, $0xC;
	_ =	sdelay $0x1  }
0x258: {  	v3 =	vmul.f32 v3, v37  }
0x259: {  	[tilespmem:$0x1F470] =	vst v0  }
0x25a: {  	[tilespmem:$0x1F790] =	vst v3;
	v3 =	vld [tilespmem:$0x1F470]  }
0x25b: {  	v0 =	vld [tilespmem:s21+$0x18A0];
	_ =	sdelay $0x3  }
0x25c: {  	v3 =	vmul.f32 v3, v37  }
0x25d: {  	[tilespmem:$0x1F480] =	vst v0  }
0x25e: {  	[tilespmem:$0x1F7A0] =	vst v3;
	v3 =	vld [tilespmem:$0x1F480];
	_ =	sdelay $0x1  }
0x25f: {  	v9 =	vld [tilespmem:s21+$0x18B0]  }
0x260: {  	v0 =	vld [tilespmem:s21+$0x18C0];
	_ =	sdelay $0x1  }
0x261: {  	v3 =	vmul.f32 v3, v37;
	_ =	sdelay $0x1  }
0x262: {  	[tilespmem:$0x1F7B0] =	vst v3;
	v3 =	vmul.f32 v9, v37  }
0x263: {  	[tilespmem:$0x1F490] =	vst v0  }
0x264: {  	[tilespmem:$0x1F7C0] =	vst v3;
	v3 =	vld [tilespmem:$0x1F490]  }
0x265: {  	v0 =	vld [tilespmem:s21+$0x18D0];
	_ =	sdelay $0x3  }
0x266: {  	v3 =	vmul.f32 v3, v37  }
0x267: {  	[tilespmem:$0x1F4A0] =	vst v0  }
0x268: {  	[tilespmem:$0x1FD00] =	vst v3;
	v3 =	vld [tilespmem:$0x1F4A0]  }
0x269: {  	v0 =	vld [tilespmem:s21+$0x5800];
	_ =	sdelay $0x3  }
0x26a: {  	v3 =	vmul.f32 v3, v37  }
0x26b: {  	[tilespmem:$0x1F4B0] =	vst v0  }
0x26c: {  	[tilespmem:$0x1FD30] =	vst v3;
	v3 =	vld [tilespmem:$0x1F4B0];
	_ =	sdelay $0x1  }
0x26d: {  	v32 =	vld [tilespmem:s21+$0x5810]  }
0x26e: {  	v62 =	vbroadcast v49, $0xB;
	v0 =	vld [tilespmem:s21+$0x5820];
	_ =	sdelay $0x1  }
0x26f: {  	v3 =	vmul.f32 v3, v62;
	_ =	sdelay $0x1  }
0x270: {  	[tilespmem:$0x1F750] =	vst v3;
	v3 =	vmul.f32 v32, v62  }
0x271: {  	[tilespmem:$0x1F4C0] =	vst v0  }
0x272: {  	[tilespmem:$0x1F760] =	vst v3;
	v3 =	vld [tilespmem:$0x1F4C0];
	_ =	sdelay $0x1  }
0x273: {  	v59 =	vld [tilespmem:s21+$0x5830]  }
0x274: {  	v0 =	vld [tilespmem:s21+$0x5840];
	_ =	sdelay $0x1  }
0x275: {  	v3 =	vmul.f32 v3, v62;
	_ =	sdelay $0x1  }
0x276: {  	[tilespmem:$0x1F770] =	vst v3;
	v3 =	vmul.f32 v59, v62  }
0x277: {  	[tilespmem:$0x1F4D0] =	vst v0  }
0x278: {  	[tilespmem:$0x1F780] =	vst v3;
	v3 =	vld [tilespmem:$0x1F4D0];
	_ =	sdelay $0x1  }
0x279: {  	v38 =	vld [tilespmem:s21+$0x5850]  }
0x27a: {  	v0 =	vld [tilespmem:s21+$0x1800];
	_ =	sdelay $0x1  }
0x27b: {  	v3 =	vmul.f32 v3, v62;
	_ =	sdelay $0x1  }
0x27c: {  	[tilespmem:$0x1FDC0] =	vst v3;
	v3 =	vmul.f32 v38, v62  }
0x27d: {  	[tilespmem:$0x1F4E0] =	vst v0  }
0x27e: {  	[tilespmem:$0x1FDE0] =	vst v3;
	v3 =	vld [tilespmem:$0x1F4E0];
	_ =	sdelay $0x1  }
0x27f: {  	v39 =	vld [tilespmem:s21+$0x1810]  }
0x280: {  	v4 =	vbroadcast v50, $0xB;
	v0 =	vld [tilespmem:s21+$0x1820];
	_ =	sdelay $0x1  }
0x281: {  	v3 =	vmul.f32 v3, v4;
	_ =	sdelay $0x1  }
0x282: {  	[tilespmem:$0x1F710] =	vst v3;
	v3 =	vmul.f32 v39, v4  }
0x283: {  	[tilespmem:$0x1F4F0] =	vst v0  }
0x284: {  	[tilespmem:$0x1F720] =	vst v3;
	v3 =	vld [tilespmem:$0x1F4F0];
	_ =	sdelay $0x1  }
0x285: {  	v40 =	vld [tilespmem:s21+$0x1830]  }
0x286: {  	v0 =	vld [tilespmem:s21+$0x1840];
	_ =	sdelay $0x1  }
0x287: {  	v3 =	vmul.f32 v3, v4;
	_ =	sdelay $0x1  }
0x288: {  	[tilespmem:$0x1F730] =	vst v3;
	v3 =	vmul.f32 v40, v4  }
0x289: {  	[tilespmem:$0x1F500] =	vst v0  }
0x28a: {  	[tilespmem:$0x1F740] =	vst v3;
	v3 =	vld [tilespmem:$0x1F500];
	_ =	sdelay $0x1  }
0x28b: {  	v41 =	vld [tilespmem:s21+$0x1850];
	_ =	sdelay $0x1  }
0x28c: {  	v48 =	vld [tilespmem:s21+$0x5780]  }
0x28d: {  	v18 =	vld [tilespmem:s21+$0x1910];
	v3 =	vmul.f32 v3, v4  }
0x28e: {  	v42 =	vld [tilespmem:s21+$0x5790]  }
0x28f: {  	v63 =	vbroadcast v49, $0xA;
	v57 =	vld [tilespmem:s21+$0x57A0];
	[tilespmem:$0x1FE00] =	vst v3;
	v3 =	vmul.f32 v41, v4  }
0x290: {  	v47 =	vld [tilespmem:s21+$0x57B0]  }
0x291: {  	v46 =	vld [tilespmem:s21+$0x57C0];
	[tilespmem:$0x1FE30] =	vst v3;
	v3 =	vmul.f32 v48, v63  }
0x292: {  	v45 =	vbroadcast v50, $0x9;
	v16 =	vbroadcast v50, $0x5;
	v27 =	vld [tilespmem:s21+$0x57D0];
	[tilespmem:$0x1F9C0] =	vst v23  }
0x293: {  	v13 =	vbroadcast v49, $0x5;
	v36 =	vld [tilespmem:s21+$0x1780];
	[tilespmem:$0x1F6D0] =	vst v3;
	v3 =	vmul.f32 v42, v63  }
0x294: {  	v21 =	vbroadcast v49, $0x4;
	v43 =	vld [tilespmem:s21+$0x1790];
	[tilespmem:$0x1F950] =	vst v30;
	v6 =	vbroadcast v50, $0x7  }
0x295: {  	v19 =	vbroadcast v49, $0x3;
	v5 =	vld [tilespmem:$0x1F3B0];
	[tilespmem:$0x1F6E0] =	vst v3;
	v3 =	vmul.f32 v57, v63  }
0x296: {  	v26 =	vbroadcast v49, $0x2;
	v44 =	vld [tilespmem:s21+$0x17A0];
	[tilespmem:$0x1F520] =	vst v6;
	v6 =	vbroadcast v49, $0x7  }
0x297: {  	v60 =	vbroadcast v49, $0x1;
	v51 =	vld [tilespmem:s21+$0x17B0];
	[tilespmem:$0x1F6F0] =	vst v3;
	v3 =	vmul.f32 v47, v63  }
0x298: {  	v10 =	vbroadcast v49, $0x9;
	v53 =	vld [tilespmem:s21+$0x17D0];
	[tilespmem:$0x1F510] =	vst v6;
	v6 =	vbroadcast v50, $0x6  }
0x299: {  	v54 =	vld [tilespmem:s21+$0x5700];
	v7 =	vbroadcast v49, $0x0;
	[tilespmem:$0x1F700] =	vst v3;
	v3 =	vmul.f32 v46, v63  }
0x29a: {  	v55 =	vld [tilespmem:s21+$0x5710];
	[tilespmem:$0x1F540] =	vst v6;
	v6 =	vbroadcast v49, $0x6;
	v5 =	vmul.f32 v5, v28  }
0x29b: {  	v30 =	vld [tilespmem:s21+$0x1710];
	v0 =	vbroadcast v50, $0xA;
	[tilespmem:$0x1FE50] =	vst v3;
	v3 =	vmul.f32 v27, v63  }
0x29c: {  	v1 =	vbroadcast v49, $0x8;
	v49 =	vld [tilespmem:s21+$0x1750];
	[tilespmem:$0x1F810] =	vst v5;
	v5 =	vmul.f32 v18, v28  }
0x29d: {  	v17 =	vbroadcast v50, $0x4;
	v25 =	vld [tilespmem:s21+$0x5720];
	[tilespmem:$0x1FE70] =	vst v3;
	v3 =	vmul.f32 v36, v0  }
0x29e: {  	v34 =	vbroadcast v50, $0x3;
	v33 =	vbroadcast v50, $0x2;
	v58 =	vld [tilespmem:s21+$0x5730];
	[tilespmem:$0x1F820] =	vst v5  }
0x29f: {  	v14 =	vbroadcast v50, $0x1;
	v5 =	vld [tilespmem:$0x1F3C0];
	[tilespmem:$0x1F690] =	vst v3;
	v3 =	vmul.f32 v43, v0  }
0x2a0: {  	[tilespmem:$0x1F530] =	vst v6;
	v6 =	vbroadcast v50, $0x0;
	v2 =	vbroadcast v50, $0x8;
	v50 =	vld [tilespmem:s21+$0x17C0]  }
0x2a1: {  	v31 =	vld [tilespmem:s21+$0x5740];
	[tilespmem:$0x1F6A0] =	vst v3;
	v3 =	vmul.f32 v44, v0  }
0x2a2: {  	v22 =	vld [tilespmem:s21+$0x1730];
	[tilespmem:$0x1FA30] =	vst v12  }
0x2a3: {  	v29 =	vld [tilespmem:s21+$0x5750];
	[tilespmem:$0x1F6B0] =	vst v3;
	v3 =	vmul.f32 v51, v0  }
0x2a4: {  	v23 =	vld [tilespmem:s21+$0x1720];
	v5 =	vmul.f32 v5, v28;
	[tilespmem:$0x1FEA0] =	vst v0  }
0x2a5: {  	v61 =	vld [tilespmem:s21+$0x1700];
	[tilespmem:$0x1F6C0] =	vst v3;
	v3 =	vmul.f32 v50, v0;
	v0 =	vmul.f32 v53, v0  }
0x2a6: {  	v24 =	vld [tilespmem:s21+$0x1680];
	[tilespmem:$0x1F830] =	vst v5  }
0x2a7: {  	v5 =	vld [tilespmem:$0x1F3D0];
	[tilespmem:$0x1FEB0] =	vst v0;
	v0 =	vmul.f32 v54, v10  }
0x2a8: {  	v12 =	vld [tilespmem:s21+$0x1690];
	[tilespmem:$0x1F9F0] =	vst v20  }
0x2a9: {  	v20 =	vld [tilespmem:s21+$0x1740];
	[tilespmem:$0x1F650] =	vst v0;
	v0 =	vmul.f32 v55, v10  }
0x2aa: {  	[tilespmem:$0x1FBA0] =	vst v28;
	v15 =	vld [tilespmem:s21+$0x5680]  }
0x2ab: {  	v56 =	vld [tilespmem:s21+$0x56A0];
	[tilespmem:$0x1F660] =	vst v0;
	v0 =	vmul.f32 v25, v10  }
0x2ac: {  	[tilespmem:$0x1FB10] =	vst v52;
	v35 =	vld [tilespmem:s21+$0x5690];
	v5 =	vmul.f32 v5, v28  }
0x2ad: {  	v52 =	vld [tilespmem:$0x1F540];
	[tilespmem:$0x1F670] =	vst v0;
	v0 =	vmul.f32 v58, v10  }
0x2ae: {  	v18 =	vld [tilespmem:s21+$0x56C0];
	[tilespmem:$0x1F840] =	vst v5  }
0x2af: {  	v28 =	vld [tilespmem:s21+$0x16A0];
	[tilespmem:$0x1F680] =	vst v0;
	v0 =	vmul.f32 v31, v10  }
0x2b0: {  	v5 =	vld [tilespmem:s21+$0x56B0];
	[tilespmem:$0x1F7E0] =	vst v8  }
0x2b1: {  	v8 =	vld [tilespmem:s21+$0x56D0];
	[tilespmem:$0x1FEC0] =	vst v0;
	v0 =	vmul.f32 v29, v10  }
0x2b2: {  	[tilespmem:$0x1FC60] =	vst v11;
	v11 =	vld [tilespmem:s21+$0x16C0]  }
0x2b3: {  	v9 =	vld [tilespmem:s21+$0x16B0];
	[tilespmem:$0x1FED0] =	vst v0;
	v0 =	vmul.f32 v61, v45  }
0x2b4: {  	v32 =	vld [tilespmem:s21+$0x16D0]  }
0x2b5: {  	v59 =	vld [tilespmem:s21+$0x5600];
	[tilespmem:$0x1F610] =	vst v0;
	v0 =	vmul.f32 v30, v45  }
0x2b6: {  	v38 =	vld [tilespmem:s21+$0x5610]  }
0x2b7: {  	v39 =	vld [tilespmem:s21+$0x1600];
	[tilespmem:$0x1F620] =	vst v0;
	v0 =	vmul.f32 v23, v45  }
0x2b8: {  	v40 =	vld [tilespmem:s21+$0x1610]  }
0x2b9: {  	v41 =	vld [tilespmem:s21+$0x5580];
	[tilespmem:$0x1F630] =	vst v0;
	v0 =	vmul.f32 v22, v45  }
0x2ba: {  	[tilespmem:$0x1FE10] =	vst v4;
	v4 =	vld [tilespmem:$0x1F520]  }
0x2bb: {  	v48 =	vld [tilespmem:s21+$0x1580];
	[tilespmem:$0x1F640] =	vst v0;
	v0 =	vmul.f32 v20, v45  }
0x2bc: {  	v42 =	vld [tilespmem:s21+$0x5590]  }
0x2bd: {  	v47 =	vld [tilespmem:s21+$0x1480];
	[tilespmem:$0x1FEE0] =	vst v0;
	v0 =	vmul.f32 v49, v45  }
0x2be: {  	v46 =	vld [tilespmem:s21+$0x1510]  }
0x2bf: {  	v27 =	vld [tilespmem:s21+$0x1590];
	[tilespmem:$0x1FEF0] =	vst v0;
	v0 =	vmul.f32 v15, v1  }
0x2c0: {  	v36 =	vld [tilespmem:s21+$0x5500]  }
0x2c1: {  	v43 =	vld [tilespmem:s21+$0x5510];
	[tilespmem:$0x1F5D0] =	vst v0;
	v0 =	vmul.f32 v35, v1  }
0x2c2: {  	v44 =	vld [tilespmem:s21+$0x1500]  }
0x2c3: {  	v51 =	vld [tilespmem:s21+$0x5400];
	[tilespmem:$0x1F5E0] =	vst v0;
	v0 =	vmul.f32 v56, v1  }
0x2c4: {  	v50 =	vld [tilespmem:s21+$0x1490]  }
0x2c5: {  	v53 =	vld [tilespmem:s21+$0x5410];
	[tilespmem:$0x1F5F0] =	vst v0;
	v0 =	vmul.f32 v5, v1  }
0x2c6: {  	v54 =	vld [tilespmem:s21+$0x1400];
	v58 =	vmul.f32 v12, v2  }
0x2c7: {  	v12 =	vmul.f32 v43, v13;
	v43 =	vld [tilespmem:s21+$0x1280];
	[tilespmem:$0x1F600] =	vst v0;
	v0 =	vmul.f32 v18, v1  }
0x2c8: {  	[tilespmem:$0x1FE90] =	vst v3;
	v3 =	vld [tilespmem:$0x1F550]  }
0x2c9: {  	v55 =	vld [tilespmem:s21+$0x1320];
	[tilespmem:$0x1FF00] =	vst v0;
	v0 =	vmul.f32 v8, v1  }
0x2ca: {  	v25 =	vld [tilespmem:s21+$0x5480]  }
0x2cb: {  	v31 =	vmul.f32 v39, v4;
	v39 =	vld [tilespmem:s21+$0x1300];
	[tilespmem:$0x1FF20] =	vst v0;
	v0 =	vmul.f32 v24, v2  }
0x2cc: {  	v29 =	vld [tilespmem:s21+$0x5490];
	v43 =	vmul.f32 v43, v6  }
0x2cd: {  	v61 =	vmul.f32 v40, v4;
	v40 =	vld [tilespmem:s21+$0x5280];
	[tilespmem:$0x1F5A0] =	vst v0;
	v0 =	vmul.f32 v28, v2  }
0x2ce: {  	v43 =	vadd.f32 v43, v3;
	v3 =	vld [tilespmem:$0x1F560]  }
0x2cf: {  	v15 =	vmul.f32 v46, v16;
	v46 =	vld [tilespmem:s21+$0x1290];
	[tilespmem:$0x1F5B0] =	vst v0;
	v0 =	vmul.f32 v9, v2  }
0x2d0: {  	v22 =	vmul.f32 v27, v52;
	v27 =	vmul.f32 v25, v21;
	v25 =	vld [tilespmem:s21+$0x5290]  }
0x2d1: {  	v20 =	vmul.f32 v48, v52;
	v48 =	vld [tilespmem:s21+$0x13A0];
	[tilespmem:$0x1F5C0] =	vst v0;
	v0 =	vmul.f32 v11, v2  }
0x2d2: {  	[tilespmem:$0x1FF40] =	vst v2;
	v49 =	vmul.f32 v36, v13;
	v36 =	vld [tilespmem:s21+$0x1310]  }
0x2d3: {  	[tilespmem:$0x1FF30] =	vst v0;
	v0 =	vmul.f32 v32, v2;
	v2 =	vld [tilespmem:$0x1F530]  }
0x2d4: {  	v56 =	vld [tilespmem:s21+$0x5310];
	v46 =	vmul.f32 v46, v6  }
0x2d5: {  	v5 =	vld [tilespmem:$0x1F510]  }
0x2d6: {  	v46 =	vadd.f32 v46, v3;
	v3 =	vld [tilespmem:$0x1F570]  }
0x2d7: {  	v18 =	vld [tilespmem:s21+$0x5380]  }
0x2d8: {  	v23 =	vmul.f32 v42, v2;
	v42 =	vmul.f32 v50, v17;
	v50 =	vld [tilespmem:s21+$0x12A0]  }
0x2d9: {  	v8 =	vld [tilespmem:s21+$0x1410]  }
0x2da: {  	[tilespmem:$0x1FF10] =	vst v1;
	v1 =	vmul.f32 v53, v19;
	v53 =	vld [tilespmem:s21+$0x52A0]  }
0x2db: {  	v25 =	vmul.f32 v25, v7;
	v35 =	vmul.f32 v59, v5;
	v59 =	vld [tilespmem:s21+$0x12B0]  }
0x2dc: {  	v57 =	vmul.f32 v38, v5;
	v38 =	vmul.f32 v56, v60;
	v56 =	vld [tilespmem:s21+$0x5320]  }
0x2dd: {  	v24 =	vld [tilespmem:s21+$0x1380];
	v30 =	vmul.f32 v41, v2;
	v50 =	vmul.f32 v50, v6  }
0x2de: {  	v41 =	vmul.f32 v47, v17;
	v47 =	vmul.f32 v54, v34;
	v54 =	vld [tilespmem:s21+$0x52B0]  }
0x2df: {  	v39 =	vmul.f32 v39, v14;
	v40 =	vmul.f32 v40, v7;
	v50 =	vadd.f32 v50, v3;
	v3 =	vld [tilespmem:$0x1F580]  }
0x2e0: {  	v29 =	vmul.f32 v29, v21;
	v36 =	vmul.f32 v36, v14;
	v25 =	vadd.f32 v25, v46;
	v28 =	vld [tilespmem:s21+$0x1390]  }
0x2e1: {  	v40 =	vadd.f32 v40, v43;
	v43 =	vmul.f32 v55, v14;
	v11 =	vmul.f32 v44, v16;
	[tilespmem:$0x1FF50] =	vst v0;
	v0 =	vld [tilespmem:s21+$0x1330]  }
0x2e2: {  	v25 =	vadd.f32 v36, v25;
	v44 =	vmul.f32 v51, v19;
	v51 =	vmul.f32 v59, v6;
	v32 =	vld [tilespmem:s21+$0x5300]  }
0x2e3: {  	v39 =	vadd.f32 v39, v40;
	v18 =	vmul.f32 v18, v26;
	v53 =	vmul.f32 v53, v7;
	v59 =	vld [tilespmem:s21+$0x5330]  }
0x2e4: {  	v25 =	vadd.f32 v38, v25;
	v9 =	vld [tilespmem:s21+$0x5390];
	v54 =	vmul.f32 v54, v7;
	v51 =	vadd.f32 v51, v3  }
0x2e5: {  	v46 =	vld [tilespmem:s21+$0x13B0];
	v8 =	vmul.f32 v8, v34;
	v36 =	vmul.f32 v56, v60;
	v50 =	vadd.f32 v53, v50  }
0x2e6: {  	v56 =	vmul.f32 v48, v33;
	v0 =	vmul.f32 v0, v14;
	v53 =	vld [tilespmem:s21+$0x53A0];
	v51 =	vadd.f32 v54, v51  }
0x2e7: {  	v24 =	vmul.f32 v24, v33;
	v32 =	vmul.f32 v32, v60;
	v43 =	vadd.f32 v43, v50;
	v54 =	vld [tilespmem:s21+$0x53B0]  }
0x2e8: {  	v28 =	vmul.f32 v28, v33;
	v55 =	vmul.f32 v59, v60;
	v0 =	vadd.f32 v0, v51;
	v51 =	vld [tilespmem:s21+$0x1420]  }
0x2e9: {  	v48 =	vld [tilespmem:s21+$0x1430];
	v9 =	vmul.f32 v9, v26;
	v32 =	vadd.f32 v32, v39;
	v36 =	vadd.f32 v36, v43  }
0x2ea: {  	v25 =	vadd.f32 v28, v25;
	v50 =	vld [tilespmem:s21+$0x5420];
	v3 =	vmul.f32 v46, v33;
	v0 =	vadd.f32 v55, v0  }
0x2eb: {  	v24 =	vadd.f32 v24, v32;
	v28 =	vmul.f32 v53, v26;
	v53 =	vld [tilespmem:s21+$0x5430];
	v36 =	vadd.f32 v56, v36  }
0x2ec: {  	v9 =	vadd.f32 v9, v25;
	v55 =	vld [tilespmem:s21+$0x14A0];
	v54 =	vmul.f32 v54, v26;
	v0 =	vadd.f32 v3, v0  }
0x2ed: {  	v25 =	vld [tilespmem:s21+$0x14B0];
	v18 =	vadd.f32 v18, v24;
	v28 =	vadd.f32 v28, v36;
	v24 =	vmul.f32 v51, v34  }
0x2ee: {  	v8 =	vadd.f32 v8, v9;
	v56 =	vmul.f32 v48, v34;
	v48 =	vld [tilespmem:s21+$0x54A0];
	v0 =	vadd.f32 v54, v0  }
0x2ef: {  	v18 =	vadd.f32 v47, v18;
	v9 =	vmul.f32 v50, v19;
	v50 =	vld [tilespmem:s21+$0x54B0];
	v24 =	vadd.f32 v24, v28  }
0x2f0: {  	v8 =	vadd.f32 v1, v8;
	v51 =	vld [tilespmem:s21+$0x1520];
	v28 =	vmul.f32 v53, v19;
	v0 =	vadd.f32 v56, v0  }
0x2f1: {  	v18 =	vadd.f32 v44, v18;
	v54 =	vld [tilespmem:s21+$0x1530];
	v53 =	vmul.f32 v55, v17;
	v9 =	vadd.f32 v9, v24  }
0x2f2: {  	v8 =	vadd.f32 v42, v8;
	v24 =	vmul.f32 v25, v17;
	v25 =	vld [tilespmem:s21+$0x5520];
	v0 =	vadd.f32 v28, v0  }
0x2f3: {  	v18 =	vadd.f32 v41, v18;
	v55 =	vld [tilespmem:s21+$0x5530];
	v28 =	vmul.f32 v48, v21;
	v9 =	vadd.f32 v53, v9  }
0x2f4: {  	v8 =	vadd.f32 v29, v8;
	v56 =	vld [tilespmem:s21+$0x15A0];
	v0 =	vadd.f32 v24, v0;
	v24 =	vmul.f32 v50, v21  }
0x2f5: {  	v18 =	vadd.f32 v27, v18;
	v27 =	vmul.f32 v51, v16;
	v9 =	vadd.f32 v28, v9  }
0x2f6: {  	v8 =	vadd.f32 v15, v8;
	v28 =	vld [tilespmem:s21+$0x55A0];
	v0 =	vadd.f32 v24, v0;
	v24 =	vmul.f32 v54, v16  }
0x2f7: {  	[tilespmem:$0x1F8F0] =	vst v14;
	v14 =	vadd.f32 v11, v18;
	v15 =	vmul.f32 v25, v13;
	v9 =	vadd.f32 v27, v9  }
0x2f8: {  	v42 =	vmovc v4;
	v4 =	vadd.f32 v12, v8;
	v25 =	vld [tilespmem:s21+$0x1620];
	v0 =	vadd.f32 v24, v0;
	v24 =	vmul.f32 v55, v13  }
0x2f9: {  	v29 =	vld [tilespmem:s21+$0x15B0];
	v3 =	vadd.f32 v49, v14;
	v8 =	vmul.f32 v56, v52;
	v9 =	vadd.f32 v15, v9  }
0x2fa: {  	v46 =	vmov v2;
	v0 =	vadd.f32 v24, v0;
	v24 =	vld [tilespmem:s21+$0x5620]  }
0x2fb: {  	v18 =	vld [tilespmem:s21+$0x55B0];
	v1 =	vadd.f32 v20, v3;
	v3 =	vmul.f32 v28, v46;
	v8 =	vadd.f32 v8, v9;
	_ =	sdelay $0x1  }
0x2fc: {  	v43 =	vmov v5;
	v14 =	vld [tilespmem:s21+$0x1630];
	v5 =	vmul.f32 v25, v42;
	v3 =	vadd.f32 v3, v8  }
0x2fd: {  	[tilespmem:$0x1F8E0] =	vst v7;
	v7 =	vld [tilespmem:$0x1F5B0];
	v15 =	vmul.f32 v29, v52  }
0x2fe: {  	[tilespmem:$0x1F8D0] =	vst v6;
	v2 =	vadd.f32 v22, v4;
	v4 =	vld [tilespmem:s21+$0x5630];
	v6 =	vmul.f32 v24, v43;
	v3 =	vadd.f32 v5, v3  }
0x2ff: {  	v9 =	vmul.f32 v18, v46;
	v0 =	vadd.f32 v15, v0  }
0x300: {  	v3 =	vadd.f32 v6, v3  }
0x301: {  	v8 =	vmul.f32 v14, v42;
	v0 =	vadd.f32 v9, v0  }
0x302: {  	v3 =	vadd.f32 v7, v3;
	v7 =	vld [tilespmem:$0x1F5C0]  }
0x303: {  	v4 =	vmul.f32 v4, v43;
	v36 =	vmov v16;
	v16 =	vld [tilespmem:s21+$0x5650];
	v0 =	vadd.f32 v8, v0  }
0x304: {  	v1 =	vadd.f32 v30, v1;
	v15 =	vld [tilespmem:s21+$0x5640]  }
0x305: {  	v6 =	vld [tilespmem:$0x1F5A0];
	v0 =	vadd.f32 v4, v0  }
0x306: {  	v1 =	vadd.f32 v31, v1;
	v9 =	vld [tilespmem:s21+$0x1640]  }
0x307: {  	v2 =	vadd.f32 v23, v2;
	v0 =	vadd.f32 v7, v0;
	v7 =	vld [tilespmem:$0x1F5D0]  }
0x308: {  	v1 =	vadd.f32 v35, v1;
	v5 =	vld [tilespmem:s21+$0x55D0]  }
0x309: {  	v2 =	vadd.f32 v61, v2;
	v8 =	vld [tilespmem:s21+$0x15C0]  }
0x30a: {  	v44 =	vmov v52;
	v52 =	vmul.f32 v15, v43;
	v4 =	vld [tilespmem:s21+$0x15D0];
	v1 =	vadd.f32 v6, v1  }
0x30b: {  	v2 =	vadd.f32 v57, v2;
	v15 =	vmul.f32 v16, v43;
	v16 =	vmul.f32 v9, v42;
	v9 =	vld [tilespmem:s21+$0x5550]  }
0x30c: {  	v1 =	vadd.f32 v7, v1;
	v7 =	vld [tilespmem:$0x1F5E0]  }
0x30d: {  	v2 =	vadd.f32 v58, v2;
	v58 =	vmul.f32 v5, v46;
	v5 =	vld [tilespmem:$0x1F5F0]  }
0x30e: {  	v6 =	vld [tilespmem:s21+$0x5540]  }
0x30f: {  	v39 =	vmul.f32 v4, v44;
	v4 =	vld [tilespmem:$0x1F630]  }
0x310: {  	v38 =	vmul.f32 v8, v44;
	v8 =	vld [tilespmem:$0x1F670]  }
0x311: {  	v2 =	vadd.f32 v7, v2;
	v7 =	vld [tilespmem:$0x1F610]  }
0x312: {  	v3 =	vadd.f32 v5, v3;
	v5 =	vld [tilespmem:$0x1F600]  }
0x313: {  	v40 =	vmul.f32 v6, v13;
	v6 =	vld [tilespmem:$0x1F650]  }
0x314: {  	v3 =	vadd.f32 v4, v3;
	v4 =	vld [tilespmem:$0x1F640]  }
0x315: {  	v41 =	vmul.f32 v9, v13;
	v9 =	vld [tilespmem:$0x1F690]  }
0x316: {  	v1 =	vadd.f32 v7, v1;
	v7 =	vld [tilespmem:$0x1F620]  }
0x317: {  	v0 =	vadd.f32 v5, v0;
	v5 =	vld [tilespmem:s21+$0x1550]  }
0x318: {  	v1 =	vadd.f32 v6, v1;
	v6 =	vld [tilespmem:$0x1F660]  }
0x319: {  	v0 =	vadd.f32 v4, v0;
	v4 =	vld [tilespmem:s21+$0x54D0]  }
0x31a: {  	v1 =	vadd.f32 v9, v1;
	v9 =	vld [tilespmem:$0x1F6A0]  }
0x31b: {  	v2 =	vadd.f32 v7, v2  }
0x31c: {  	v51 =	vmul.f32 v5, v36;
	v5 =	vld [tilespmem:$0x1F6B0]  }
0x31d: {  	v2 =	vadd.f32 v6, v2;
	_ =	sdelay $0x1  }
0x31e: {  	v3 =	vadd.f32 v8, v3;
	v2 =	vadd.f32 v9, v2;
	v9 =	vmul.f32 v4, v21;
	v4 =	vld [tilespmem:$0x1F6F0]  }
0x31f: {  	v8 =	vld [tilespmem:$0x1F680]  }
0x320: {  	v3 =	vadd.f32 v5, v3;
	v5 =	vld [tilespmem:$0x1F6C0]  }
0x321: {  	v7 =	vld [tilespmem:s21+$0x54C0]  }
0x322: {  	v6 =	vld [tilespmem:s21+$0x14C0]  }
0x323: {  	v3 =	vadd.f32 v4, v3;
	v4 =	vld [tilespmem:$0x1F700]  }
0x324: {  	v0 =	vadd.f32 v8, v0;
	_ =	sdelay $0x1  }
0x325: {  	v0 =	vadd.f32 v5, v0;
	v12 =	vmul.f32 v7, v21;
	v7 =	vld [tilespmem:$0x1F6D0];
	_ =	sdelay $0x1  }
0x326: {  	v4 =	vadd.f32 v4, v0;
	v0 =	vmul.f32 v6, v17;
	v6 =	vld [tilespmem:$0x1F710]  }
0x327: {  	v61 =	vmov v13;
	v13 =	vld [tilespmem:$0x1F730]  }
0x328: {  	v49 =	vmov v10;
	v10 =	vld [tilespmem:s21+$0x5440]  }
0x329: {  	v1 =	vadd.f32 v7, v1;
	v7 =	vld [tilespmem:$0x1F6E0]  }
0x32a: {  	v18 =	vld [tilespmem:s21+$0x1650]  }
0x32b: {  	v1 =	vadd.f32 v6, v1;
	v6 =	vld [tilespmem:$0x1F720]  }
0x32c: {  	v3 =	vadd.f32 v13, v3;
	v13 =	vld [tilespmem:$0x1F740]  }
0x32d: {  	v5 =	vld [tilespmem:s21+$0x5450]  }
0x32e: {  	v2 =	vadd.f32 v7, v2;
	v7 =	vld [tilespmem:s21+$0x1440];
	_ =	sdelay $0x1  }
0x32f: {  	v2 =	vadd.f32 v6, v2;
	v6 =	vld [tilespmem:s21+$0x53C0]  }
0x330: {  	v4 =	vadd.f32 v13, v4;
	v13 =	vmul.f32 v10, v19;
	v10 =	vld [tilespmem:$0x1F750]  }
0x331: {  	v11 =	vld [tilespmem:s21+$0x1540];
	v55 =	vmul.f32 v18, v42  }
0x332: {  	v54 =	vmov v19;
	v18 =	vmul.f32 v5, v19;
	v19 =	vmul.f32 v7, v34;
	v7 =	vld [tilespmem:$0x1F790];
	_ =	sdelay $0x1  }
0x333: {  	v31 =	vmul.f32 v6, v26;
	v6 =	vld [tilespmem:$0x1F7D0]  }
0x334: {  	v1 =	vadd.f32 v10, v1;
	v10 =	vld [tilespmem:$0x1F760]  }
0x335: {  	v20 =	vmul.f32 v11, v36;
	v11 =	vld [tilespmem:s21+$0x1450]  }
0x336: {  	v1 =	vadd.f32 v7, v1;
	v7 =	vld [tilespmem:$0x1F7A0];
	_ =	sdelay $0x1  }
0x337: {  	v6 =	vadd.f32 v6, v1;
	v1 =	vld [tilespmem:$0x1F7E0]  }
0x338: {  	v5 =	vld [tilespmem:$0x1F770];
	v2 =	vadd.f32 v10, v2;
	_ =	sdelay $0x1  }
0x339: {  	v30 =	vmul.f32 v11, v34;
	v11 =	vld [tilespmem:$0x1F7B0];
	v2 =	vadd.f32 v7, v2;
	_ =	sdelay $0x1  }
0x33a: {  	v2 =	vadd.f32 v1, v2;
	v1 =	vld [tilespmem:$0x1F7F0]  }
0x33b: {  	v3 =	vadd.f32 v5, v3;
	v5 =	vld [tilespmem:$0x1F780];
	_ =	sdelay $0x1  }
0x33c: {  	v3 =	vadd.f32 v11, v3;
	v11 =	vld [tilespmem:$0x1F7C0]  }
0x33d: {  	v10 =	vld [tilespmem:s21+$0x13C0]  }
0x33e: {  	v3 =	vadd.f32 v1, v3;
	v1 =	vld [tilespmem:$0x1F800]  }
0x33f: {  	v4 =	vadd.f32 v5, v4;
	_ =	sdelay $0x1  }
0x340: {  	v4 =	vadd.f32 v11, v4;
	_ =	sdelay $0x1  }
0x341: {  	v4 =	vadd.f32 v1, v4;
	v1 =	vmul.f32 v10, v33;
	v10 =	vld [tilespmem:$0x1F810];
	_ =	sdelay $0x2  }
0x342: {  	v23 =	vld [tilespmem:s21+$0x55C0]  }
0x343: {  	v5 =	vld [tilespmem:s21+$0x13D0]  }
0x344: {  	v6 =	vadd.f32 v10, v6;
	v10 =	vld [tilespmem:$0x1F820];
	_ =	sdelay $0x3  }
0x345: {  	v53 =	vmul.f32 v23, v46;
	v23 =	vld [tilespmem:s21+$0x53D0]  }
0x346: {  	v10 =	vadd.f32 v10, v2;
	v2 =	vmul.f32 v5, v33;
	v5 =	vld [tilespmem:$0x1F830];
	_ =	sdelay $0x4  }
0x347: {  	v48 =	vmov v26;
	v35 =	vmul.f32 v23, v26;
	v26 =	vadd.f32 v5, v3;
	v3 =	vld [tilespmem:$0x1F840];
	_ =	sdelay $0x2  }
0x348: {  	v59 =	vld [tilespmem:$0x1F590]  }
0x349: {  	v14 =	vld [tilespmem:$0x1F870]  }
0x34a: {  	v4 =	vadd.f32 v3, v4;
	v3 =	vld [tilespmem:$0x1F850]  }
0x34b: {  	v24 =	vld [tilespmem:s21+$0x5350]  }
0x34c: {  	v8 =	vld [tilespmem:s21+$0x14D0]  }
0x34d: {  	v7 =	vld [tilespmem:s21+$0x5340]  }
0x34e: {  	v26 =	vadd.f32 v14, v26;
	v14 =	vld [tilespmem:$0x1F880]  }
0x34f: {  	p0 =	sne.s32 s22, $0x7;
	v5 =	vadd.f32 v3, v6;
	v3 =	vld [tilespmem:$0x1F860]  }
.Ltmp1:
0x350: {  	v22 =	vld [tilespmem:s21+$0x1340];
	(pc) =	sbr.rel @p0 .LBB2_5-.Ltmp1, $4  }
0x351: {  	v23 =	vld [tilespmem:s21+$0x52C0]  }
0x352: {  	v47 =	vmov v17;
	v25 =	vld [tilespmem:s21+$0x52D0]  }
0x353: {  	v57 =	vmovc v60;
	v50 =	vmovc v33;
	v8 =	vmul.f32 v8, v17;
	v17 =	vmov v21;
	v11 =	vld [tilespmem:s21+$0x1350];
	v7 =	vmul.f32 v7, v60  }
0x354: {  	s22 =	sadd.s32 $0x1, s22;
	v21 =	vmovc v34;
	v4 =	vadd.f32 v14, v4;
	v6 =	vadd.f32 v3, v10;
	v3 =	vld [tilespmem:s21+$0x12C0];
	v10 =	vmul.f32 v24, v60  }
0x355: {  	v34 =	vld [tilespmem:$0x1FA70]  }
0x356: {  	v14 =	vld [tilespmem:$0x1FA40];
	_ =	sdelay $0x1  }
0x357: {  	v60 =	vld [tilespmem:$0x1FA00]  }
0x358: {  	v29 =	vld [tilespmem:$0x1F970]  }
0x359: {  	v4 =	vadd.f32 v34, v4;
	v34 =	vld [tilespmem:$0x1F9A0]  }
0x35a: {  	v5 =	vadd.f32 v14, v5;
	_ =	sdelay $0x1  }
0x35b: {  	v5 =	vadd.f32 v59, v5;
	v4 =	vadd.f32 v60, v4  }
0x35c: {  	v32 =	vld [tilespmem:$0x1FA50]  }
0x35d: {  	v5 =	vadd.f32 v29, v5;
	v29 =	vadd.f32 v34, v4;
	v4 =	vld [tilespmem:$0x1F900];
	_ =	sdelay $0x2  }
0x35e: {  	v56 =	vld [tilespmem:$0x1F9E0]  }
0x35f: {  	v6 =	vadd.f32 v32, v6;
	v32 =	vld [tilespmem:$0x1F980]  }
0x360: {  	v4 =	vadd.f32 v4, v5;
	v5 =	vld [tilespmem:$0x1F8D0];
	_ =	sdelay $0x2  }
0x361: {  	v33 =	vld [tilespmem:$0x1FA60];
	v6 =	vadd.f32 v56, v6  }
0x362: {  	v27 =	vld [tilespmem:s21+$0x12E0]  }
0x363: {  	v6 =	vadd.f32 v32, v6;
	v32 =	vmul.f32 v3, v5;
	v3 =	vld [tilespmem:$0x1F910]  }
0x364: {  	v59 =	vld [tilespmem:$0x1F9F0]  }
0x365: {  	v28 =	vld [tilespmem:s21+$0x12F0]  }
0x366: {  	v24 =	vadd.f32 v33, v26;
	v33 =	vld [tilespmem:$0x1F990]  }
0x367: {  	v26 =	vld [tilespmem:s21+$0x12D0]  }
0x368: {  	v6 =	vadd.f32 v3, v6;
	v3 =	vld [tilespmem:$0x1F920]  }
0x369: {  	v24 =	vadd.f32 v59, v24  }
0x36a: {  	v60 =	vld [tilespmem:$0x1F8A0]  }
0x36b: {  	v24 =	vadd.f32 v33, v24  }
0x36c: {  	v56 =	vld [tilespmem:$0x1F890];
	v26 =	vmul.f32 v26, v5  }
0x36d: {  	v27 =	vmul.f32 v27, v5;
	v28 =	vmul.f32 v28, v5;
	v5 =	vadd.f32 v3, v24;
	v3 =	vld [tilespmem:$0x1F930];
	_ =	sdelay $0x1  }
0x36e: {  	v26 =	vadd.f32 v26, v60;
	v60 =	vld [tilespmem:$0x1F8C0];
	_ =	sdelay $0x2  }
0x36f: {  	v59 =	vadd.f32 v3, v29;
	v29 =	vadd.f32 v32, v56;
	v56 =	vld [tilespmem:$0x1F8E0];
	_ =	sdelay $0x1  }
0x370: {  	v28 =	vadd.f32 v28, v60;
	v60 =	vld [tilespmem:$0x1F8F0];
	_ =	sdelay $0x2  }
0x371: {  	v23 =	vmul.f32 v23, v56;
	_ =	sdelay $0x1  }
0x372: {  	v22 =	vmul.f32 v22, v60;
	v23 =	vadd.f32 v23, v29  }
0x373: {  	v14 =	vld [tilespmem:$0x1F8B0]  }
0x374: {  	v33 =	vld [tilespmem:s21+$0x52E0];
	v22 =	vadd.f32 v22, v23  }
0x375: {  	v34 =	vld [tilespmem:s21+$0x52F0];
	v25 =	vmul.f32 v25, v56  }
0x376: {  	v24 =	vld [tilespmem:s21+$0x1360];
	v7 =	vadd.f32 v7, v22  }
0x377: {  	v11 =	vmul.f32 v11, v60;
	v32 =	vld [tilespmem:s21+$0x1370];
	v25 =	vadd.f32 v25, v26  }
0x378: {  	v3 =	vmov v36;
	v36 =	vld [tilespmem:s21+$0x5360];
	v1 =	vadd.f32 v1, v7  }
0x379: {  	v27 =	vadd.f32 v27, v14;
	v14 =	vmul.f32 v33, v56;
	v33 =	vld [tilespmem:s21+$0x5370];
	v11 =	vadd.f32 v11, v25  }
0x37a: {  	v34 =	vmul.f32 v34, v56;
	v26 =	vld [tilespmem:s21+$0x13E0];
	v1 =	vadd.f32 v31, v1  }
0x37b: {  	v56 =	vmul.f32 v24, v60;
	v24 =	vld [tilespmem:s21+$0x13F0];
	v27 =	vadd.f32 v14, v27;
	v10 =	vadd.f32 v10, v11  }
0x37c: {  	v28 =	vadd.f32 v34, v28;
	v14 =	vmul.f32 v32, v60;
	v25 =	vld [tilespmem:s21+$0x53E0];
	v1 =	vadd.f32 v19, v1  }
0x37d: {  	v32 =	vmul.f32 v36, v57;
	v34 =	vld [tilespmem:s21+$0x53F0];
	v23 =	vadd.f32 v56, v27;
	v2 =	vadd.f32 v2, v10  }
0x37e: {  	v28 =	vadd.f32 v14, v28;
	v56 =	vld [tilespmem:s21+$0x1460];
	v36 =	vmul.f32 v33, v57;
	v1 =	vadd.f32 v13, v1  }
0x37f: {  	v57 =	vld [tilespmem:s21+$0x1470];
	v22 =	vadd.f32 v32, v23;
	v7 =	vmul.f32 v26, v50;
	v2 =	vadd.f32 v35, v2  }
0x380: {  	v14 =	vld [tilespmem:s21+$0x5460];
	v24 =	vmul.f32 v24, v50;
	v60 =	vadd.f32 v36, v28;
	v0 =	vadd.f32 v0, v1  }
0x381: {  	v32 =	vmul.f32 v25, v48;
	v7 =	vadd.f32 v7, v22;
	v2 =	vadd.f32 v30, v2  }
0x382: {  	v34 =	vmul.f32 v34, v48;
	v36 =	vld [tilespmem:s21+$0x14E0];
	v24 =	vadd.f32 v24, v60;
	v0 =	vadd.f32 v12, v0  }
0x383: {  	v11 =	vmul.f32 v56, v21;
	v7 =	vadd.f32 v32, v7;
	v2 =	vadd.f32 v18, v2  }
0x384: {  	v56 =	vld [tilespmem:s21+$0x54E0];
	v23 =	vmul.f32 v57, v21;
	v50 =	vadd.f32 v34, v24;
	v0 =	vadd.f32 v20, v0  }
0x385: {  	v26 =	vld [tilespmem:s21+$0x1570];
	v10 =	vmul.f32 v14, v54;
	v7 =	vadd.f32 v11, v7;
	v2 =	vadd.f32 v8, v2  }
0x386: {  	v60 =	vadd.f32 v23, v50;
	v23 =	vld [tilespmem:s21+$0x1560];
	v0 =	vadd.f32 v40, v0  }
0x387: {  	v25 =	vmul.f32 v36, v47;
	v7 =	vadd.f32 v10, v7;
	v2 =	vadd.f32 v9, v2  }
0x388: {  	v0 =	vadd.f32 v38, v0  }
0x389: {  	v1 =	vadd.f32 v25, v7;
	v7 =	vmul.f32 v56, v17;
	v2 =	vadd.f32 v51, v2  }
0x38a: {  	v10 =	vmul.f32 v26, v3;
	v0 =	vadd.f32 v53, v0  }
0x38b: {  	v1 =	vadd.f32 v7, v1;
	v7 =	vmul.f32 v23, v3;
	v3 =	vld [tilespmem:$0x1FF30];
	v2 =	vadd.f32 v41, v2  }
0x38c: {  	v0 =	vadd.f32 v16, v0  }
0x38d: {  	v2 =	vadd.f32 v39, v2  }
0x38e: {  	v0 =	vadd.f32 v52, v0  }
0x38f: {  	v2 =	vadd.f32 v58, v2  }
0x390: {  	v0 =	vadd.f32 v3, v0;
	v3 =	vld [tilespmem:$0x1FF50]  }
0x391: {  	v2 =	vadd.f32 v55, v2;
	_ =	sdelay $0x1  }
0x392: {  	v2 =	vadd.f32 v15, v2;
	_ =	sdelay $0x1  }
0x393: {  	v2 =	vadd.f32 v3, v2;
	v3 =	vld [tilespmem:$0x1FF00];
	_ =	sdelay $0x4  }
0x394: {  	v0 =	vadd.f32 v3, v0;
	v3 =	vld [tilespmem:$0x1FF20];
	_ =	sdelay $0x4  }
0x395: {  	v2 =	vadd.f32 v3, v2;
	v3 =	vld [tilespmem:$0x1FEE0];
	_ =	sdelay $0x4  }
0x396: {  	v0 =	vadd.f32 v3, v0;
	v3 =	vld [tilespmem:$0x1FEF0];
	_ =	sdelay $0x4  }
0x397: {  	v2 =	vadd.f32 v3, v2;
	v3 =	vld [tilespmem:$0x1FEC0];
	_ =	sdelay $0x3  }
0x398: {  	v29 =	vld [tilespmem:s21+$0x15E0]  }
0x399: {  	v0 =	vadd.f32 v3, v0;
	v3 =	vld [tilespmem:$0x1FED0]  }
0x39a: {  	v27 =	vld [tilespmem:s21+$0x5560]  }
0x39b: {  	v33 =	vld [tilespmem:s21+$0x5470]  }
0x39c: {  	v28 =	vld [tilespmem:s21+$0x5570]  }
0x39d: {  	v48 =	vld [tilespmem:s21+$0x14F0]  }
0x39e: {  	v2 =	vadd.f32 v3, v2;
	v3 =	vld [tilespmem:$0x1FE90]  }
0x39f: {  	v31 =	vld [tilespmem:s21+$0x55E0]  }
0x3a0: {  	v14 =	vmul.f32 v33, v54;
	v54 =	vld [tilespmem:$0x1FF10]  }
0x3a1: {  	v34 =	vld [tilespmem:s21+$0x1660];
	v1 =	vadd.f32 v7, v1;
	v7 =	vmul.f32 v27, v61  }
0x3a2: {  	v30 =	vld [tilespmem:s21+$0x15F0]  }
0x3a3: {  	v1 =	vadd.f32 v7, v1;
	v7 =	vmul.f32 v29, v44;
	v0 =	vadd.f32 v3, v0;
	v3 =	vld [tilespmem:$0x1FEB0]  }
0x3a4: {  	v38 =	vld [tilespmem:s21+$0x5660]  }
0x3a5: {  	v50 =	vld [tilespmem:$0x1FF40];
	v1 =	vadd.f32 v7, v1;
	v7 =	vmul.f32 v31, v46  }
0x3a6: {  	v40 =	vld [tilespmem:s21+$0x16E0]  }
0x3a7: {  	v36 =	vmul.f32 v30, v44;
	v44 =	vld [tilespmem:s21+$0x56E0];
	v1 =	vadd.f32 v7, v1;
	v7 =	vmul.f32 v34, v42  }
0x3a8: {  	v2 =	vadd.f32 v3, v2;
	v3 =	vld [tilespmem:$0x1FE50]  }
0x3a9: {  	v57 =	vld [tilespmem:s21+$0x54F0];
	v1 =	vadd.f32 v7, v1;
	v7 =	vmul.f32 v38, v43  }
0x3aa: {  	v19 =	vmul.f32 v48, v47;
	v48 =	vld [tilespmem:s21+$0x1760]  }
0x3ab: {  	v21 =	vld [tilespmem:$0x1FEA0];
	v1 =	vadd.f32 v7, v1;
	v7 =	vmul.f32 v40, v50  }
0x3ac: {  	v53 =	vld [tilespmem:s21+$0x5760]  }
0x3ad: {  	v1 =	vadd.f32 v7, v1;
	v7 =	vmul.f32 v44, v54;
	v0 =	vadd.f32 v3, v0;
	v3 =	vld [tilespmem:$0x1FE70]  }
0x3ae: {  	v11 =	vmul.f32 v57, v17;
	v57 =	vld [tilespmem:s21+$0x17E0]  }
0x3af: {  	v22 =	vld [tilespmem:s21+$0x1870];
	v1 =	vadd.f32 v7, v1;
	v7 =	vmul.f32 v48, v45  }
0x3b0: {  	v33 =	vmul.f32 v28, v61;
	v61 =	vld [tilespmem:s21+$0x57E0]  }
0x3b1: {  	v20 =	vld [tilespmem:s21+$0x1860];
	v1 =	vadd.f32 v7, v1;
	v7 =	vmul.f32 v53, v49  }
0x3b2: {  	v2 =	vadd.f32 v3, v2;
	v3 =	vld [tilespmem:$0x1FE10]  }
0x3b3: {  	v1 =	vadd.f32 v7, v1;
	v7 =	vmul.f32 v57, v21;
	_ =	sdelay $0x1  }
0x3b4: {  	v1 =	vadd.f32 v7, v1;
	v7 =	vmul.f32 v61, v63;
	_ =	sdelay $0x1  }
0x3b5: {  	v1 =	vadd.f32 v7, v1;
	v7 =	vmul.f32 v20, v3;
	v30 =	vmul.f32 v22, v3;
	v3 =	vld [tilespmem:$0x1FE30];
	_ =	sdelay $0x2  }
0x3b6: {  	v28 =	vld [tilespmem:$0x1FE00];
	_ =	sdelay $0x1  }
0x3b7: {  	v2 =	vadd.f32 v3, v2;
	v3 =	vld [tilespmem:$0x1FDC0];
	_ =	sdelay $0x2  }
0x3b8: {  	v0 =	vadd.f32 v28, v0;
	_ =	sdelay $0x1  }
0x3b9: {  	v0 =	vadd.f32 v3, v0;
	v3 =	vld [tilespmem:$0x1FDE0];
	_ =	sdelay $0x4  }
0x3ba: {  	v2 =	vadd.f32 v3, v2;
	v3 =	vld [tilespmem:$0x1FD00];
	_ =	sdelay $0x4  }
0x3bb: {  	v0 =	vadd.f32 v3, v0;
	v3 =	vld [tilespmem:$0x1FD30]  }
0x3bc: {  	v35 =	vld [tilespmem:s21+$0x1670]  }
0x3bd: {  	v24 =	vld [tilespmem:s21+$0x5860]  }
0x3be: {  	v32 =	vld [tilespmem:s21+$0x55F0]  }
0x3bf: {  	v18 =	vld [tilespmem:s21+$0x57F0]  }
0x3c0: {  	v2 =	vadd.f32 v3, v2;
	v3 =	vld [tilespmem:$0x1FC30]  }
0x3c1: {  	v9 =	vmul.f32 v35, v42;
	v35 =	vld [tilespmem:s21+$0x1970]  }
0x3c2: {  	v13 =	vadd.f32 v14, v60;
	v51 =	vld [tilespmem:s21+$0x1770]  }
0x3c3: {  	v27 =	vld [tilespmem:s21+$0x18E0]  }
0x3c4: {  	v13 =	vadd.f32 v19, v13;
	v39 =	vld [tilespmem:s21+$0x5670]  }
0x3c5: {  	v0 =	vadd.f32 v3, v0;
	v3 =	vld [tilespmem:$0x1FC60]  }
0x3c6: {  	v11 =	vadd.f32 v11, v13;
	v29 =	vld [tilespmem:s21+$0x18F0]  }
0x3c7: {  	v31 =	vld [tilespmem:s21+$0x58E0]  }
0x3c8: {  	v10 =	vadd.f32 v10, v11;
	v38 =	vld [tilespmem:$0x1FC40]  }
0x3c9: {  	v34 =	vld [tilespmem:s21+$0x1960];
	v1 =	vadd.f32 v7, v1;
	v7 =	vmul.f32 v24, v62  }
0x3ca: {  	v10 =	vadd.f32 v33, v10;
	v2 =	vadd.f32 v3, v2;
	v3 =	vld [tilespmem:$0x1FBA0]  }
0x3cb: {  	v41 =	vld [tilespmem:s21+$0x16F0];
	v1 =	vadd.f32 v7, v1;
	v7 =	vmul.f32 v27, v37  }
0x3cc: {  	v8 =	vmul.f32 v32, v46;
	v10 =	vadd.f32 v36, v10;
	v55 =	vld [tilespmem:s21+$0x5770]  }
0x3cd: {  	v47 =	vmul.f32 v39, v43;
	v39 =	vld [tilespmem:s21+$0x5970];
	v1 =	vadd.f32 v7, v1;
	v7 =	vmul.f32 v31, v38  }
0x3ce: {  	v8 =	vadd.f32 v8, v10;
	v36 =	vmul.f32 v29, v37;
	v37 =	vld [tilespmem:s21+$0x5960]  }
0x3cf: {  	v1 =	vadd.f32 v7, v1;
	v7 =	vmul.f32 v34, v3;
	v44 =	vmul.f32 v35, v3;
	v3 =	vld [tilespmem:$0x1FB10]  }
0x3d0: {  	v46 =	vld [tilespmem:s21+$0x56F0]  }
0x3d1: {  	v58 =	vld [tilespmem:s21+$0x17F0];
	v8 =	vadd.f32 v9, v8  }
0x3d2: {  	v52 =	vmul.f32 v41, v50;
	v41 =	vld [tilespmem:s21+$0x19E0]  }
0x3d3: {  	v43 =	vld [tilespmem:s21+$0x19F0];
	v8 =	vadd.f32 v47, v8;
	v19 =	vmul.f32 v55, v49  }
0x3d4: {  	v1 =	vadd.f32 v7, v1;
	v7 =	vmul.f32 v37, v3;
	v49 =	vmul.f32 v39, v3;
	v3 =	vld [tilespmem:$0x1FA90]  }
0x3d5: {  	v42 =	vld [tilespmem:$0x1FB90]  }
0x3d6: {  	v56 =	vmul.f32 v46, v54;
	v46 =	vld [tilespmem:s21+$0x59E0];
	v8 =	vadd.f32 v52, v8  }
0x3d7: {  	v47 =	vld [tilespmem:$0x1FB00]  }
0x3d8: {  	v60 =	vmul.f32 v51, v45;
	v8 =	vadd.f32 v56, v8;
	v48 =	vld [tilespmem:s21+$0x59F0]  }
0x3d9: {  	v1 =	vadd.f32 v7, v1;
	v7 =	vmul.f32 v41, v3;
	v54 =	vmul.f32 v43, v3;
	v3 =	vld [tilespmem:$0x1FA20]  }
0x3da: {  	v52 =	vld [tilespmem:$0x1FA80]  }
0x3db: {  	v32 =	vld [tilespmem:s21+$0x58F0];
	v8 =	vadd.f32 v60, v8;
	v0 =	vadd.f32 v42, v0  }
0x3dc: {  	v57 =	vld [tilespmem:$0x1FA10]  }
0x3dd: {  	v25 =	vld [tilespmem:s21+$0x5870];
	v23 =	vmul.f32 v58, v21;
	v8 =	vadd.f32 v19, v8;
	v0 =	vadd.f32 v47, v0  }
0x3de: {  	v1 =	vadd.f32 v7, v1;
	v7 =	vmul.f32 v46, v3;
	v60 =	vmul.f32 v48, v3;
	v3 =	vld [tilespmem:$0x1F9B0]  }
0x3df: {  	v26 =	vmul.f32 v18, v63;
	v51 =	vld [tilespmem:s21+$0x1A60];
	v8 =	vadd.f32 v23, v8;
	v0 =	vadd.f32 v52, v0  }
0x3e0: {  	v45 =	vld [tilespmem:$0x1FBC0]  }
0x3e1: {  	v50 =	vld [tilespmem:$0x1FB30];
	v8 =	vadd.f32 v26, v8;
	v0 =	vadd.f32 v57, v0  }
0x3e2: {  	v53 =	vld [tilespmem:s21+$0x1A70]  }
0x3e3: {  	v33 =	vmul.f32 v25, v62;
	v8 =	vadd.f32 v30, v8;
	v0 =	vadd.f32 v3, v0;
	v3 =	vld [tilespmem:$0x1F9C0]  }
0x3e4: {  	v55 =	vld [tilespmem:$0x1FAA0]  }
0x3e5: {  	v58 =	vld [tilespmem:s21+$0x5A70];
	v8 =	vadd.f32 v33, v8;
	v2 =	vadd.f32 v45, v2  }
0x3e6: {  	v61 =	vld [tilespmem:$0x1FA30]  }
0x3e7: {  	s20 =	sshrl.u32 s20, $0x2;
	v40 =	vmul.f32 v32, v38;
	v56 =	vld [tilespmem:s21+$0x5A60];
	v8 =	vadd.f32 v36, v8;
	v2 =	vadd.f32 v50, v2  }
0x3e8: {  	[tilespmem:s20+$0x9280] =	vst v4;
	v4 =	vmul.f32 v51, v3;
	v62 =	vmul.f32 v53, v3;
	v3 =	vld [tilespmem:$0x1F9D0]  }
0x3e9: {  	v8 =	vadd.f32 v40, v8;
	v2 =	vadd.f32 v55, v2;
	_ =	sdelay $0x1  }
0x3ea: {  	[tilespmem:s20+$0x92A0] =	vst v5;
	v5 =	vld [tilespmem:$0x1F950];
	v8 =	vadd.f32 v44, v8;
	v2 =	vadd.f32 v61, v2  }
0x3eb: {  	[tilespmem:s20+$0x9290] =	vst v6;
	v6 =	vld [tilespmem:$0x1F960]  }
0x3ec: {  	v8 =	vadd.f32 v49, v8;
	v2 =	vadd.f32 v3, v2;
	v3 =	vld [tilespmem:$0x1F940];
	_ =	sdelay $0x1  }
0x3ed: {  	v8 =	vadd.f32 v54, v8;
	v1 =	vadd.f32 v7, v1;
	_ =	sdelay $0x1  }
0x3ee: {  	s19 =	sadd.s32 $0x1, s19;
	v7 =	vadd.f32 v60, v8;
	v1 =	vadd.f32 v4, v1  }
0x3ef: {  	p0 =	sne.s32 s19, $0x20;
	v2 =	vadd.f32 v6, v2;
	v0 =	vadd.f32 v3, v0;
	v3 =	vmul.f32 v56, v5  }
.Ltmp2:
0x3f0: {  	[tilespmem:s20+$0x92B0] =	vst v59;
	v4 =	vadd.f32 v62, v7;
	v5 =	vmul.f32 v58, v5;
	(pc) =	sbr.rel @p0 .LBB2_2-.Ltmp2, $4  }
0x3f1: {  	[tilespmem:s20+$0x92D0] =	vst v2;
	v1 =	vadd.f32 v3, v1  }
0x3f2: {  	[tilespmem:s20+$0x92C0] =	vst v0;
	v63 =	vadd.f32 v5, v4  }
0x3f3: {  	[tilespmem:s20+$0x92E0] =	vst v1  }
0x3f4: {  	s18 =	sadd.s32 $0x80, s18;
	v4 =	vld [tilespmem:$0x1FFF0];
	[tilespmem:s20+$0x92F0] =	vst v63  }
0x3f5: {  	s17 =	sadd.s32 $0x1, s17  }
0x3f6: {  	p0 =	sne.s32 s17, s7  }
.Ltmp3:
0x3f7: {  	_ = 	snop;
	(pc) =	sbr.rel @p0 .LBB2_1-.Ltmp3, $4  }
0x3f8: {  	[hbm4b:s6+s3] =	stream.linear.scatter [tilespmem:s16], [sflag:$0x2], $0x1000, $0x38;
	[tilespmem:$0xA280] =	vst v63  }
0x3f9: {  	_ =	swait.ge [sflag:s8], $0x1000  }
0x3fa: {  	[sflag:s8] =	ssyncset.done $0x0  }
0x3fb: {  	[sflag:s8] =	ssyncadd.s32 $0xFFFFF000  }
0x3fc: {  	_ =	sfence.sel $0x180000  }
0x3fd: {  	[bflag:$0x0] =	sbarrier.arrive $0xFFFF  }
0x3fe: {  	p0 =	sne.s32 s2, $0x0;
	_ =	strace $0x90000047  }
0x3ff: {  	s0 =	sadd.s32 @!p0 $0x100000, s0;
	[bflag:$0x2] =	sbarrier.arrive $0xFFFF  }
0x400: {  	[sflag:s0] =	ssyncadd.tile.s32 @!p0 $0x1;
	_ =	shalt  }
.Lfunc_end2:
_tile_overlayer_lowered:
.L_overlay_start_2:
0x401: {  	(tag) =	ssettag $0x2  }
0x402: {  	s0 =	rddreg [dreg:$0x0];
	s2 =	stileid.u32  }
0x403: {  	s1 =	rddreg [dreg:$0x1];
	p0 =	sne.s32 s2, $0x0  }
0x404: {  	s3 =	rddreg [dreg:$0x2];
	[bflag:$0x3] =	sbarrier.arrive $0xFFFF;
	s2 =	simm.s32 @!p0 $0x1C02  }
0x405: {  	[timem:s3], [sflag:s2] =	dma.local @!p0 [hbm:s0], s1  }
0x406: {  	s0 =	simm.s32 @!p0 $0x2  }
0x407: {  	_ =	swait.ge @!p0 [sflag:s0], s1  }
0x408: {  	s1 =	ssub.s32 @!p0 $0x0, s1;
	[sflag:s0] =	ssyncset.done @!p0 $0x0  }
0x409: {  	[sflag:s0] =	ssyncadd.s32 @!p0 s1  }
0x40a: {  	[bflag:$0x3] =	sbarrier.arrive $0xFFFF  }
0x40b: {  	_ =	shalt  }

</sc_bundles>
